<compile_context>
chip_gen: v7x
topology: tpu7x:2x2x1
jax: 0.10.2.dev20260603
libtpu: 0.0.44.dev20260713+nightly
codegen_flags: <defaults>
</compile_context>

<pallas_src>
import functools
import math

import jax
import jax.numpy as jnp
from jax import lax
from jax.experimental import pallas as pl
from jax.experimental.pallas import tpu as pltpu
from jax.experimental.pallas import tpu_sc as plsc

D = 512
H = 8
DH = 64
FF = 2048
SQRT_D = math.sqrt(512.0)


def _fdot(a, b):
    return jnp.dot(a, b, preferred_element_type=jnp.float32)


def _fdot_t(a, b):
    return lax.dot_general(a, b, (((1,), (1,)), ((), ())),
                           preferred_element_type=jnp.float32)


def _ln(x, g, b):
    m = jnp.mean(x, axis=1, keepdims=True)
    c = x - m
    v = jnp.mean(c * c, axis=1, keepdims=True)
    return c * lax.rsqrt(v + 1e-5) * g + b


def _enc_kernel(S, T, *refs):
    if S == 1:
        (tok_ref, emb_ref, pos_ref, wq_ref, wk_ref, wv_ref,
         wo_ref, w1_ref, b1_ref, w2_ref, b2_ref, g1_ref, be1_ref,
         g2_ref, be2_ref, enc_ref, pool_ref) = refs
        segb_ref = None
    else:
        (tok_ref, emb_ref, pos_ref, segb_ref, wq_ref, wk_ref, wv_ref,
         wo_ref, w1_ref, b1_ref, w2_ref, b2_ref, g1_ref, be1_ref,
         g2_ref, be2_ref, enc_ref, pool_ref) = refs
    R = S * T
    tok = tok_ref[0, 0]
    mask_row = (tok != 0).reshape(1, R)
    kb = jnp.where(mask_row, 0.0, -1e9)
    if S == 1:
        x = emb_ref[0] * SQRT_D + pos_ref[...]
        bias = kb
    else:
        x = (emb_ref[0].reshape(S, T, D) * SQRT_D
             + pos_ref[...][None]).reshape(R, D)
        bias = segb_ref[...] + kb
    h = _ln(x, g1_ref[...], be1_ref[...])
    q = _fdot(h, wq_ref[...]) * 0.125
    k = _fdot(h, wk_ref[...])
    v = _fdot(h, wv_ref[...])
    R2 = q.shape[0]
    ones_col = jnp.ones((R2, 1), jnp.float32)
    ohs = []
    for hd in range(H):
        s = hd * DH
        sc = _fdot_t(q[:, s:s + DH], k[:, s:s + DH]) + bias
        ex = jnp.exp(sc)
        va = jnp.concatenate([v[:, s:s + DH], ones_col], axis=1)
        oa = _fdot(ex, va)
        ohs.append(oa[:, :DH] * (1.0 / oa[:, DH:DH + 1]))
    acc = x + _fdot(jnp.concatenate(ohs, axis=1), wo_ref[...])
    h2 = _ln(acc, g2_ref[...], be2_ref[...])
    f = jnp.maximum(_fdot(h2, w1_ref[...]) + b1_ref[...], 0.0)
    out = acc + _fdot(f, w2_ref[...]) + b2_ref[...]
    enc_m = out * jnp.transpose(mask_row.astype(jnp.float32))
    enc_ref[0] = enc_m
    lens = jnp.sum(mask_row.astype(jnp.float32).reshape(S, T), axis=1,
                   keepdims=True)
    pool = jnp.sum(enc_m.reshape(S, T, D), axis=1)
    pool_ref[0] = pool * lax.rsqrt(
        jnp.float32(D) * jnp.maximum(lens, 1.0))


def _encode(tokens3, emb_rows, pos_t, p, B, T, S):
    G = B // S
    R = S * T
    const = lambda i: (0, 0)
    body = functools.partial(_enc_kernel, S, T)
    seg_specs = []
    seg_ins = []
    if S > 1:
        seg_specs = [pl.BlockSpec((R, R), const)]
        ri = lax.broadcasted_iota(jnp.int32, (R, R), 0) // T
        ci = lax.broadcasted_iota(jnp.int32, (R, R), 1) // T
        seg_ins = [jnp.where(ri == ci, 0.0, -1e9).astype(jnp.float32)]
    enc, pool = pl.pallas_call(
        body,
        grid=(G,),
        in_specs=[
            pl.BlockSpec((1, 1, R), lambda i: (i, 0, 0)),
            pl.BlockSpec((1, R, D), lambda i: (i, 0, 0)),
            pl.BlockSpec((T, D), const),
        ] + seg_specs + [
            pl.BlockSpec((D, D), const),
            pl.BlockSpec((D, D), const),
            pl.BlockSpec((D, D), const),
            pl.BlockSpec((D, D), const),
            pl.BlockSpec((D, FF), const),
            pl.BlockSpec((1, FF), const),
            pl.BlockSpec((FF, D), const),
            pl.BlockSpec((1, D), const),
            pl.BlockSpec((1, D), const),
            pl.BlockSpec((1, D), const),
            pl.BlockSpec((1, D), const),
            pl.BlockSpec((1, D), const),
        ],
        out_specs=[
            pl.BlockSpec((1, R, D), lambda i: (i, 0, 0)),
            pl.BlockSpec((1, S, D), lambda i: (i, 0, 0)),
        ],
        out_shape=[
            jax.ShapeDtypeStruct((G, R, D), jnp.float32),
            jax.ShapeDtypeStruct((G, S, D), jnp.float32),
        ],
    )(tokens3, emb_rows, pos_t, *seg_ins,
      p['Wq'], p['Wk'], p['Wv'], p['Wo'],
      p['W1'], p['b1'].reshape(1, FF), p['W2'], p['b2'].reshape(1, D),
      p['g1'].reshape(1, D), p['be1'].reshape(1, D),
      p['g2'].reshape(1, D), p['be2'].reshape(1, D))
    return enc, pool


def _select_kernel(ku_ref, cu_ref, ckm_ref, cs_ref, use_ref, sel_ref,
                   cka_ref):
    N, K, _ = ku_ref.shape
    ku = ku_ref[...]
    cu = cu_ref[...]
    ck = jnp.sum(ku * cu[:, None, :], axis=2)
    valid = ckm_ref[...] != 0
    ckm = jnp.where(valid, ck, -1e9)
    mx = jnp.max(ckm, axis=1, keepdims=True)
    iota = lax.broadcasted_iota(jnp.int32, (N, K), 1)
    am = jnp.min(jnp.where(ckm == mx, iota, K), axis=1, keepdims=True)
    ids = jnp.where(use_ref[0, 0] != 0, cs_ref[...], am)
    iota_n = lax.broadcasted_iota(jnp.int32, (N, N), 1)
    oh = (ids == iota_n).astype(jnp.float32)
    sel_f = lax.dot_general(oh, ids.astype(jnp.float32),
                            (((1,), (0,)), ((), ())),
                            preferred_element_type=jnp.float32)
    sel_ref[...] = sel_f.astype(jnp.int32)
    cka_ref[...] = jnp.where(valid, ck, 0.0)


def _select(know_use, ctx_use, ck_mask_i, cs_ids2, use_flag):
    N, K, _ = know_use.shape
    sel, cka = pl.pallas_call(
        _select_kernel,
        grid=(1,),
        in_specs=[
            pl.BlockSpec((N, K, D), lambda i: (0, 0, 0)),
            pl.BlockSpec((N, D), lambda i: (0, 0)),
            pl.BlockSpec((N, K), lambda i: (0, 0)),
            pl.BlockSpec((N, 1), lambda i: (0, 0)),
            pl.BlockSpec((1, 1), lambda i: (0, 0)),
        ],
        out_specs=[
            pl.BlockSpec((N, 1), lambda i: (0, 0)),
            pl.BlockSpec((N, K), lambda i: (0, 0)),
        ],
        out_shape=[
            jax.ShapeDtypeStruct((N, 1), jnp.int32),
            jax.ShapeDtypeStruct((N, K), jnp.float32),
        ],
    )(know_use, ctx_use, ck_mask_i, cs_ids2, use_flag)
    return sel, cka


def _gc_kernel(sel_ref, kenc_ref, ktok_ref, cenc_ref, stok_ref, enc_ref,
               mask_ref):
    Tk = kenc_ref.shape[2]
    enc_ref[0, :Tk] = kenc_ref[0, 0]
    enc_ref[0, Tk:] = cenc_ref[0]
    mask_ref[0, 0, :Tk] = (ktok_ref[0, 0, 0] != 0).astype(jnp.int32)
    mask_ref[0, 0, Tk:] = (stok_ref[0, 0] != 0).astype(jnp.int32)


def _gather_concat(sel, know_enc4, know_tok4, ctx_enc, src_tok3):
    N, K, Tk, _ = know_enc4.shape
    Ts = ctx_enc.shape[1]
    Tf = Tk + Ts
    grid_spec = pltpu.PrefetchScalarGridSpec(
        num_scalar_prefetch=1,
        grid=(N,),
        in_specs=[
            pl.BlockSpec((1, 1, Tk, D), lambda n, s: (n, s[n], 0, 0)),
            pl.BlockSpec((1, 1, 1, Tk), lambda n, s: (n, s[n], 0, 0)),
            pl.BlockSpec((1, Ts, D), lambda n, s: (n, 0, 0)),
            pl.BlockSpec((1, 1, Ts), lambda n, s: (n, 0, 0)),
        ],
        out_specs=[
            pl.BlockSpec((1, Tf, D), lambda n, s: (n, 0, 0)),
            pl.BlockSpec((1, 1, Tf), lambda n, s: (n, 0, 0)),
        ],
    )
    enc, mask_i = pl.pallas_call(
        _gc_kernel,
        grid_spec=grid_spec,
        out_shape=[
            jax.ShapeDtypeStruct((N, Tf, D), jnp.float32),
            jax.ShapeDtypeStruct((N, 1, Tf), jnp.int32),
        ],
    )(sel, know_enc4, know_tok4, ctx_enc, src_tok3)
    return enc, mask_i


def _embed_rows(table, idx):
    B = idx.shape[0]
    info = plsc.get_sparse_core_info()
    NC, NS = info.num_cores, info.num_subcores
    NW = NC * NS
    b_per_w = B // NW
    CH = 64
    nch = b_per_w // CH

    NBUF = 3
    mesh = plsc.VectorSubcoreMesh(core_axis_name="c", subcore_axis_name="s")

    @functools.partial(
        pl.kernel, mesh=mesh,
        out_type=jax.ShapeDtypeStruct((B, D), jnp.float32),
        scratch_types=(
            [pltpu.VMEM((b_per_w,), jnp.int32)]
            + [pltpu.VMEM((CH, D), jnp.float32)] * NBUF
            + [pltpu.SemaphoreType.DMA] * (2 * NBUF)
        ),
    )
    def gk(table_hbm, idx_hbm, out_hbm, idx_v, *bufs_sems):
        bufs = bufs_sems[:NBUF]
        gsems = bufs_sems[NBUF:2 * NBUF]
        osems = bufs_sems[2 * NBUF:]
        wid = lax.axis_index("s") * NC + lax.axis_index("c")
        base = wid * b_per_w
        pltpu.sync_copy(idx_hbm.at[pl.ds(base, b_per_w)], idx_v)
        gcopies = [None] * nch
        ocopies = [None] * nch
        for c in range(nch):
            if c >= NBUF:
                ocopies[c - NBUF].wait()
            gcopies[c] = pltpu.async_copy(
                table_hbm.at[idx_v.at[pl.ds(c * CH, CH)]],
                bufs[c % NBUF], gsems[c % NBUF])
            if c >= 1:
                gcopies[c - 1].wait()
                ocopies[c - 1] = pltpu.async_copy(
                    bufs[(c - 1) % NBUF],
                    out_hbm.at[pl.ds(base + (c - 1) * CH, CH)],
                    osems[(c - 1) % NBUF])
        gcopies[nch - 1].wait()
        ocopies[nch - 1] = pltpu.async_copy(
            bufs[(nch - 1) % NBUF],
            out_hbm.at[pl.ds(base + (nch - 1) * CH, CH)],
            osems[(nch - 1) % NBUF])
        for c in range(max(0, nch - NBUF), nch):
            if ocopies[c] is not None and c >= nch - NBUF:
                ocopies[c].wait()

    return gk(table, idx)


def kernel(src_tokens, know_tokens, ck_mask, cs_ids, use_cs_ids, params):
    p = params
    src = src_tokens.astype(jnp.int32)
    know = know_tokens.astype(jnp.int32)
    N, Ts = src.shape
    _, K, Tk = know.shape
    S_K = 4
    ctx_rows = _embed_rows(p['emb'], src.reshape(-1)).reshape(N, Ts, D)
    know_rows = _embed_rows(p['emb'], know.reshape(-1)).reshape(
        N * K // S_K, S_K * Tk, D)
    ctx_enc, ctx_pool = _encode(src.reshape(N, 1, Ts), ctx_rows,
                                p['pos'][:Ts], p, N, Ts, 1)
    know_enc, know_pool = _encode(
        know.reshape(N * K // S_K, 1, S_K * Tk), know_rows,
        p['pos'][:Tk], p, N * K, Tk, S_K)
    use_flag = jnp.asarray(use_cs_ids, jnp.int32).reshape(1, 1)
    sel2, cka = _select(know_pool.reshape(N, K, D), ctx_pool.reshape(N, D),
                        ck_mask.astype(jnp.int32), cs_ids.astype(
                            jnp.int32).reshape(N, 1), use_flag)
    full_enc, full_mask_i = _gather_concat(
        sel2.reshape(N), know_enc.reshape(N, K, Tk, D),
        know.reshape(N, K, 1, Tk), ctx_enc, src.reshape(N, 1, Ts))
    return full_enc, full_mask_i.reshape(N, Tk + Ts) != 0, cka

# --- scband reference (transcript-rebuilt; emitter-appended) ---
"""Pipeline reference for scband-context-knowledge-encoder-44805098832164 (READ-ONLY COPY).

The authoritative reference and input builder live on the scoring server;
editing this copy changes nothing except your own understanding.
"""

import jax, jax.numpy as jnp
import numpy as np

V = 32000
D = 512
H = 8
FF = 2048
MAXLEN = 512


def _ln(x, g, b):
    m = jnp.mean(x, axis=-1, keepdims=True)
    v = jnp.var(x, axis=-1, keepdims=True)
    return (x - m) / jnp.sqrt(v + 1e-5) * g + b


def _transformer(tokens, p):
    mask = tokens != 0
    B, T = tokens.shape
    x = jnp.take(p['emb'], tokens, axis=0) * jnp.sqrt(float(D)) + p['pos'][:T][None, :, :]
    h = _ln(x, p['g1'], p['be1'])
    dh = D // H
    q = (h @ p['Wq']).reshape(B, T, H, dh).transpose(0, 2, 1, 3)
    k = (h @ p['Wk']).reshape(B, T, H, dh).transpose(0, 2, 1, 3)
    v = (h @ p['Wv']).reshape(B, T, H, dh).transpose(0, 2, 1, 3)
    scores = jnp.einsum('bhqd,bhkd->bhqk', q, k) / jnp.sqrt(float(dh))
    scores = jnp.where(mask[:, None, None, :], scores, -1e9)
    a = jax.nn.softmax(scores, axis=-1)
    o = jnp.einsum('bhqk,bhkd->bhqd', a, v).transpose(0, 2, 1, 3).reshape(B, T, D)
    x = x + o @ p['Wo']
    h2 = _ln(x, p['g2'], p['be2'])
    x = x + jax.nn.relu(h2 @ p['W1'] + p['b1']) @ p['W2'] + p['b2']
    return x, mask


def _forward(src_tokens, know_tokens, ck_mask, cs_ids, use_cs_ids, params):
    ctx_enc, ctx_mask = _transformer(src_tokens, params)
    N, K, Tk = know_tokens.shape
    know_flat = know_tokens.reshape(N * K, Tk)
    know_enc, know_mask = _transformer(know_flat, params)
    Dm = ctx_enc.shape[-1]
    know_enc = know_enc.reshape(N, K, Tk, Dm)
    know_mask = know_mask.reshape(N, K, Tk)
    # masked mean-like pooling with divisor sqrt(embed_dim * length), as in nested sum + divisor
    ctx_len = ctx_mask.sum(axis=1)
    ctx_use = (ctx_enc * ctx_mask[..., None].astype(ctx_enc.dtype)).sum(axis=1)
    ctx_use = ctx_use / jnp.sqrt(float(Dm) * jnp.maximum(ctx_len, 1).astype(jnp.float32))[:, None]
    know_len = know_mask.sum(axis=2)
    know_use = (know_enc * know_mask[..., None].astype(know_enc.dtype)).sum(axis=2)
    know_use = know_use / jnp.sqrt(float(Dm) * jnp.maximum(know_len, 1).astype(jnp.float32))[..., None]
    # per-example attention over knowledge candidates (nested mv)
    ck_attn = jnp.einsum('nkd,nd->nk', know_use, ctx_use)
    valid_k = ck_mask.astype(bool)
    ck_attn_masked = jnp.where(valid_k, ck_attn, -1e9)
    ids = jnp.where(use_cs_ids != 0, cs_ids, jnp.argmax(ck_attn_masked, axis=1))
    # faithful to original indexing cs_ids[cs_ids[i]]
    sel = jnp.take(ids, ids)
    cs_enc = jnp.take_along_axis(know_enc, sel[:, None, None, None], axis=1)[:, 0]
    cs_mask = jnp.take_along_axis(know_mask, sel[:, None, None], axis=1)[:, 0]
    cs_enc = cs_enc * cs_mask[..., None].astype(cs_enc.dtype)
    ctx_enc_z = ctx_enc * ctx_mask[..., None].astype(ctx_enc.dtype)
    full_enc = jnp.concatenate([cs_enc, ctx_enc_z], axis=1)
    full_mask = jnp.concatenate([cs_mask, ctx_mask], axis=1)
    ck_attn_out = jnp.where(valid_k, ck_attn, 0.0)
    return full_enc, full_mask, ck_attn_out


def setup_inputs(seed: int = 0):
    key = jax.random.key(seed)
    ks = jax.random.split(key, 16)
    N, Ts, K, Tk = 16, 512, 8, 128
    src_tokens = jax.random.randint(ks[0], (N, Ts), 0, V)
    know_tokens = jax.random.randint(ks[1], (N, K, Tk), 0, V)
    ck_mask = jnp.ones((N, K), dtype=bool)
    cs_ids = jax.random.randint(ks[2], (N,), 0, K)
    ws = 1.0 / np.sqrt(D)
    params = {
        'emb': 0.02 * jax.random.normal(ks[3], (V, D), dtype=jnp.float32),
        'pos': 0.02 * jax.random.normal(ks[4], (MAXLEN, D), dtype=jnp.float32),
        'Wq': ws * jax.random.normal(ks[5], (D, D), dtype=jnp.float32),
        'Wk': ws * jax.random.normal(ks[6], (D, D), dtype=jnp.float32),
        'Wv': ws * jax.random.normal(ks[7], (D, D), dtype=jnp.float32),
        'Wo': ws * jax.random.normal(ks[8], (D, D), dtype=jnp.float32),
        'W1': ws * jax.random.normal(ks[9], (D, FF), dtype=jnp.float32),
        'b1': jnp.zeros((FF,), dtype=jnp.float32),
        'W2': (1.0 / np.sqrt(FF)) * jax.random.normal(ks[10], (FF, D), dtype=jnp.float32),
        'b2': jnp.zeros((D,), dtype=jnp.float32),
        'g1': jnp.ones((D,), dtype=jnp.float32),
        'be1': jnp.zeros((D,), dtype=jnp.float32),
        'g2': jnp.ones((D,), dtype=jnp.float32),
        'be2': jnp.zeros((D,), dtype=jnp.float32),
    }
    return {'src_tokens': src_tokens, 'know_tokens': know_tokens, 'ck_mask': ck_mask, 'cs_ids': cs_ids, 'use_cs_ids': 0, 'params': params}


def reference(src_tokens, know_tokens, ck_mask, cs_ids, use_cs_ids, params):
    return _forward(src_tokens, know_tokens, ck_mask, cs_ids, use_cs_ids, params)

if __name__ == "__main__":
    import jax
    _d = setup_inputs()
    print(jax.jit(kernel)(*tuple(_d.values())))

</pallas_src>

<mosaic_0001>
#map = affine_map<(d0, d1) -> (0, 0)>
#map1 = affine_map<(d0, d1) -> (0)>
module attributes {stable_mosaic.version = 14 : i64} {
  func.func @gk(%arg0: i32, %arg1: i32, %arg2: memref<32000x512xf32, #tpu.memory_space<hbm>>, %arg3: memref<8192xi32, #tpu.memory_space<hbm>>, %arg4: memref<8192x512xf32, #tpu.memory_space<hbm>>, %arg5: memref<256xi32, #tpu.memory_space<vmem>>, %arg6: memref<64x512xf32, #tpu.memory_space<vmem>>, %arg7: memref<64x512xf32, #tpu.memory_space<vmem>>, %arg8: memref<64x512xf32, #tpu.memory_space<vmem>>, %arg9: memref<!tpu.dma_semaphore, #tpu.memory_space<semaphore_mem>>, %arg10: memref<!tpu.dma_semaphore, #tpu.memory_space<semaphore_mem>>, %arg11: memref<!tpu.dma_semaphore, #tpu.memory_space<semaphore_mem>>, %arg12: memref<!tpu.dma_semaphore, #tpu.memory_space<semaphore_mem>>, %arg13: memref<!tpu.dma_semaphore, #tpu.memory_space<semaphore_mem>>, %arg14: memref<!tpu.dma_semaphore, #tpu.memory_space<semaphore_mem>>) attributes {dimension_semantics = [#tpu.dimension_semantics<core_parallel>, #tpu.dimension_semantics<subcore_parallel>], iteration_bounds = array<i64: 2, 16>, scalar_prefetch = 0 : i64, scratch_operands = 10 : i64, tpu.core_type = #tpu.core_type<sc_vector_subcore>, window_params = [{transform_indices = #map}, {transform_indices = #map1}, {transform_indices = #map}]} {
    %mul3A = arith.constant 2 : i32
    %mul3A_0 = arith.muli %arg1, %mul3A : i32
    %add3A = arith.addi %mul3A_0, %arg0 : i32
    %mul3A_1 = arith.constant 256 : i32
    %mul3A_2 = arith.muli %add3A, %mul3A_1 : i32
    "tpu.region"() ({
      %run_scoped3A = tpu.sem_alloc : memref<!tpu.dma_semaphore, #tpu.memory_space<semaphore_mem>>
      %dma_start3A_81 = tpu.memref_slice %arg3[%mul3A_2] : memref<8192xi32, #tpu.memory_space<hbm>> -> memref<256xi32, #tpu.memory_space<hbm>>
      %dma_start3A_82 = tpu.memref_slice %arg3[%mul3A_2] : memref<8192xi32, #tpu.memory_space<hbm>> -> memref<256xi32, #tpu.memory_space<hbm>>
      tpu.enqueue_dma source(%dma_start3A_82 : memref<256xi32, #tpu.memory_space<hbm>>) target(%arg5 : memref<256xi32, #tpu.memory_space<vmem>>) target_semaphore(%run_scoped3A : memref<!tpu.dma_semaphore, #tpu.memory_space<semaphore_mem>>)
      %dma_wait3A_83 = tpu.memref_slice %arg3[%mul3A_2] : memref<8192xi32, #tpu.memory_space<hbm>> -> memref<256xi32, #tpu.memory_space<hbm>>
      %dma_wait3A_84 = tpu.memref_slice %arg3[%mul3A_2] : memref<8192xi32, #tpu.memory_space<hbm>> -> memref<256xi32, #tpu.memory_space<hbm>>
      tpu.wait_dma2 semaphore(%run_scoped3A : memref<!tpu.dma_semaphore, #tpu.memory_space<semaphore_mem>>) src(%dma_wait3A_84 : memref<256xi32, #tpu.memory_space<hbm>>) dst(%arg5 : memref<256xi32, #tpu.memory_space<vmem>>)
      tpu.yield
    }) : () -> ()
    %dma_start3A = arith.constant 0 : i32
    %dma_start3A_3 = tpu.memref_slice %arg5[%dma_start3A] : memref<256xi32, #tpu.memory_space<vmem>> -> memref<64xi32, #tpu.memory_space<vmem>>
    %dma_start3A_4 = arith.constant 0 : i32
    %dma_start3A_5 = arith.constant 0 : i32
    %dma_start3A_6 = tpu.memref_slice %arg2[%dma_start3A_4, %dma_start3A_5] : memref<32000x512xf32, #tpu.memory_space<hbm>> -> memref<32000x512xf32, #tpu.memory_space<hbm>>
    tpu.enqueue_indirect_dma source(%dma_start3A_6 : memref<32000x512xf32, #tpu.memory_space<hbm>>) target(%arg6 : memref<64x512xf32, #tpu.memory_space<vmem>>) offsets(%dma_start3A_3 : memref<64xi32, #tpu.memory_space<vmem>>) semaphore(%arg9 : memref<!tpu.dma_semaphore, #tpu.memory_space<semaphore_mem>>)
    %dma_start3A_7 = arith.constant 64 : i32
    %dma_start3A_8 = tpu.memref_slice %arg5[%dma_start3A_7] : memref<256xi32, #tpu.memory_space<vmem>> -> memref<64xi32, #tpu.memory_space<vmem>>
    %dma_start3A_9 = arith.constant 0 : i32
    %dma_start3A_10 = arith.constant 0 : i32
    %dma_start3A_11 = tpu.memref_slice %arg2[%dma_start3A_9, %dma_start3A_10] : memref<32000x512xf32, #tpu.memory_space<hbm>> -> memref<32000x512xf32, #tpu.memory_space<hbm>>
    tpu.enqueue_indirect_dma source(%dma_start3A_11 : memref<32000x512xf32, #tpu.memory_space<hbm>>) target(%arg7 : memref<64x512xf32, #tpu.memory_space<vmem>>) offsets(%dma_start3A_8 : memref<64xi32, #tpu.memory_space<vmem>>) semaphore(%arg10 : memref<!tpu.dma_semaphore, #tpu.memory_space<semaphore_mem>>)
    %dma_wait3A = arith.constant 0 : i32
    %dma_wait3A_12 = tpu.memref_slice %arg5[%dma_wait3A] : memref<256xi32, #tpu.memory_space<vmem>> -> memref<64xi32, #tpu.memory_space<vmem>>
    %dma_wait3A_13 = arith.constant 0 : i32
    %dma_wait3A_14 = arith.constant 0 : i32
    %dma_wait3A_15 = tpu.memref_slice %arg2[%dma_wait3A_13, %dma_wait3A_14] : memref<32000x512xf32, #tpu.memory_space<hbm>> -> memref<32000x512xf32, #tpu.memory_space<hbm>>
    tpu.wait_indirect_dma semaphore(%arg9 : memref<!tpu.dma_semaphore, #tpu.memory_space<semaphore_mem>>) src(%dma_wait3A_15 : memref<32000x512xf32, #tpu.memory_space<hbm>>) dst(%arg6 : memref<64x512xf32, #tpu.memory_space<vmem>>)
    %add3A_16 = arith.constant 0 : i32
    %add3A_17 = arith.addi %mul3A_2, %add3A_16 : i32
    %dma_start3A_18 = arith.constant 0 : i32
    %dma_start3A_19 = tpu.memref_slice %arg4[%add3A_17, %dma_start3A_18] : memref<8192x512xf32, #tpu.memory_space<hbm>> -> memref<64x512xf32, #tpu.memory_space<hbm>>
    %dma_start3A_20 = arith.constant 0 : i32
    %dma_start3A_21 = tpu.memref_slice %arg4[%add3A_17, %dma_start3A_20] : memref<8192x512xf32, #tpu.memory_space<hbm>> -> memref<64x512xf32, #tpu.memory_space<hbm>>
    tpu.enqueue_dma source(%arg6 : memref<64x512xf32, #tpu.memory_space<vmem>>) target(%dma_start3A_21 : memref<64x512xf32, #tpu.memory_space<hbm>>) target_semaphore(%arg12 : memref<!tpu.dma_semaphore, #tpu.memory_space<semaphore_mem>>)
    %dma_start3A_22 = arith.constant 128 : i32
    %dma_start3A_23 = tpu.memref_slice %arg5[%dma_start3A_22] : memref<256xi32, #tpu.memory_space<vmem>> -> memref<64xi32, #tpu.memory_space<vmem>>
    %dma_start3A_24 = arith.constant 0 : i32
    %dma_start3A_25 = arith.constant 0 : i32
    %dma_start3A_26 = tpu.memref_slice %arg2[%dma_start3A_24, %dma_start3A_25] : memref<32000x512xf32, #tpu.memory_space<hbm>> -> memref<32000x512xf32, #tpu.memory_space<hbm>>
    tpu.enqueue_indirect_dma source(%dma_start3A_26 : memref<32000x512xf32, #tpu.memory_space<hbm>>) target(%arg8 : memref<64x512xf32, #tpu.memory_space<vmem>>) offsets(%dma_start3A_23 : memref<64xi32, #tpu.memory_space<vmem>>) semaphore(%arg11 : memref<!tpu.dma_semaphore, #tpu.memory_space<semaphore_mem>>)
    %dma_wait3A_27 = arith.constant 64 : i32
    %dma_wait3A_28 = tpu.memref_slice %arg5[%dma_wait3A_27] : memref<256xi32, #tpu.memory_space<vmem>> -> memref<64xi32, #tpu.memory_space<vmem>>
    %dma_wait3A_29 = arith.constant 0 : i32
    %dma_wait3A_30 = arith.constant 0 : i32
    %dma_wait3A_31 = tpu.memref_slice %arg2[%dma_wait3A_29, %dma_wait3A_30] : memref<32000x512xf32, #tpu.memory_space<hbm>> -> memref<32000x512xf32, #tpu.memory_space<hbm>>
    tpu.wait_indirect_dma semaphore(%arg10 : memref<!tpu.dma_semaphore, #tpu.memory_space<semaphore_mem>>) src(%dma_wait3A_31 : memref<32000x512xf32, #tpu.memory_space<hbm>>) dst(%arg7 : memref<64x512xf32, #tpu.memory_space<vmem>>)
    %add3A_32 = arith.constant 64 : i32
    %add3A_33 = arith.addi %mul3A_2, %add3A_32 : i32
    %dma_start3A_34 = arith.constant 0 : i32
    %dma_start3A_35 = tpu.memref_slice %arg4[%add3A_33, %dma_start3A_34] : memref<8192x512xf32, #tpu.memory_space<hbm>> -> memref<64x512xf32, #tpu.memory_space<hbm>>
    %dma_start3A_36 = arith.constant 0 : i32
    %dma_start3A_37 = tpu.memref_slice %arg4[%add3A_33, %dma_start3A_36] : memref<8192x512xf32, #tpu.memory_space<hbm>> -> memref<64x512xf32, #tpu.memory_space<hbm>>
    tpu.enqueue_dma source(%arg7 : memref<64x512xf32, #tpu.memory_space<vmem>>) target(%dma_start3A_37 : memref<64x512xf32, #tpu.memory_space<hbm>>) target_semaphore(%arg13 : memref<!tpu.dma_semaphore, #tpu.memory_space<semaphore_mem>>)
    %dma_wait3A_38 = arith.constant 0 : i32
    %dma_wait3A_39 = tpu.memref_slice %arg4[%add3A_17, %dma_wait3A_38] : memref<8192x512xf32, #tpu.memory_space<hbm>> -> memref<64x512xf32, #tpu.memory_space<hbm>>
    %dma_wait3A_40 = arith.constant 0 : i32
    %dma_wait3A_41 = tpu.memref_slice %arg4[%add3A_17, %dma_wait3A_40] : memref<8192x512xf32, #tpu.memory_space<hbm>> -> memref<64x512xf32, #tpu.memory_space<hbm>>
    tpu.wait_dma2 semaphore(%arg12 : memref<!tpu.dma_semaphore, #tpu.memory_space<semaphore_mem>>) src(%arg6 : memref<64x512xf32, #tpu.memory_space<vmem>>) dst(%dma_wait3A_41 : memref<64x512xf32, #tpu.memory_space<hbm>>)
    %dma_start3A_42 = arith.constant 192 : i32
    %dma_start3A_43 = tpu.memref_slice %arg5[%dma_start3A_42] : memref<256xi32, #tpu.memory_space<vmem>> -> memref<64xi32, #tpu.memory_space<vmem>>
    %dma_start3A_44 = arith.constant 0 : i32
    %dma_start3A_45 = arith.constant 0 : i32
    %dma_start3A_46 = tpu.memref_slice %arg2[%dma_start3A_44, %dma_start3A_45] : memref<32000x512xf32, #tpu.memory_space<hbm>> -> memref<32000x512xf32, #tpu.memory_space<hbm>>
    tpu.enqueue_indirect_dma source(%dma_start3A_46 : memref<32000x512xf32, #tpu.memory_space<hbm>>) target(%arg6 : memref<64x512xf32, #tpu.memory_space<vmem>>) offsets(%dma_start3A_43 : memref<64xi32, #tpu.memory_space<vmem>>) semaphore(%arg9 : memref<!tpu.dma_semaphore, #tpu.memory_space<semaphore_mem>>)
    %dma_wait3A_47 = arith.constant 128 : i32
    %dma_wait3A_48 = tpu.memref_slice %arg5[%dma_wait3A_47] : memref<256xi32, #tpu.memory_space<vmem>> -> memref<64xi32, #tpu.memory_space<vmem>>
    %dma_wait3A_49 = arith.constant 0 : i32
    %dma_wait3A_50 = arith.constant 0 : i32
    %dma_wait3A_51 = tpu.memref_slice %arg2[%dma_wait3A_49, %dma_wait3A_50] : memref<32000x512xf32, #tpu.memory_space<hbm>> -> memref<32000x512xf32, #tpu.memory_space<hbm>>
    tpu.wait_indirect_dma semaphore(%arg11 : memref<!tpu.dma_semaphore, #tpu.memory_space<semaphore_mem>>) src(%dma_wait3A_51 : memref<32000x512xf32, #tpu.memory_space<hbm>>) dst(%arg8 : memref<64x512xf32, #tpu.memory_space<vmem>>)
    %add3A_52 = arith.constant 128 : i32
    %add3A_53 = arith.addi %mul3A_2, %add3A_52 : i32
    %dma_start3A_54 = arith.constant 0 : i32
    %dma_start3A_55 = tpu.memref_slice %arg4[%add3A_53, %dma_start3A_54] : memref<8192x512xf32, #tpu.memory_space<hbm>> -> memref<64x512xf32, #tpu.memory_space<hbm>>
    %dma_start3A_56 = arith.constant 0 : i32
    %dma_start3A_57 = tpu.memref_slice %arg4[%add3A_53, %dma_start3A_56] : memref<8192x512xf32, #tpu.memory_space<hbm>> -> memref<64x512xf32, #tpu.memory_space<hbm>>
    tpu.enqueue_dma source(%arg8 : memref<64x512xf32, #tpu.memory_space<vmem>>) target(%dma_start3A_57 : memref<64x512xf32, #tpu.memory_space<hbm>>) target_semaphore(%arg14 : memref<!tpu.dma_semaphore, #tpu.memory_space<semaphore_mem>>)
    %dma_wait3A_58 = arith.constant 192 : i32
    %dma_wait3A_59 = tpu.memref_slice %arg5[%dma_wait3A_58] : memref<256xi32, #tpu.memory_space<vmem>> -> memref<64xi32, #tpu.memory_space<vmem>>
    %dma_wait3A_60 = arith.constant 0 : i32
    %dma_wait3A_61 = arith.constant 0 : i32
    %dma_wait3A_62 = tpu.memref_slice %arg2[%dma_wait3A_60, %dma_wait3A_61] : memref<32000x512xf32, #tpu.memory_space<hbm>> -> memref<32000x512xf32, #tpu.memory_space<hbm>>
    tpu.wait_indirect_dma semaphore(%arg9 : memref<!tpu.dma_semaphore, #tpu.memory_space<semaphore_mem>>) src(%dma_wait3A_62 : memref<32000x512xf32, #tpu.memory_space<hbm>>) dst(%arg6 : memref<64x512xf32, #tpu.memory_space<vmem>>)
    %add3A_63 = arith.constant 192 : i32
    %add3A_64 = arith.addi %mul3A_2, %add3A_63 : i32
    %dma_start3A_65 = arith.constant 0 : i32
    %dma_start3A_66 = tpu.memref_slice %arg4[%add3A_64, %dma_start3A_65] : memref<8192x512xf32, #tpu.memory_space<hbm>> -> memref<64x512xf32, #tpu.memory_space<hbm>>
    %dma_start3A_67 = arith.constant 0 : i32
    %dma_start3A_68 = tpu.memref_slice %arg4[%add3A_64, %dma_start3A_67] : memref<8192x512xf32, #tpu.memory_space<hbm>> -> memref<64x512xf32, #tpu.memory_space<hbm>>
    tpu.enqueue_dma source(%arg6 : memref<64x512xf32, #tpu.memory_space<vmem>>) target(%dma_start3A_68 : memref<64x512xf32, #tpu.memory_space<hbm>>) target_semaphore(%arg12 : memref<!tpu.dma_semaphore, #tpu.memory_space<semaphore_mem>>)
    %dma_wait3A_69 = arith.constant 0 : i32
    %dma_wait3A_70 = tpu.memref_slice %arg4[%add3A_33, %dma_wait3A_69] : memref<8192x512xf32, #tpu.memory_space<hbm>> -> memref<64x512xf32, #tpu.memory_space<hbm>>
    %dma_wait3A_71 = arith.constant 0 : i32
    %dma_wait3A_72 = tpu.memref_slice %arg4[%add3A_33, %dma_wait3A_71] : memref<8192x512xf32, #tpu.memory_space<hbm>> -> memref<64x512xf32, #tpu.memory_space<hbm>>
    tpu.wait_dma2 semaphore(%arg13 : memref<!tpu.dma_semaphore, #tpu.memory_space<semaphore_mem>>) src(%arg7 : memref<64x512xf32, #tpu.memory_space<vmem>>) dst(%dma_wait3A_72 : memref<64x512xf32, #tpu.memory_space<hbm>>)
    %dma_wait3A_73 = arith.constant 0 : i32
    %dma_wait3A_74 = tpu.memref_slice %arg4[%add3A_53, %dma_wait3A_73] : memref<8192x512xf32, #tpu.memory_space<hbm>> -> memref<64x512xf32, #tpu.memory_space<hbm>>
    %dma_wait3A_75 = arith.constant 0 : i32
    %dma_wait3A_76 = tpu.memref_slice %arg4[%add3A_53, %dma_wait3A_75] : memref<8192x512xf32, #tpu.memory_space<hbm>> -> memref<64x512xf32, #tpu.memory_space<hbm>>
    tpu.wait_dma2 semaphore(%arg14 : memref<!tpu.dma_semaphore, #tpu.memory_space<semaphore_mem>>) src(%arg8 : memref<64x512xf32, #tpu.memory_space<vmem>>) dst(%dma_wait3A_76 : memref<64x512xf32, #tpu.memory_space<hbm>>)
    %dma_wait3A_77 = arith.constant 0 : i32
    %dma_wait3A_78 = tpu.memref_slice %arg4[%add3A_64, %dma_wait3A_77] : memref<8192x512xf32, #tpu.memory_space<hbm>> -> memref<64x512xf32, #tpu.memory_space<hbm>>
    %dma_wait3A_79 = arith.constant 0 : i32
    %dma_wait3A_80 = tpu.memref_slice %arg4[%add3A_64, %dma_wait3A_79] : memref<8192x512xf32, #tpu.memory_space<hbm>> -> memref<64x512xf32, #tpu.memory_space<hbm>>
    tpu.wait_dma2 semaphore(%arg12 : memref<!tpu.dma_semaphore, #tpu.memory_space<semaphore_mem>>) src(%arg6 : memref<64x512xf32, #tpu.memory_space<vmem>>) dst(%dma_wait3A_80 : memref<64x512xf32, #tpu.memory_space<hbm>>)
    return
  }
}

#map = affine_map<(d0, d1) -> (0, 0)>
#map1 = affine_map<(d0, d1) -> (0)>
module attributes {stable_mosaic.version = 14 : i64} {
  func.func @gk(%arg0: i32, %arg1: i32, %arg2: memref<32000x512xf32, #tpu.memory_space<hbm>>, %arg3: memref<16384xi32, #tpu.memory_space<hbm>>, %arg4: memref<16384x512xf32, #tpu.memory_space<hbm>>, %arg5: memref<512xi32, #tpu.memory_space<vmem>>, %arg6: memref<64x512xf32, #tpu.memory_space<vmem>>, %arg7: memref<64x512xf32, #tpu.memory_space<vmem>>, %arg8: memref<64x512xf32, #tpu.memory_space<vmem>>, %arg9: memref<!tpu.dma_semaphore, #tpu.memory_space<semaphore_mem>>, %arg10: memref<!tpu.dma_semaphore, #tpu.memory_space<semaphore_mem>>, %arg11: memref<!tpu.dma_semaphore, #tpu.memory_space<semaphore_mem>>, %arg12: memref<!tpu.dma_semaphore, #tpu.memory_space<semaphore_mem>>, %arg13: memref<!tpu.dma_semaphore, #tpu.memory_space<semaphore_mem>>, %arg14: memref<!tpu.dma_semaphore, #tpu.memory_space<semaphore_mem>>) attributes {dimension_semantics = [#tpu.dimension_semantics<core_parallel>, #tpu.dimension_semantics<subcore_parallel>], iteration_bounds = array<i64: 2, 16>, scalar_prefetch = 0 : i64, scratch_operands = 10 : i64, tpu.core_type = #tpu.core_type<sc_vector_subcore>, window_params = [{transform_indices = #map}, {transform_indices = #map1}, {transform_indices = #map}]} {
    %mul3A = arith.constant 2 : i32
    %mul3A_0 = arith.muli %arg1, %mul3A : i32
    %add3A = arith.addi %mul3A_0, %arg0 : i32
    %mul3A_1 = arith.constant 512 : i32
    %mul3A_2 = arith.muli %add3A, %mul3A_1 : i32
    "tpu.region"() ({
      %run_scoped3A = tpu.sem_alloc : memref<!tpu.dma_semaphore, #tpu.memory_space<semaphore_mem>>
      %dma_start3A_161 = tpu.memref_slice %arg3[%mul3A_2] : memref<16384xi32, #tpu.memory_space<hbm>> -> memref<512xi32, #tpu.memory_space<hbm>>
      %dma_start3A_162 = tpu.memref_slice %arg3[%mul3A_2] : memref<16384xi32, #tpu.memory_space<hbm>> -> memref<512xi32, #tpu.memory_space<hbm>>
      tpu.enqueue_dma source(%dma_start3A_162 : memref<512xi32, #tpu.memory_space<hbm>>) target(%arg5 : memref<512xi32, #tpu.memory_space<vmem>>) target_semaphore(%run_scoped3A : memref<!tpu.dma_semaphore, #tpu.memory_space<semaphore_mem>>)
      %dma_wait3A_163 = tpu.memref_slice %arg3[%mul3A_2] : memref<16384xi32, #tpu.memory_space<hbm>> -> memref<512xi32, #tpu.memory_space<hbm>>
      %dma_wait3A_164 = tpu.memref_slice %arg3[%mul3A_2] : memref<16384xi32, #tpu.memory_space<hbm>> -> memref<512xi32, #tpu.memory_space<hbm>>
      tpu.wait_dma2 semaphore(%run_scoped3A : memref<!tpu.dma_semaphore, #tpu.memory_space<semaphore_mem>>) src(%dma_wait3A_164 : memref<512xi32, #tpu.memory_space<hbm>>) dst(%arg5 : memref<512xi32, #tpu.memory_space<vmem>>)
      tpu.yield
    }) : () -> ()
    %dma_start3A = arith.constant 0 : i32
    %dma_start3A_3 = tpu.memref_slice %arg5[%dma_start3A] : memref<512xi32, #tpu.memory_space<vmem>> -> memref<64xi32, #tpu.memory_space<vmem>>
    %dma_start3A_4 = arith.constant 0 : i32
    %dma_start3A_5 = arith.constant 0 : i32
    %dma_start3A_6 = tpu.memref_slice %arg2[%dma_start3A_4, %dma_start3A_5] : memref<32000x512xf32, #tpu.memory_space<hbm>> -> memref<32000x512xf32, #tpu.memory_space<hbm>>
    tpu.enqueue_indirect_dma source(%dma_start3A_6 : memref<32000x512xf32, #tpu.memory_space<hbm>>) target(%arg6 : memref<64x512xf32, #tpu.memory_space<vmem>>) offsets(%dma_start3A_3 : memref<64xi32, #tpu.memory_space<vmem>>) semaphore(%arg9 : memref<!tpu.dma_semaphore, #tpu.memory_space<semaphore_mem>>)
    %dma_start3A_7 = arith.constant 64 : i32
    %dma_start3A_8 = tpu.memref_slice %arg5[%dma_start3A_7] : memref<512xi32, #tpu.memory_space<vmem>> -> memref<64xi32, #tpu.memory_space<vmem>>
    %dma_start3A_9 = arith.constant 0 : i32
    %dma_start3A_10 = arith.constant 0 : i32
    %dma_start3A_11 = tpu.memref_slice %arg2[%dma_start3A_9, %dma_start3A_10] : memref<32000x512xf32, #tpu.memory_space<hbm>> -> memref<32000x512xf32, #tpu.memory_space<hbm>>
    tpu.enqueue_indirect_dma source(%dma_start3A_11 : memref<32000x512xf32, #tpu.memory_space<hbm>>) target(%arg7 : memref<64x512xf32, #tpu.memory_space<vmem>>) offsets(%dma_start3A_8 : memref<64xi32, #tpu.memory_space<vmem>>) semaphore(%arg10 : memref<!tpu.dma_semaphore, #tpu.memory_space<semaphore_mem>>)
    %dma_wait3A = arith.constant 0 : i32
    %dma_wait3A_12 = tpu.memref_slice %arg5[%dma_wait3A] : memref<512xi32, #tpu.memory_space<vmem>> -> memref<64xi32, #tpu.memory_space<vmem>>
    %dma_wait3A_13 = arith.constant 0 : i32
    %dma_wait3A_14 = arith.constant 0 : i32
    %dma_wait3A_15 = tpu.memref_slice %arg2[%dma_wait3A_13, %dma_wait3A_14] : memref<32000x512xf32, #tpu.memory_space<hbm>> -> memref<32000x512xf32, #tpu.memory_space<hbm>>
    tpu.wait_indirect_dma semaphore(%arg9 : memref<!tpu.dma_semaphore, #tpu.memory_space<semaphore_mem>>) src(%dma_wait3A_15 : memref<32000x512xf32, #tpu.memory_space<hbm>>) dst(%arg6 : memref<64x512xf32, #tpu.memory_space<vmem>>)
    %add3A_16 = arith.constant 0 : i32
    %add3A_17 = arith.addi %mul3A_2, %add3A_16 : i32
    %dma_start3A_18 = arith.constant 0 : i32
    %dma_start3A_19 = tpu.memref_slice %arg4[%add3A_17, %dma_start3A_18] : memref<16384x512xf32, #tpu.memory_space<hbm>> -> memref<64x512xf32, #tpu.memory_space<hbm>>
    %dma_start3A_20 = arith.constant 0 : i32
    %dma_start3A_21 = tpu.memref_slice %arg4[%add3A_17, %dma_start3A_20] : memref<16384x512xf32, #tpu.memory_space<hbm>> -> memref<64x512xf32, #tpu.memory_space<hbm>>
    tpu.enqueue_dma source(%arg6 : memref<64x512xf32, #tpu.memory_space<vmem>>) target(%dma_start3A_21 : memref<64x512xf32, #tpu.memory_space<hbm>>) target_semaphore(%arg12 : memref<!tpu.dma_semaphore, #tpu.memory_space<semaphore_mem>>)
    %dma_start3A_22 = arith.constant 128 : i32
    %dma_start3A_23 = tpu.memref_slice %arg5[%dma_start3A_22] : memref<512xi32, #tpu.memory_space<vmem>> -> memref<64xi32, #tpu.memory_space<vmem>>
    %dma_start3A_24 = arith.constant 0 : i32
    %dma_start3A_25 = arith.constant 0 : i32
    %dma_start3A_26 = tpu.memref_slice %arg2[%dma_start3A_24, %dma_start3A_25] : memref<32000x512xf32, #tpu.memory_space<hbm>> -> memref<32000x512xf32, #tpu.memory_space<hbm>>
    tpu.enqueue_indirect_dma source(%dma_start3A_26 : memref<32000x512xf32, #tpu.memory_space<hbm>>) target(%arg8 : memref<64x512xf32, #tpu.memory_space<vmem>>) offsets(%dma_start3A_23 : memref<64xi32, #tpu.memory_space<vmem>>) semaphore(%arg11 : memref<!tpu.dma_semaphore, #tpu.memory_space<semaphore_mem>>)
    %dma_wait3A_27 = arith.constant 64 : i32
    %dma_wait3A_28 = tpu.memref_slice %arg5[%dma_wait3A_27] : memref<512xi32, #tpu.memory_space<vmem>> -> memref<64xi32, #tpu.memory_space<vmem>>
    %dma_wait3A_29 = arith.constant 0 : i32
    %dma_wait3A_30 = arith.constant 0 : i32
    %dma_wait3A_31 = tpu.memref_slice %arg2[%dma_wait3A_29, %dma_wait3A_30] : memref<32000x512xf32, #tpu.memory_space<hbm>> -> memref<32000x512xf32, #tpu.memory_space<hbm>>
    tpu.wait_indirect_dma semaphore(%arg10 : memref<!tpu.dma_semaphore, #tpu.memory_space<semaphore_mem>>) src(%dma_wait3A_31 : memref<32000x512xf32, #tpu.memory_space<hbm>>) dst(%arg7 : memref<64x512xf32, #tpu.memory_space<vmem>>)
    %add3A_32 = arith.constant 64 : i32
    %add3A_33 = arith.addi %mul3A_2, %add3A_32 : i32
    %dma_start3A_34 = arith.constant 0 : i32
    %dma_start3A_35 = tpu.memref_slice %arg4[%add3A_33, %dma_start3A_34] : memref<16384x512xf32, #tpu.memory_space<hbm>> -> memref<64x512xf32, #tpu.memory_space<hbm>>
    %dma_start3A_36 = arith.constant 0 : i32
    %dma_start3A_37 = tpu.memref_slice %arg4[%add3A_33, %dma_start3A_36] : memref<16384x512xf32, #tpu.memory_space<hbm>> -> memref<64x512xf32, #tpu.memory_space<hbm>>
    tpu.enqueue_dma source(%arg7 : memref<64x512xf32, #tpu.memory_space<vmem>>) target(%dma_start3A_37 : memref<64x512xf32, #tpu.memory_space<hbm>>) target_semaphore(%arg13 : memref<!tpu.dma_semaphore, #tpu.memory_space<semaphore_mem>>)
    %dma_wait3A_38 = arith.constant 0 : i32
    %dma_wait3A_39 = tpu.memref_slice %arg4[%add3A_17, %dma_wait3A_38] : memref<16384x512xf32, #tpu.memory_space<hbm>> -> memref<64x512xf32, #tpu.memory_space<hbm>>
    %dma_wait3A_40 = arith.constant 0 : i32
    %dma_wait3A_41 = tpu.memref_slice %arg4[%add3A_17, %dma_wait3A_40] : memref<16384x512xf32, #tpu.memory_space<hbm>> -> memref<64x512xf32, #tpu.memory_space<hbm>>
    tpu.wait_dma2 semaphore(%arg12 : memref<!tpu.dma_semaphore, #tpu.memory_space<semaphore_mem>>) src(%arg6 : memref<64x512xf32, #tpu.memory_space<vmem>>) dst(%dma_wait3A_41 : memref<64x512xf32, #tpu.memory_space<hbm>>)
    %dma_start3A_42 = arith.constant 192 : i32
    %dma_start3A_43 = tpu.memref_slice %arg5[%dma_start3A_42] : memref<512xi32, #tpu.memory_space<vmem>> -> memref<64xi32, #tpu.memory_space<vmem>>
    %dma_start3A_44 = arith.constant 0 : i32
    %dma_start3A_45 = arith.constant 0 : i32
    %dma_start3A_46 = tpu.memref_slice %arg2[%dma_start3A_44, %dma_start3A_45] : memref<32000x512xf32, #tpu.memory_space<hbm>> -> memref<32000x512xf32, #tpu.memory_space<hbm>>
    tpu.enqueue_indirect_dma source(%dma_start3A_46 : memref<32000x512xf32, #tpu.memory_space<hbm>>) target(%arg6 : memref<64x512xf32, #tpu.memory_space<vmem>>) offsets(%dma_start3A_43 : memref<64xi32, #tpu.memory_space<vmem>>) semaphore(%arg9 : memref<!tpu.dma_semaphore, #tpu.memory_space<semaphore_mem>>)
    %dma_wait3A_47 = arith.constant 128 : i32
    %dma_wait3A_48 = tpu.memref_slice %arg5[%dma_wait3A_47] : memref<512xi32, #tpu.memory_space<vmem>> -> memref<64xi32, #tpu.memory_space<vmem>>
    %dma_wait3A_49 = arith.constant 0 : i32
    %dma_wait3A_50 = arith.constant 0 : i32
    %dma_wait3A_51 = tpu.memref_slice %arg2[%dma_wait3A_49, %dma_wait3A_50] : memref<32000x512xf32, #tpu.memory_space<hbm>> -> memref<32000x512xf32, #tpu.memory_space<hbm>>
    tpu.wait_indirect_dma semaphore(%arg11 : memref<!tpu.dma_semaphore, #tpu.memory_space<semaphore_mem>>) src(%dma_wait3A_51 : memref<32000x512xf32, #tpu.memory_space<hbm>>) dst(%arg8 : memref<64x512xf32, #tpu.memory_space<vmem>>)
    %add3A_52 = arith.constant 128 : i32
    %add3A_53 = arith.addi %mul3A_2, %add3A_52 : i32
    %dma_start3A_54 = arith.constant 0 : i32
    %dma_start3A_55 = tpu.memref_slice %arg4[%add3A_53, %dma_start3A_54] : memref<16384x512xf32, #tpu.memory_space<hbm>> -> memref<64x512xf32, #tpu.memory_space<hbm>>
    %dma_start3A_56 = arith.constant 0 : i32
    %dma_start3A_57 = tpu.memref_slice %arg4[%add3A_53, %dma_start3A_56] : memref<16384x512xf32, #tpu.memory_space<hbm>> -> memref<64x512xf32, #tpu.memory_space<hbm>>
    tpu.enqueue_dma source(%arg8 : memref<64x512xf32, #tpu.memory_space<vmem>>) target(%dma_start3A_57 : memref<64x512xf32, #tpu.memory_space<hbm>>) target_semaphore(%arg14 : memref<!tpu.dma_semaphore, #tpu.memory_space<semaphore_mem>>)
    %dma_wait3A_58 = arith.constant 0 : i32
    %dma_wait3A_59 = tpu.memref_slice %arg4[%add3A_33, %dma_wait3A_58] : memref<16384x512xf32, #tpu.memory_space<hbm>> -> memref<64x512xf32, #tpu.memory_space<hbm>>
    %dma_wait3A_60 = arith.constant 0 : i32
    %dma_wait3A_61 = tpu.memref_slice %arg4[%add3A_33, %dma_wait3A_60] : memref<16384x512xf32, #tpu.memory_space<hbm>> -> memref<64x512xf32, #tpu.memory_space<hbm>>
    tpu.wait_dma2 semaphore(%arg13 : memref<!tpu.dma_semaphore, #tpu.memory_space<semaphore_mem>>) src(%arg7 : memref<64x512xf32, #tpu.memory_space<vmem>>) dst(%dma_wait3A_61 : memref<64x512xf32, #tpu.memory_space<hbm>>)
    %dma_start3A_62 = arith.constant 256 : i32
    %dma_start3A_63 = tpu.memref_slice %arg5[%dma_start3A_62] : memref<512xi32, #tpu.memory_space<vmem>> -> memref<64xi32, #tpu.memory_space<vmem>>
    %dma_start3A_64 = arith.constant 0 : i32
    %dma_start3A_65 = arith.constant 0 : i32
    %dma_start3A_66 = tpu.memref_slice %arg2[%dma_start3A_64, %dma_start3A_65] : memref<32000x512xf32, #tpu.memory_space<hbm>> -> memref<32000x512xf32, #tpu.memory_space<hbm>>
    tpu.enqueue_indirect_dma source(%dma_start3A_66 : memref<32000x512xf32, #tpu.memory_space<hbm>>) target(%arg7 : memref<64x512xf32, #tpu.memory_space<vmem>>) offsets(%dma_start3A_63 : memref<64xi32, #tpu.memory_space<vmem>>) semaphore(%arg10 : memref<!tpu.dma_semaphore, #tpu.memory_space<semaphore_mem>>)
    %dma_wait3A_67 = arith.constant 192 : i32
    %dma_wait3A_68 = tpu.memref_slice %arg5[%dma_wait3A_67] : memref<512xi32, #tpu.memory_space<vmem>> -> memref<64xi32, #tpu.memory_space<vmem>>
    %dma_wait3A_69 = arith.constant 0 : i32
    %dma_wait3A_70 = arith.constant 0 : i32
    %dma_wait3A_71 = tpu.memref_slice %arg2[%dma_wait3A_69, %dma_wait3A_70] : memref<32000x512xf32, #tpu.memory_space<hbm>> -> memref<32000x512xf32, #tpu.memory_space<hbm>>
    tpu.wait_indirect_dma semaphore(%arg9 : memref<!tpu.dma_semaphore, #tpu.memory_space<semaphore_mem>>) src(%dma_wait3A_71 : memref<32000x512xf32, #tpu.memory_space<hbm>>) dst(%arg6 : memref<64x512xf32, #tpu.memory_space<vmem>>)
    %add3A_72 = arith.constant 192 : i32
    %add3A_73 = arith.addi %mul3A_2, %add3A_72 : i32
    %dma_start3A_74 = arith.constant 0 : i32
    %dma_start3A_75 = tpu.memref_slice %arg4[%add3A_73, %dma_start3A_74] : memref<16384x512xf32, #tpu.memory_space<hbm>> -> memref<64x512xf32, #tpu.memory_space<hbm>>
    %dma_start3A_76 = arith.constant 0 : i32
    %dma_start3A_77 = tpu.memref_slice %arg4[%add3A_73, %dma_start3A_76] : memref<16384x512xf32, #tpu.memory_space<hbm>> -> memref<64x512xf32, #tpu.memory_space<hbm>>
    tpu.enqueue_dma source(%arg6 : memref<64x512xf32, #tpu.memory_space<vmem>>) target(%dma_start3A_77 : memref<64x512xf32, #tpu.memory_space<hbm>>) target_semaphore(%arg12 : memref<!tpu.dma_semaphore, #tpu.memory_space<semaphore_mem>>)
    %dma_wait3A_78 = arith.constant 0 : i32
    %dma_wait3A_79 = tpu.memref_slice %arg4[%add3A_53, %dma_wait3A_78] : memref<16384x512xf32, #tpu.memory_space<hbm>> -> memref<64x512xf32, #tpu.memory_space<hbm>>
    %dma_wait3A_80 = arith.constant 0 : i32
    %dma_wait3A_81 = tpu.memref_slice %arg4[%add3A_53, %dma_wait3A_80] : memref<16384x512xf32, #tpu.memory_space<hbm>> -> memref<64x512xf32, #tpu.memory_space<hbm>>
    tpu.wait_dma2 semaphore(%arg14 : memref<!tpu.dma_semaphore, #tpu.memory_space<semaphore_mem>>) src(%arg8 : memref<64x512xf32, #tpu.memory_space<vmem>>) dst(%dma_wait3A_81 : memref<64x512xf32, #tpu.memory_space<hbm>>)
    %dma_start3A_82 = arith.constant 320 : i32
    %dma_start3A_83 = tpu.memref_slice %arg5[%dma_start3A_82] : memref<512xi32, #tpu.memory_space<vmem>> -> memref<64xi32, #tpu.memory_space<vmem>>
    %dma_start3A_84 = arith.constant 0 : i32
    %dma_start3A_85 = arith.constant 0 : i32
    %dma_start3A_86 = tpu.memref_slice %arg2[%dma_start3A_84, %dma_start3A_85] : memref<32000x512xf32, #tpu.memory_space<hbm>> -> memref<32000x512xf32, #tpu.memory_space<hbm>>
    tpu.enqueue_indirect_dma source(%dma_start3A_86 : memref<32000x512xf32, #tpu.memory_space<hbm>>) target(%arg8 : memref<64x512xf32, #tpu.memory_space<vmem>>) offsets(%dma_start3A_83 : memref<64xi32, #tpu.memory_space<vmem>>) semaphore(%arg11 : memref<!tpu.dma_semaphore, #tpu.memory_space<semaphore_mem>>)
    %dma_wait3A_87 = arith.constant 256 : i32
    %dma_wait3A_88 = tpu.memref_slice %arg5[%dma_wait3A_87] : memref<512xi32, #tpu.memory_space<vmem>> -> memref<64xi32, #tpu.memory_space<vmem>>
    %dma_wait3A_89 = arith.constant 0 : i32
    %dma_wait3A_90 = arith.constant 0 : i32
    %dma_wait3A_91 = tpu.memref_slice %arg2[%dma_wait3A_89, %dma_wait3A_90] : memref<32000x512xf32, #tpu.memory_space<hbm>> -> memref<32000x512xf32, #tpu.memory_space<hbm>>
    tpu.wait_indirect_dma semaphore(%arg10 : memref<!tpu.dma_semaphore, #tpu.memory_space<semaphore_mem>>) src(%dma_wait3A_91 : memref<32000x512xf32, #tpu.memory_space<hbm>>) dst(%arg7 : memref<64x512xf32, #tpu.memory_space<vmem>>)
    %add3A_92 = arith.constant 256 : i32
    %add3A_93 = arith.addi %mul3A_2, %add3A_92 : i32
    %dma_start3A_94 = arith.constant 0 : i32
    %dma_start3A_95 = tpu.memref_slice %arg4[%add3A_93, %dma_start3A_94] : memref<16384x512xf32, #tpu.memory_space<hbm>> -> memref<64x512xf32, #tpu.memory_space<hbm>>
    %dma_start3A_96 = arith.constant 0 : i32
    %dma_start3A_97 = tpu.memref_slice %arg4[%add3A_93, %dma_start3A_96] : memref<16384x512xf32, #tpu.memory_space<hbm>> -> memref<64x512xf32, #tpu.memory_space<hbm>>
    tpu.enqueue_dma source(%arg7 : memref<64x512xf32, #tpu.memory_space<vmem>>) target(%dma_start3A_97 : memref<64x512xf32, #tpu.memory_space<hbm>>) target_semaphore(%arg13 : memref<!tpu.dma_semaphore, #tpu.memory_space<semaphore_mem>>)
    %dma_wait3A_98 = arith.constant 0 : i32
    %dma_wait3A_99 = tpu.memref_slice %arg4[%add3A_73, %dma_wait3A_98] : memref<16384x512xf32, #tpu.memory_space<hbm>> -> memref<64x512xf32, #tpu.memory_space<hbm>>
    %dma_wait3A_100 = arith.constant 0 : i32
    %dma_wait3A_101 = tpu.memref_slice %arg4[%add3A_73, %dma_wait3A_100] : memref<16384x512xf32, #tpu.memory_space<hbm>> -> memref<64x512xf32, #tpu.memory_space<hbm>>
    tpu.wait_dma2 semaphore(%arg12 : memref<!tpu.dma_semaphore, #tpu.memory_space<semaphore_mem>>) src(%arg6 : memref<64x512xf32, #tpu.memory_space<vmem>>) dst(%dma_wait3A_101 : memref<64x512xf32, #tpu.memory_space<hbm>>)
    %dma_start3A_102 = arith.constant 384 : i32
    %dma_start3A_103 = tpu.memref_slice %arg5[%dma_start3A_102] : memref<512xi32, #tpu.memory_space<vmem>> -> memref<64xi32, #tpu.memory_space<vmem>>
    %dma_start3A_104 = arith.constant 0 : i32
    %dma_start3A_105 = arith.constant 0 : i32
    %dma_start3A_106 = tpu.memref_slice %arg2[%dma_start3A_104, %dma_start3A_105] : memref<32000x512xf32, #tpu.memory_space<hbm>> -> memref<32000x512xf32, #tpu.memory_space<hbm>>
    tpu.enqueue_indirect_dma source(%dma_start3A_106 : memref<32000x512xf32, #tpu.memory_space<hbm>>) target(%arg6 : memref<64x512xf32, #tpu.memory_space<vmem>>) offsets(%dma_start3A_103 : memref<64xi32, #tpu.memory_space<vmem>>) semaphore(%arg9 : memref<!tpu.dma_semaphore, #tpu.memory_space<semaphore_mem>>)
    %dma_wait3A_107 = arith.constant 320 : i32
    %dma_wait3A_108 = tpu.memref_slice %arg5[%dma_wait3A_107] : memref<512xi32, #tpu.memory_space<vmem>> -> memref<64xi32, #tpu.memory_space<vmem>>
    %dma_wait3A_109 = arith.constant 0 : i32
    %dma_wait3A_110 = arith.constant 0 : i32
    %dma_wait3A_111 = tpu.memref_slice %arg2[%dma_wait3A_109, %dma_wait3A_110] : memref<32000x512xf32, #tpu.memory_space<hbm>> -> memref<32000x512xf32, #tpu.memory_space<hbm>>
    tpu.wait_indirect_dma semaphore(%arg11 : memref<!tpu.dma_semaphore, #tpu.memory_space<semaphore_mem>>) src(%dma_wait3A_111 : memref<32000x512xf32, #tpu.memory_space<hbm>>) dst(%arg8 : memref<64x512xf32, #tpu.memory_space<vmem>>)
    %add3A_112 = arith.constant 320 : i32
    %add3A_113 = arith.addi %mul3A_2, %add3A_112 : i32
    %dma_start3A_114 = arith.constant 0 : i32
    %dma_start3A_115 = tpu.memref_slice %arg4[%add3A_113, %dma_start3A_114] : memref<16384x512xf32, #tpu.memory_space<hbm>> -> memref<64x512xf32, #tpu.memory_space<hbm>>
    %dma_start3A_116 = arith.constant 0 : i32
    %dma_start3A_117 = tpu.memref_slice %arg4[%add3A_113, %dma_start3A_116] : memref<16384x512xf32, #tpu.memory_space<hbm>> -> memref<64x512xf32, #tpu.memory_space<hbm>>
    tpu.enqueue_dma source(%arg8 : memref<64x512xf32, #tpu.memory_space<vmem>>) target(%dma_start3A_117 : memref<64x512xf32, #tpu.memory_space<hbm>>) target_semaphore(%arg14 : memref<!tpu.dma_semaphore, #tpu.memory_space<semaphore_mem>>)
    %dma_wait3A_118 = arith.constant 0 : i32
    %dma_wait3A_119 = tpu.memref_slice %arg4[%add3A_93, %dma_wait3A_118] : memref<16384x512xf32, #tpu.memory_space<hbm>> -> memref<64x512xf32, #tpu.memory_space<hbm>>
    %dma_wait3A_120 = arith.constant 0 : i32
    %dma_wait3A_121 = tpu.memref_slice %arg4[%add3A_93, %dma_wait3A_120] : memref<16384x512xf32, #tpu.memory_space<hbm>> -> memref<64x512xf32, #tpu.memory_space<hbm>>
    tpu.wait_dma2 semaphore(%arg13 : memref<!tpu.dma_semaphore, #tpu.memory_space<semaphore_mem>>) src(%arg7 : memref<64x512xf32, #tpu.memory_space<vmem>>) dst(%dma_wait3A_121 : memref<64x512xf32, #tpu.memory_space<hbm>>)
    %dma_start3A_122 = arith.constant 448 : i32
    %dma_start3A_123 = tpu.memref_slice %arg5[%dma_start3A_122] : memref<512xi32, #tpu.memory_space<vmem>> -> memref<64xi32, #tpu.memory_space<vmem>>
    %dma_start3A_124 = arith.constant 0 : i32
    %dma_start3A_125 = arith.constant 0 : i32
    %dma_start3A_126 = tpu.memref_slice %arg2[%dma_start3A_124, %dma_start3A_125] : memref<32000x512xf32, #tpu.memory_space<hbm>> -> memref<32000x512xf32, #tpu.memory_space<hbm>>
    tpu.enqueue_indirect_dma source(%dma_start3A_126 : memref<32000x512xf32, #tpu.memory_space<hbm>>) target(%arg7 : memref<64x512xf32, #tpu.memory_space<vmem>>) offsets(%dma_start3A_123 : memref<64xi32, #tpu.memory_space<vmem>>) semaphore(%arg10 : memref<!tpu.dma_semaphore, #tpu.memory_space<semaphore_mem>>)
    %dma_wait3A_127 = arith.constant 384 : i32
    %dma_wait3A_128 = tpu.memref_slice %arg5[%dma_wait3A_127] : memref<512xi32, #tpu.memory_space<vmem>> -> memref<64xi32, #tpu.memory_space<vmem>>
    %dma_wait3A_129 = arith.constant 0 : i32
    %dma_wait3A_130 = arith.constant 0 : i32
    %dma_wait3A_131 = tpu.memref_slice %arg2[%dma_wait3A_129, %dma_wait3A_130] : memref<32000x512xf32, #tpu.memory_space<hbm>> -> memref<32000x512xf32, #tpu.memory_space<hbm>>
    tpu.wait_indirect_dma semaphore(%arg9 : memref<!tpu.dma_semaphore, #tpu.memory_space<semaphore_mem>>) src(%dma_wait3A_131 : memref<32000x512xf32, #tpu.memory_space<hbm>>) dst(%arg6 : memref<64x512xf32, #tpu.memory_space<vmem>>)
    %add3A_132 = arith.constant 384 : i32
    %add3A_133 = arith.addi %mul3A_2, %add3A_132 : i32
    %dma_start3A_134 = arith.constant 0 : i32
    %dma_start3A_135 = tpu.memref_slice %arg4[%add3A_133, %dma_start3A_134] : memref<16384x512xf32, #tpu.memory_space<hbm>> -> memref<64x512xf32, #tpu.memory_space<hbm>>
    %dma_start3A_136 = arith.constant 0 : i32
    %dma_start3A_137 = tpu.memref_slice %arg4[%add3A_133, %dma_start3A_136] : memref<16384x512xf32, #tpu.memory_space<hbm>> -> memref<64x512xf32, #tpu.memory_space<hbm>>
    tpu.enqueue_dma source(%arg6 : memref<64x512xf32, #tpu.memory_space<vmem>>) target(%dma_start3A_137 : memref<64x512xf32, #tpu.memory_space<hbm>>) target_semaphore(%arg12 : memref<!tpu.dma_semaphore, #tpu.memory_space<semaphore_mem>>)
    %dma_wait3A_138 = arith.constant 448 : i32
    %dma_wait3A_139 = tpu.memref_slice %arg5[%dma_wait3A_138] : memref<512xi32, #tpu.memory_space<vmem>> -> memref<64xi32, #tpu.memory_space<vmem>>
    %dma_wait3A_140 = arith.constant 0 : i32
    %dma_wait3A_141 = arith.constant 0 : i32
    %dma_wait3A_142 = tpu.memref_slice %arg2[%dma_wait3A_140, %dma_wait3A_141] : memref<32000x512xf32, #tpu.memory_space<hbm>> -> memref<32000x512xf32, #tpu.memory_space<hbm>>
    tpu.wait_indirect_dma semaphore(%arg10 : memref<!tpu.dma_semaphore, #tpu.memory_space<semaphore_mem>>) src(%dma_wait3A_142 : memref<32000x512xf32, #tpu.memory_space<hbm>>) dst(%arg7 : memref<64x512xf32, #tpu.memory_space<vmem>>)
    %add3A_143 = arith.constant 448 : i32
    %add3A_144 = arith.addi %mul3A_2, %add3A_143 : i32
    %dma_start3A_145 = arith.constant 0 : i32
    %dma_start3A_146 = tpu.memref_slice %arg4[%add3A_144, %dma_start3A_145] : memref<16384x512xf32, #tpu.memory_space<hbm>> -> memref<64x512xf32, #tpu.memory_space<hbm>>
    %dma_start3A_147 = arith.constant 0 : i32
    %dma_start3A_148 = tpu.memref_slice %arg4[%add3A_144, %dma_start3A_147] : memref<16384x512xf32, #tpu.memory_space<hbm>> -> memref<64x512xf32, #tpu.memory_space<hbm>>
    tpu.enqueue_dma source(%arg7 : memref<64x512xf32, #tpu.memory_space<vmem>>) target(%dma_start3A_148 : memref<64x512xf32, #tpu.memory_space<hbm>>) target_semaphore(%arg13 : memref<!tpu.dma_semaphore, #tpu.memory_space<semaphore_mem>>)
    %dma_wait3A_149 = arith.constant 0 : i32
    %dma_wait3A_150 = tpu.memref_slice %arg4[%add3A_113, %dma_wait3A_149] : memref<16384x512xf32, #tpu.memory_space<hbm>> -> memref<64x512xf32, #tpu.memory_space<hbm>>
    %dma_wait3A_151 = arith.constant 0 : i32
    %dma_wait3A_152 = tpu.memref_slice %arg4[%add3A_113, %dma_wait3A_151] : memref<16384x512xf32, #tpu.memory_space<hbm>> -> memref<64x512xf32, #tpu.memory_space<hbm>>
    tpu.wait_dma2 semaphore(%arg14 : memref<!tpu.dma_semaphore, #tpu.memory_space<semaphore_mem>>) src(%arg8 : memref<64x512xf32, #tpu.memory_space<vmem>>) dst(%dma_wait3A_152 : memref<64x512xf32, #tpu.memory_space<hbm>>)
    %dma_wait3A_153 = arith.constant 0 : i32
    %dma_wait3A_154 = tpu.memref_slice %arg4[%add3A_133, %dma_wait3A_153] : memref<16384x512xf32, #tpu.memory_space<hbm>> -> memref<64x512xf32, #tpu.memory_space<hbm>>
    %dma_wait3A_155 = arith.constant 0 : i32
    %dma_wait3A_156 = tpu.memref_slice %arg4[%add3A_133, %dma_wait3A_155] : memref<16384x512xf32, #tpu.memory_space<hbm>> -> memref<64x512xf32, #tpu.memory_space<hbm>>
    tpu.wait_dma2 semaphore(%arg12 : memref<!tpu.dma_semaphore, #tpu.memory_space<semaphore_mem>>) src(%arg6 : memref<64x512xf32, #tpu.memory_space<vmem>>) dst(%dma_wait3A_156 : memref<64x512xf32, #tpu.memory_space<hbm>>)
    %dma_wait3A_157 = arith.constant 0 : i32
    %dma_wait3A_158 = tpu.memref_slice %arg4[%add3A_144, %dma_wait3A_157] : memref<16384x512xf32, #tpu.memory_space<hbm>> -> memref<64x512xf32, #tpu.memory_space<hbm>>
    %dma_wait3A_159 = arith.constant 0 : i32
    %dma_wait3A_160 = tpu.memref_slice %arg4[%add3A_144, %dma_wait3A_159] : memref<16384x512xf32, #tpu.memory_space<hbm>> -> memref<64x512xf32, #tpu.memory_space<hbm>>
    tpu.wait_dma2 semaphore(%arg13 : memref<!tpu.dma_semaphore, #tpu.memory_space<semaphore_mem>>) src(%arg7 : memref<64x512xf32, #tpu.memory_space<vmem>>) dst(%dma_wait3A_160 : memref<64x512xf32, #tpu.memory_space<hbm>>)
    return
  }
}

module attributes {stable_mosaic.version = 14 : i64} {
  func.func @_enc_kernel(%arg0: i32, %arg1: memref<1x1x512xi32, #tpu.memory_space<vmem>>, %arg2: memref<1x512x512xf32, #tpu.memory_space<vmem>>, %arg3: memref<512x512xf32, #tpu.memory_space<vmem>>, %arg4: memref<512x512xf32, #tpu.memory_space<vmem>>, %arg5: memref<512x512xf32, #tpu.memory_space<vmem>>, %arg6: memref<512x512xf32, #tpu.memory_space<vmem>>, %arg7: memref<512x512xf32, #tpu.memory_space<vmem>>, %arg8: memref<512x2048xf32, #tpu.memory_space<vmem>>, %arg9: memref<1x2048xf32, #tpu.memory_space<vmem>>, %arg10: memref<2048x512xf32, #tpu.memory_space<vmem>>, %arg11: memref<1x512xf32, #tpu.memory_space<vmem>>, %arg12: memref<1x512xf32, #tpu.memory_space<vmem>>, %arg13: memref<1x512xf32, #tpu.memory_space<vmem>>, %arg14: memref<1x512xf32, #tpu.memory_space<vmem>>, %arg15: memref<1x512xf32, #tpu.memory_space<vmem>>, %arg16: memref<1x512x512xf32, #tpu.memory_space<vmem>>, %arg17: memref<1x1x512xf32, #tpu.memory_space<vmem>>) attributes {dimension_semantics = [#tpu.dimension_semantics<arbitrary>], iteration_bounds = array<i64: 16>, scalar_prefetch = 0 : i64, scratch_operands = 0 : i64, tpu.core_type = #tpu.core_type<tc>, window_params = [{transform_indices = @transform_0, window_bounds = array<i64: 1, 1, 512>}, {transform_indices = @transform_1, window_bounds = array<i64: 1, 512, 512>}, {pipeline_mode = #tpu.pipeline_mode<synchronous>, transform_indices = @transform_2, window_bounds = array<i64: 512, 512>}, {pipeline_mode = #tpu.pipeline_mode<synchronous>, transform_indices = @transform_3, window_bounds = array<i64: 512, 512>}, {pipeline_mode = #tpu.pipeline_mode<synchronous>, transform_indices = @transform_4, window_bounds = array<i64: 512, 512>}, {pipeline_mode = #tpu.pipeline_mode<synchronous>, transform_indices = @transform_5, window_bounds = array<i64: 512, 512>}, {pipeline_mode = #tpu.pipeline_mode<synchronous>, transform_indices = @transform_6, window_bounds = array<i64: 512, 512>}, {pipeline_mode = #tpu.pipeline_mode<synchronous>, transform_indices = @transform_7, window_bounds = array<i64: 512, 2048>}, {pipeline_mode = #tpu.pipeline_mode<synchronous>, transform_indices = @transform_8, window_bounds = array<i64: 1, 2048>}, {pipeline_mode = #tpu.pipeline_mode<synchronous>, transform_indices = @transform_9, window_bounds = array<i64: 2048, 512>}, {pipeline_mode = #tpu.pipeline_mode<synchronous>, transform_indices = @transform_10, window_bounds = array<i64: 1, 512>}, {pipeline_mode = #tpu.pipeline_mode<synchronous>, transform_indices = @transform_11, window_bounds = array<i64: 1, 512>}, {pipeline_mode = #tpu.pipeline_mode<synchronous>, transform_indices = @transform_12, window_bounds = array<i64: 1, 512>}, {pipeline_mode = #tpu.pipeline_mode<synchronous>, transform_indices = @transform_13, window_bounds = array<i64: 1, 512>}, {pipeline_mode = #tpu.pipeline_mode<synchronous>, transform_indices = @transform_14, window_bounds = array<i64: 1, 512>}, {transform_indices = @transform_15, window_bounds = array<i64: 1, 512, 512>}, {transform_indices = @transform_16, window_bounds = array<i64: 1, 1, 512>}]} {
    %get3A = arith.constant 0 : index
    %get3A_0 = arith.constant 0 : index
    %get3A_1 = arith.constant 0 : index
    %get3A_2 = vector.load %arg1[%get3A, %get3A_0, %get3A_1] : memref<1x1x512xi32, #tpu.memory_space<vmem>>, vector<1x1x512xi32>
    %get3A_3 = vector.shape_cast %get3A_2 : vector<1x1x512xi32> to vector<512xi32>
    %ne3A = arith.constant 0 : i32
    %ne3A_4 = vector.broadcast %ne3A : i32 to vector<512xi32>
    %ne3A_5 = arith.cmpi ne, %get3A_3, %ne3A_4 : vector<512xi32>
    %reshape3A = vector.shape_cast %ne3A_5 : vector<512xi1> to vector<1x512xi1>
    %jit3A = arith.constant 0.000000e+00 : f32
    %jit3A_6 = arith.constant -1.000000e+09 : f32
    %broadcast_in_dim3A = vector.broadcast %jit3A : f32 to vector<1x512xf32>
    %broadcast_in_dim3A_7 = vector.broadcast %jit3A_6 : f32 to vector<1x512xf32>
    %select_n3A = arith.select %reshape3A, %broadcast_in_dim3A, %broadcast_in_dim3A_7 : vector<1x512xi1>, vector<1x512xf32>
    %get3A_8 = arith.constant 0 : index
    %get3A_9 = arith.constant 0 : index
    %get3A_10 = arith.constant 0 : index
    %get3A_11 = vector.load %arg2[%get3A_8, %get3A_9, %get3A_10] : memref<1x512x512xf32, #tpu.memory_space<vmem>>, vector<1x512x512xf32>
    %get3A_12 = vector.shape_cast %get3A_11 : vector<1x512x512xf32> to vector<512x512xf32>
    %mul3A = arith.constant 22.6274166 : f32
    %mul3A_13 = vector.broadcast %mul3A : f32 to vector<512x512xf32>
    %mul3A_14 = arith.mulf %get3A_12, %mul3A_13 : vector<512x512xf32>
    %get3A_15 = arith.constant 0 : index
    %get3A_16 = arith.constant 0 : index
    %get3A_17 = vector.load %arg3[%get3A_15, %get3A_16] : memref<512x512xf32, #tpu.memory_space<vmem>>, vector<512x512xf32>
    %add3A = arith.addf %mul3A_14, %get3A_17 : vector<512x512xf32>
    %get3A_18 = arith.constant 0 : index
    %get3A_19 = arith.constant 0 : index
    %get3A_20 = vector.load %arg12[%get3A_18, %get3A_19] : memref<1x512xf32, #tpu.memory_space<vmem>>, vector<1x512xf32>
    %get3A_21 = arith.constant 0 : index
    %get3A_22 = arith.constant 0 : index
    %get3A_23 = vector.load %arg13[%get3A_21, %get3A_22] : memref<1x512xf32, #tpu.memory_space<vmem>>, vector<1x512xf32>
    %reduce_sum3A = arith.constant dense<0.000000e+00> : vector<512xf32>
    %reduce_sum3A_24 = vector.multi_reduction <add>, %add3A, %reduce_sum3A [1] : vector<512x512xf32> to vector<512xf32>
    %broadcast_in_dim3A_25 = vector.shape_cast %reduce_sum3A_24 : vector<512xf32> to vector<512x1xf32>
    %div3A = arith.constant 5.120000e+02 : f32
    %div3A_26 = vector.broadcast %div3A : f32 to vector<512x1xf32>
    %div3A_27 = arith.divf %broadcast_in_dim3A_25, %div3A_26 : vector<512x1xf32>
    %jit3A_28 = arith.constant 0 : i32
    %reduce_sum3A_29 = arith.constant dense<0.000000e+00> : vector<512xf32>
    %reduce_sum3A_30 = vector.multi_reduction <add>, %add3A, %reduce_sum3A_29 [1] : vector<512x512xf32> to vector<512xf32>
    %broadcast_in_dim3A_31 = vector.shape_cast %reduce_sum3A_30 : vector<512xf32> to vector<512x1xf32>
    %div3A_32 = arith.constant 5.120000e+02 : f32
    %div3A_33 = vector.broadcast %div3A_32 : f32 to vector<512x1xf32>
    %div3A_34 = arith.divf %broadcast_in_dim3A_31, %div3A_33 : vector<512x1xf32>
    %sub3A = vector.broadcast %div3A_34 : vector<512x1xf32> to vector<512x512xf32>
    %sub3A_35 = arith.subf %add3A, %sub3A : vector<512x512xf32>
    %square3A = arith.mulf %sub3A_35, %sub3A_35 : vector<512x512xf32>
    %convert_element_type3A = arith.sitofp %jit3A_28 : i32 to f32
    %sub3A_36 = arith.constant 5.120000e+02 : f32
    %sub3A_37 = arith.subf %sub3A_36, %convert_element_type3A : f32
    %reduce_sum3A_38 = arith.constant dense<0.000000e+00> : vector<512xf32>
    %reduce_sum3A_39 = vector.multi_reduction <add>, %square3A, %reduce_sum3A_38 [1] : vector<512x512xf32> to vector<512xf32>
    %broadcast_in_dim3A_40 = vector.shape_cast %reduce_sum3A_39 : vector<512xf32> to vector<512x1xf32>
    %div3A_41 = vector.broadcast %sub3A_37 : f32 to vector<512x1xf32>
    %div3A_42 = arith.divf %broadcast_in_dim3A_40, %div3A_41 : vector<512x1xf32>
    %gt3A = arith.constant 0.000000e+00 : f32
    %gt3A_43 = arith.cmpf ogt, %sub3A_37, %gt3A : f32
    %jit3A_44 = arith.constant 0x7FC00000 : f32
    %broadcast_in_dim3A_45 = vector.broadcast %jit3A_44 : f32 to vector<512x1xf32>
    %select_n3A_46 = arith.select %gt3A_43, %div3A_42, %broadcast_in_dim3A_45 : vector<512x1xf32>
    %sub3A_47 = vector.broadcast %div3A_27 : vector<512x1xf32> to vector<512x512xf32>
    %sub3A_48 = arith.subf %add3A, %sub3A_47 : vector<512x512xf32>
    %add3A_49 = arith.constant 9.99999974E-6 : f32
    %add3A_50 = vector.broadcast %add3A_49 : f32 to vector<512x1xf32>
    %add3A_51 = arith.addf %select_n3A_46, %add3A_50 : vector<512x1xf32>
    %sqrt3A = math.sqrt %add3A_51 : vector<512x1xf32>
    %div3A_52 = vector.broadcast %sqrt3A : vector<512x1xf32> to vector<512x512xf32>
    %div3A_53 = arith.divf %sub3A_48, %div3A_52 : vector<512x512xf32>
    %mul3A_54 = vector.broadcast %get3A_20 : vector<1x512xf32> to vector<512x512xf32>
    %mul3A_55 = arith.mulf %div3A_53, %mul3A_54 : vector<512x512xf32>
    %add3A_56 = vector.broadcast %get3A_23 : vector<1x512xf32> to vector<512x512xf32>
    %add3A_57 = arith.addf %mul3A_55, %add3A_56 : vector<512x512xf32>
    %get3A_58 = arith.constant 0 : index
    %get3A_59 = arith.constant 0 : index
    %get3A_60 = vector.load %arg4[%get3A_58, %get3A_59] : memref<512x512xf32, #tpu.memory_space<vmem>>, vector<512x512xf32>
    %dot_general3A = arith.constant dense<0.000000e+00> : vector<512x512xf32>
    %dot_general3A_61 = tpu.matmul %add3A_57, %get3A_60, %dot_general3A {dimension_numbers = #tpu.dot_dimension_numbers<[1], [0], [0], [1], [0, 0, 1, 1], [], []>, transpose_lhs_hint = false} : vector<512x512xf32>, vector<512x512xf32>, vector<512x512xf32> -> vector<512x512xf32>
    %mul3A_62 = arith.constant 1.250000e-01 : f32
    %mul3A_63 = vector.broadcast %mul3A_62 : f32 to vector<512x512xf32>
    %mul3A_64 = arith.mulf %dot_general3A_61, %mul3A_63 : vector<512x512xf32>
    %get3A_65 = arith.constant 0 : index
    %get3A_66 = arith.constant 0 : index
    %get3A_67 = vector.load %arg5[%get3A_65, %get3A_66] : memref<512x512xf32, #tpu.memory_space<vmem>>, vector<512x512xf32>
    %dot_general3A_68 = arith.constant dense<0.000000e+00> : vector<512x512xf32>
    %dot_general3A_69 = tpu.matmul %add3A_57, %get3A_67, %dot_general3A_68 {dimension_numbers = #tpu.dot_dimension_numbers<[1], [0], [0], [1], [0, 0, 1, 1], [], []>, transpose_lhs_hint = false} : vector<512x512xf32>, vector<512x512xf32>, vector<512x512xf32> -> vector<512x512xf32>
    %get3A_70 = arith.constant 0 : index
    %get3A_71 = arith.constant 0 : index
    %get3A_72 = vector.load %arg6[%get3A_70, %get3A_71] : memref<512x512xf32, #tpu.memory_space<vmem>>, vector<512x512xf32>
    %dot_general3A_73 = arith.constant dense<0.000000e+00> : vector<512x512xf32>
    %dot_general3A_74 = tpu.matmul %add3A_57, %get3A_72, %dot_general3A_73 {dimension_numbers = #tpu.dot_dimension_numbers<[1], [0], [0], [1], [0, 0, 1, 1], [], []>, transpose_lhs_hint = false} : vector<512x512xf32>, vector<512x512xf32>, vector<512x512xf32> -> vector<512x512xf32>
    %broadcast_in_dim3A_75 = arith.constant 1.000000e+00 : f32
    %broadcast_in_dim3A_76 = vector.broadcast %broadcast_in_dim3A_75 : f32 to vector<512x1xf32>
    %slice3A = vector.extract_strided_slice %mul3A_64 {offsets = [0, 0], sizes = [512, 64], strides = [1, 1]} : vector<512x512xf32> to vector<512x64xf32>
    %slice3A_77 = vector.extract_strided_slice %dot_general3A_69 {offsets = [0, 0], sizes = [512, 64], strides = [1, 1]} : vector<512x512xf32> to vector<512x64xf32>
    %dot_general3A_78 = arith.constant dense<0.000000e+00> : vector<512x512xf32>
    %dot_general3A_79 = tpu.matmul %slice3A, %slice3A_77, %dot_general3A_78 {dimension_numbers = #tpu.dot_dimension_numbers<[1], [1], [0], [0], [0, 0, 1, 0], [], []>, transpose_lhs_hint = false} : vector<512x64xf32>, vector<512x64xf32>, vector<512x512xf32> -> vector<512x512xf32>
    %add3A_80 = vector.broadcast %select_n3A : vector<1x512xf32> to vector<512x512xf32>
    %add3A_81 = arith.addf %dot_general3A_79, %add3A_80 : vector<512x512xf32>
    %exp3A = math.exp %add3A_81 : vector<512x512xf32>
    %slice3A_82 = vector.extract_strided_slice %dot_general3A_74 {offsets = [0, 0], sizes = [512, 64], strides = [1, 1]} : vector<512x512xf32> to vector<512x64xf32>
    %concatenate3A = tpu.concatenate %slice3A_82, %broadcast_in_dim3A_76 in 1 : vector<512x64xf32>, vector<512x1xf32> -> vector<512x65xf32>
    %dot_general3A_83 = arith.constant dense<0.000000e+00> : vector<512x65xf32>
    %dot_general3A_84 = tpu.matmul %exp3A, %concatenate3A, %dot_general3A_83 {dimension_numbers = #tpu.dot_dimension_numbers<[1], [0], [0], [1], [0, 0, 1, 1], [], []>, transpose_lhs_hint = false} : vector<512x512xf32>, vector<512x65xf32>, vector<512x65xf32> -> vector<512x65xf32>
    %slice3A_85 = vector.extract_strided_slice %dot_general3A_84 {offsets = [0, 0], sizes = [512, 64], strides = [1, 1]} : vector<512x65xf32> to vector<512x64xf32>
    %slice3A_86 = vector.extract_strided_slice %dot_general3A_84 {offsets = [0, 64], sizes = [512, 1], strides = [1, 1]} : vector<512x65xf32> to vector<512x1xf32>
    %div3A_87 = arith.constant 1.000000e+00 : f32
    %div3A_88 = vector.broadcast %div3A_87 : f32 to vector<512x1xf32>
    %div3A_89 = arith.divf %div3A_88, %slice3A_86 : vector<512x1xf32>
    %mul3A_90 = vector.broadcast %div3A_89 : vector<512x1xf32> to vector<512x64xf32>
    %mul3A_91 = arith.mulf %slice3A_85, %mul3A_90 : vector<512x64xf32>
    %slice3A_92 = vector.extract_strided_slice %mul3A_64 {offsets = [0, 64], sizes = [512, 64], strides = [1, 1]} : vector<512x512xf32> to vector<512x64xf32>
    %slice3A_93 = vector.extract_strided_slice %dot_general3A_69 {offsets = [0, 64], sizes = [512, 64], strides = [1, 1]} : vector<512x512xf32> to vector<512x64xf32>
    %dot_general3A_94 = arith.constant dense<0.000000e+00> : vector<512x512xf32>
    %dot_general3A_95 = tpu.matmul %slice3A_92, %slice3A_93, %dot_general3A_94 {dimension_numbers = #tpu.dot_dimension_numbers<[1], [1], [0], [0], [0, 0, 1, 0], [], []>, transpose_lhs_hint = false} : vector<512x64xf32>, vector<512x64xf32>, vector<512x512xf32> -> vector<512x512xf32>
    %add3A_96 = vector.broadcast %select_n3A : vector<1x512xf32> to vector<512x512xf32>
    %add3A_97 = arith.addf %dot_general3A_95, %add3A_96 : vector<512x512xf32>
    %exp3A_98 = math.exp %add3A_97 : vector<512x512xf32>
    %slice3A_99 = vector.extract_strided_slice %dot_general3A_74 {offsets = [0, 64], sizes = [512, 64], strides = [1, 1]} : vector<512x512xf32> to vector<512x64xf32>
    %concatenate3A_100 = tpu.concatenate %slice3A_99, %broadcast_in_dim3A_76 in 1 : vector<512x64xf32>, vector<512x1xf32> -> vector<512x65xf32>
    %dot_general3A_101 = arith.constant dense<0.000000e+00> : vector<512x65xf32>
    %dot_general3A_102 = tpu.matmul %exp3A_98, %concatenate3A_100, %dot_general3A_101 {dimension_numbers = #tpu.dot_dimension_numbers<[1], [0], [0], [1], [0, 0, 1, 1], [], []>, transpose_lhs_hint = false} : vector<512x512xf32>, vector<512x65xf32>, vector<512x65xf32> -> vector<512x65xf32>
    %slice3A_103 = vector.extract_strided_slice %dot_general3A_102 {offsets = [0, 0], sizes = [512, 64], strides = [1, 1]} : vector<512x65xf32> to vector<512x64xf32>
    %slice3A_104 = vector.extract_strided_slice %dot_general3A_102 {offsets = [0, 64], sizes = [512, 1], strides = [1, 1]} : vector<512x65xf32> to vector<512x1xf32>
    %div3A_105 = arith.constant 1.000000e+00 : f32
    %div3A_106 = vector.broadcast %div3A_105 : f32 to vector<512x1xf32>
    %div3A_107 = arith.divf %div3A_106, %slice3A_104 : vector<512x1xf32>
    %mul3A_108 = vector.broadcast %div3A_107 : vector<512x1xf32> to vector<512x64xf32>
    %mul3A_109 = arith.mulf %slice3A_103, %mul3A_108 : vector<512x64xf32>
    %slice3A_110 = vector.extract_strided_slice %mul3A_64 {offsets = [0, 128], sizes = [512, 64], strides = [1, 1]} : vector<512x512xf32> to vector<512x64xf32>
    %slice3A_111 = vector.extract_strided_slice %dot_general3A_69 {offsets = [0, 128], sizes = [512, 64], strides = [1, 1]} : vector<512x512xf32> to vector<512x64xf32>
    %dot_general3A_112 = arith.constant dense<0.000000e+00> : vector<512x512xf32>
    %dot_general3A_113 = tpu.matmul %slice3A_110, %slice3A_111, %dot_general3A_112 {dimension_numbers = #tpu.dot_dimension_numbers<[1], [1], [0], [0], [0, 0, 1, 0], [], []>, transpose_lhs_hint = false} : vector<512x64xf32>, vector<512x64xf32>, vector<512x512xf32> -> vector<512x512xf32>
    %add3A_114 = vector.broadcast %select_n3A : vector<1x512xf32> to vector<512x512xf32>
    %add3A_115 = arith.addf %dot_general3A_113, %add3A_114 : vector<512x512xf32>
    %exp3A_116 = math.exp %add3A_115 : vector<512x512xf32>
    %slice3A_117 = vector.extract_strided_slice %dot_general3A_74 {offsets = [0, 128], sizes = [512, 64], strides = [1, 1]} : vector<512x512xf32> to vector<512x64xf32>
    %concatenate3A_118 = tpu.concatenate %slice3A_117, %broadcast_in_dim3A_76 in 1 : vector<512x64xf32>, vector<512x1xf32> -> vector<512x65xf32>
    %dot_general3A_119 = arith.constant dense<0.000000e+00> : vector<512x65xf32>
    %dot_general3A_120 = tpu.matmul %exp3A_116, %concatenate3A_118, %dot_general3A_119 {dimension_numbers = #tpu.dot_dimension_numbers<[1], [0], [0], [1], [0, 0, 1, 1], [], []>, transpose_lhs_hint = false} : vector<512x512xf32>, vector<512x65xf32>, vector<512x65xf32> -> vector<512x65xf32>
    %slice3A_121 = vector.extract_strided_slice %dot_general3A_120 {offsets = [0, 0], sizes = [512, 64], strides = [1, 1]} : vector<512x65xf32> to vector<512x64xf32>
    %slice3A_122 = vector.extract_strided_slice %dot_general3A_120 {offsets = [0, 64], sizes = [512, 1], strides = [1, 1]} : vector<512x65xf32> to vector<512x1xf32>
    %div3A_123 = arith.constant 1.000000e+00 : f32
    %div3A_124 = vector.broadcast %div3A_123 : f32 to vector<512x1xf32>
    %div3A_125 = arith.divf %div3A_124, %slice3A_122 : vector<512x1xf32>
    %mul3A_126 = vector.broadcast %div3A_125 : vector<512x1xf32> to vector<512x64xf32>
    %mul3A_127 = arith.mulf %slice3A_121, %mul3A_126 : vector<512x64xf32>
    %slice3A_128 = vector.extract_strided_slice %mul3A_64 {offsets = [0, 192], sizes = [512, 64], strides = [1, 1]} : vector<512x512xf32> to vector<512x64xf32>
    %slice3A_129 = vector.extract_strided_slice %dot_general3A_69 {offsets = [0, 192], sizes = [512, 64], strides = [1, 1]} : vector<512x512xf32> to vector<512x64xf32>
    %dot_general3A_130 = arith.constant dense<0.000000e+00> : vector<512x512xf32>
    %dot_general3A_131 = tpu.matmul %slice3A_128, %slice3A_129, %dot_general3A_130 {dimension_numbers = #tpu.dot_dimension_numbers<[1], [1], [0], [0], [0, 0, 1, 0], [], []>, transpose_lhs_hint = false} : vector<512x64xf32>, vector<512x64xf32>, vector<512x512xf32> -> vector<512x512xf32>
    %add3A_132 = vector.broadcast %select_n3A : vector<1x512xf32> to vector<512x512xf32>
    %add3A_133 = arith.addf %dot_general3A_131, %add3A_132 : vector<512x512xf32>
    %exp3A_134 = math.exp %add3A_133 : vector<512x512xf32>
    %slice3A_135 = vector.extract_strided_slice %dot_general3A_74 {offsets = [0, 192], sizes = [512, 64], strides = [1, 1]} : vector<512x512xf32> to vector<512x64xf32>
    %concatenate3A_136 = tpu.concatenate %slice3A_135, %broadcast_in_dim3A_76 in 1 : vector<512x64xf32>, vector<512x1xf32> -> vector<512x65xf32>
    %dot_general3A_137 = arith.constant dense<0.000000e+00> : vector<512x65xf32>
    %dot_general3A_138 = tpu.matmul %exp3A_134, %concatenate3A_136, %dot_general3A_137 {dimension_numbers = #tpu.dot_dimension_numbers<[1], [0], [0], [1], [0, 0, 1, 1], [], []>, transpose_lhs_hint = false} : vector<512x512xf32>, vector<512x65xf32>, vector<512x65xf32> -> vector<512x65xf32>
    %slice3A_139 = vector.extract_strided_slice %dot_general3A_138 {offsets = [0, 0], sizes = [512, 64], strides = [1, 1]} : vector<512x65xf32> to vector<512x64xf32>
    %slice3A_140 = vector.extract_strided_slice %dot_general3A_138 {offsets = [0, 64], sizes = [512, 1], strides = [1, 1]} : vector<512x65xf32> to vector<512x1xf32>
    %div3A_141 = arith.constant 1.000000e+00 : f32
    %div3A_142 = vector.broadcast %div3A_141 : f32 to vector<512x1xf32>
    %div3A_143 = arith.divf %div3A_142, %slice3A_140 : vector<512x1xf32>
    %mul3A_144 = vector.broadcast %div3A_143 : vector<512x1xf32> to vector<512x64xf32>
    %mul3A_145 = arith.mulf %slice3A_139, %mul3A_144 : vector<512x64xf32>
    %slice3A_146 = vector.extract_strided_slice %mul3A_64 {offsets = [0, 256], sizes = [512, 64], strides = [1, 1]} : vector<512x512xf32> to vector<512x64xf32>
    %slice3A_147 = vector.extract_strided_slice %dot_general3A_69 {offsets = [0, 256], sizes = [512, 64], strides = [1, 1]} : vector<512x512xf32> to vector<512x64xf32>
    %dot_general3A_148 = arith.constant dense<0.000000e+00> : vector<512x512xf32>
    %dot_general3A_149 = tpu.matmul %slice3A_146, %slice3A_147, %dot_general3A_148 {dimension_numbers = #tpu.dot_dimension_numbers<[1], [1], [0], [0], [0, 0, 1, 0], [], []>, transpose_lhs_hint = false} : vector<512x64xf32>, vector<512x64xf32>, vector<512x512xf32> -> vector<512x512xf32>
    %add3A_150 = vector.broadcast %select_n3A : vector<1x512xf32> to vector<512x512xf32>
    %add3A_151 = arith.addf %dot_general3A_149, %add3A_150 : vector<512x512xf32>
    %exp3A_152 = math.exp %add3A_151 : vector<512x512xf32>
    %slice3A_153 = vector.extract_strided_slice %dot_general3A_74 {offsets = [0, 256], sizes = [512, 64], strides = [1, 1]} : vector<512x512xf32> to vector<512x64xf32>
    %concatenate3A_154 = tpu.concatenate %slice3A_153, %broadcast_in_dim3A_76 in 1 : vector<512x64xf32>, vector<512x1xf32> -> vector<512x65xf32>
    %dot_general3A_155 = arith.constant dense<0.000000e+00> : vector<512x65xf32>
    %dot_general3A_156 = tpu.matmul %exp3A_152, %concatenate3A_154, %dot_general3A_155 {dimension_numbers = #tpu.dot_dimension_numbers<[1], [0], [0], [1], [0, 0, 1, 1], [], []>, transpose_lhs_hint = false} : vector<512x512xf32>, vector<512x65xf32>, vector<512x65xf32> -> vector<512x65xf32>
    %slice3A_157 = vector.extract_strided_slice %dot_general3A_156 {offsets = [0, 0], sizes = [512, 64], strides = [1, 1]} : vector<512x65xf32> to vector<512x64xf32>
    %slice3A_158 = vector.extract_strided_slice %dot_general3A_156 {offsets = [0, 64], sizes = [512, 1], strides = [1, 1]} : vector<512x65xf32> to vector<512x1xf32>
    %div3A_159 = arith.constant 1.000000e+00 : f32
    %div3A_160 = vector.broadcast %div3A_159 : f32 to vector<512x1xf32>
    %div3A_161 = arith.divf %div3A_160, %slice3A_158 : vector<512x1xf32>
    %mul3A_162 = vector.broadcast %div3A_161 : vector<512x1xf32> to vector<512x64xf32>
    %mul3A_163 = arith.mulf %slice3A_157, %mul3A_162 : vector<512x64xf32>
    %slice3A_164 = vector.extract_strided_slice %mul3A_64 {offsets = [0, 320], sizes = [512, 64], strides = [1, 1]} : vector<512x512xf32> to vector<512x64xf32>
    %slice3A_165 = vector.extract_strided_slice %dot_general3A_69 {offsets = [0, 320], sizes = [512, 64], strides = [1, 1]} : vector<512x512xf32> to vector<512x64xf32>
    %dot_general3A_166 = arith.constant dense<0.000000e+00> : vector<512x512xf32>
    %dot_general3A_167 = tpu.matmul %slice3A_164, %slice3A_165, %dot_general3A_166 {dimension_numbers = #tpu.dot_dimension_numbers<[1], [1], [0], [0], [0, 0, 1, 0], [], []>, transpose_lhs_hint = false} : vector<512x64xf32>, vector<512x64xf32>, vector<512x512xf32> -> vector<512x512xf32>
    %add3A_168 = vector.broadcast %select_n3A : vector<1x512xf32> to vector<512x512xf32>
    %add3A_169 = arith.addf %dot_general3A_167, %add3A_168 : vector<512x512xf32>
    %exp3A_170 = math.exp %add3A_169 : vector<512x512xf32>
    %slice3A_171 = vector.extract_strided_slice %dot_general3A_74 {offsets = [0, 320], sizes = [512, 64], strides = [1, 1]} : vector<512x512xf32> to vector<512x64xf32>
    %concatenate3A_172 = tpu.concatenate %slice3A_171, %broadcast_in_dim3A_76 in 1 : vector<512x64xf32>, vector<512x1xf32> -> vector<512x65xf32>
    %dot_general3A_173 = arith.constant dense<0.000000e+00> : vector<512x65xf32>
    %dot_general3A_174 = tpu.matmul %exp3A_170, %concatenate3A_172, %dot_general3A_173 {dimension_numbers = #tpu.dot_dimension_numbers<[1], [0], [0], [1], [0, 0, 1, 1], [], []>, transpose_lhs_hint = false} : vector<512x512xf32>, vector<512x65xf32>, vector<512x65xf32> -> vector<512x65xf32>
    %slice3A_175 = vector.extract_strided_slice %dot_general3A_174 {offsets = [0, 0], sizes = [512, 64], strides = [1, 1]} : vector<512x65xf32> to vector<512x64xf32>
    %slice3A_176 = vector.extract_strided_slice %dot_general3A_174 {offsets = [0, 64], sizes = [512, 1], strides = [1, 1]} : vector<512x65xf32> to vector<512x1xf32>
    %div3A_177 = arith.constant 1.000000e+00 : f32
    %div3A_178 = vector.broadcast %div3A_177 : f32 to vector<512x1xf32>
    %div3A_179 = arith.divf %div3A_178, %slice3A_176 : vector<512x1xf32>
    %mul3A_180 = vector.broadcast %div3A_179 : vector<512x1xf32> to vector<512x64xf32>
    %mul3A_181 = arith.mulf %slice3A_175, %mul3A_180 : vector<512x64xf32>
    %slice3A_182 = vector.extract_strided_slice %mul3A_64 {offsets = [0, 384], sizes = [512, 64], strides = [1, 1]} : vector<512x512xf32> to vector<512x64xf32>
    %slice3A_183 = vector.extract_strided_slice %dot_general3A_69 {offsets = [0, 384], sizes = [512, 64], strides = [1, 1]} : vector<512x512xf32> to vector<512x64xf32>
    %dot_general3A_184 = arith.constant dense<0.000000e+00> : vector<512x512xf32>
    %dot_general3A_185 = tpu.matmul %slice3A_182, %slice3A_183, %dot_general3A_184 {dimension_numbers = #tpu.dot_dimension_numbers<[1], [1], [0], [0], [0, 0, 1, 0], [], []>, transpose_lhs_hint = false} : vector<512x64xf32>, vector<512x64xf32>, vector<512x512xf32> -> vector<512x512xf32>
    %add3A_186 = vector.broadcast %select_n3A : vector<1x512xf32> to vector<512x512xf32>
    %add3A_187 = arith.addf %dot_general3A_185, %add3A_186 : vector<512x512xf32>
    %exp3A_188 = math.exp %add3A_187 : vector<512x512xf32>
    %slice3A_189 = vector.extract_strided_slice %dot_general3A_74 {offsets = [0, 384], sizes = [512, 64], strides = [1, 1]} : vector<512x512xf32> to vector<512x64xf32>
    %concatenate3A_190 = tpu.concatenate %slice3A_189, %broadcast_in_dim3A_76 in 1 : vector<512x64xf32>, vector<512x1xf32> -> vector<512x65xf32>
    %dot_general3A_191 = arith.constant dense<0.000000e+00> : vector<512x65xf32>
    %dot_general3A_192 = tpu.matmul %exp3A_188, %concatenate3A_190, %dot_general3A_191 {dimension_numbers = #tpu.dot_dimension_numbers<[1], [0], [0], [1], [0, 0, 1, 1], [], []>, transpose_lhs_hint = false} : vector<512x512xf32>, vector<512x65xf32>, vector<512x65xf32> -> vector<512x65xf32>
    %slice3A_193 = vector.extract_strided_slice %dot_general3A_192 {offsets = [0, 0], sizes = [512, 64], strides = [1, 1]} : vector<512x65xf32> to vector<512x64xf32>
    %slice3A_194 = vector.extract_strided_slice %dot_general3A_192 {offsets = [0, 64], sizes = [512, 1], strides = [1, 1]} : vector<512x65xf32> to vector<512x1xf32>
    %div3A_195 = arith.constant 1.000000e+00 : f32
    %div3A_196 = vector.broadcast %div3A_195 : f32 to vector<512x1xf32>
    %div3A_197 = arith.divf %div3A_196, %slice3A_194 : vector<512x1xf32>
    %mul3A_198 = vector.broadcast %div3A_197 : vector<512x1xf32> to vector<512x64xf32>
    %mul3A_199 = arith.mulf %slice3A_193, %mul3A_198 : vector<512x64xf32>
    %slice3A_200 = vector.extract_strided_slice %mul3A_64 {offsets = [0, 448], sizes = [512, 64], strides = [1, 1]} : vector<512x512xf32> to vector<512x64xf32>
    %slice3A_201 = vector.extract_strided_slice %dot_general3A_69 {offsets = [0, 448], sizes = [512, 64], strides = [1, 1]} : vector<512x512xf32> to vector<512x64xf32>
    %dot_general3A_202 = arith.constant dense<0.000000e+00> : vector<512x512xf32>
    %dot_general3A_203 = tpu.matmul %slice3A_200, %slice3A_201, %dot_general3A_202 {dimension_numbers = #tpu.dot_dimension_numbers<[1], [1], [0], [0], [0, 0, 1, 0], [], []>, transpose_lhs_hint = false} : vector<512x64xf32>, vector<512x64xf32>, vector<512x512xf32> -> vector<512x512xf32>
    %add3A_204 = vector.broadcast %select_n3A : vector<1x512xf32> to vector<512x512xf32>
    %add3A_205 = arith.addf %dot_general3A_203, %add3A_204 : vector<512x512xf32>
    %exp3A_206 = math.exp %add3A_205 : vector<512x512xf32>
    %slice3A_207 = vector.extract_strided_slice %dot_general3A_74 {offsets = [0, 448], sizes = [512, 64], strides = [1, 1]} : vector<512x512xf32> to vector<512x64xf32>
    %concatenate3A_208 = tpu.concatenate %slice3A_207, %broadcast_in_dim3A_76 in 1 : vector<512x64xf32>, vector<512x1xf32> -> vector<512x65xf32>
    %dot_general3A_209 = arith.constant dense<0.000000e+00> : vector<512x65xf32>
    %dot_general3A_210 = tpu.matmul %exp3A_206, %concatenate3A_208, %dot_general3A_209 {dimension_numbers = #tpu.dot_dimension_numbers<[1], [0], [0], [1], [0, 0, 1, 1], [], []>, transpose_lhs_hint = false} : vector<512x512xf32>, vector<512x65xf32>, vector<512x65xf32> -> vector<512x65xf32>
    %slice3A_211 = vector.extract_strided_slice %dot_general3A_210 {offsets = [0, 0], sizes = [512, 64], strides = [1, 1]} : vector<512x65xf32> to vector<512x64xf32>
    %slice3A_212 = vector.extract_strided_slice %dot_general3A_210 {offsets = [0, 64], sizes = [512, 1], strides = [1, 1]} : vector<512x65xf32> to vector<512x1xf32>
    %div3A_213 = arith.constant 1.000000e+00 : f32
    %div3A_214 = vector.broadcast %div3A_213 : f32 to vector<512x1xf32>
    %div3A_215 = arith.divf %div3A_214, %slice3A_212 : vector<512x1xf32>
    %mul3A_216 = vector.broadcast %div3A_215 : vector<512x1xf32> to vector<512x64xf32>
    %mul3A_217 = arith.mulf %slice3A_211, %mul3A_216 : vector<512x64xf32>
    %concatenate3A_218 = tpu.concatenate %mul3A_91, %mul3A_109, %mul3A_127, %mul3A_145, %mul3A_163, %mul3A_181, %mul3A_199, %mul3A_217 in 1 : vector<512x64xf32>, vector<512x64xf32>, vector<512x64xf32>, vector<512x64xf32>, vector<512x64xf32>, vector<512x64xf32>, vector<512x64xf32>, vector<512x64xf32> -> vector<512x512xf32>
    %get3A_219 = arith.constant 0 : index
    %get3A_220 = arith.constant 0 : index
    %get3A_221 = vector.load %arg7[%get3A_219, %get3A_220] : memref<512x512xf32, #tpu.memory_space<vmem>>, vector<512x512xf32>
    %dot_general3A_222 = arith.constant dense<0.000000e+00> : vector<512x512xf32>
    %dot_general3A_223 = tpu.matmul %concatenate3A_218, %get3A_221, %dot_general3A_222 {dimension_numbers = #tpu.dot_dimension_numbers<[1], [0], [0], [1], [0, 0, 1, 1], [], []>, transpose_lhs_hint = false} : vector<512x512xf32>, vector<512x512xf32>, vector<512x512xf32> -> vector<512x512xf32>
    %add3A_224 = arith.addf %add3A, %dot_general3A_223 : vector<512x512xf32>
    %get3A_225 = arith.constant 0 : index
    %get3A_226 = arith.constant 0 : index
    %get3A_227 = vector.load %arg14[%get3A_225, %get3A_226] : memref<1x512xf32, #tpu.memory_space<vmem>>, vector<1x512xf32>
    %get3A_228 = arith.constant 0 : index
    %get3A_229 = arith.constant 0 : index
    %get3A_230 = vector.load %arg15[%get3A_228, %get3A_229] : memref<1x512xf32, #tpu.memory_space<vmem>>, vector<1x512xf32>
    %reduce_sum3A_231 = arith.constant dense<0.000000e+00> : vector<512xf32>
    %reduce_sum3A_232 = vector.multi_reduction <add>, %add3A_224, %reduce_sum3A_231 [1] : vector<512x512xf32> to vector<512xf32>
    %broadcast_in_dim3A_233 = vector.shape_cast %reduce_sum3A_232 : vector<512xf32> to vector<512x1xf32>
    %div3A_234 = arith.constant 5.120000e+02 : f32
    %div3A_235 = vector.broadcast %div3A_234 : f32 to vector<512x1xf32>
    %div3A_236 = arith.divf %broadcast_in_dim3A_233, %div3A_235 : vector<512x1xf32>
    %jit3A_237 = arith.constant 0 : i32
    %reduce_sum3A_238 = arith.constant dense<0.000000e+00> : vector<512xf32>
    %reduce_sum3A_239 = vector.multi_reduction <add>, %add3A_224, %reduce_sum3A_238 [1] : vector<512x512xf32> to vector<512xf32>
    %broadcast_in_dim3A_240 = vector.shape_cast %reduce_sum3A_239 : vector<512xf32> to vector<512x1xf32>
    %div3A_241 = arith.constant 5.120000e+02 : f32
    %div3A_242 = vector.broadcast %div3A_241 : f32 to vector<512x1xf32>
    %div3A_243 = arith.divf %broadcast_in_dim3A_240, %div3A_242 : vector<512x1xf32>
    %sub3A_244 = vector.broadcast %div3A_243 : vector<512x1xf32> to vector<512x512xf32>
    %sub3A_245 = arith.subf %add3A_224, %sub3A_244 : vector<512x512xf32>
    %square3A_246 = arith.mulf %sub3A_245, %sub3A_245 : vector<512x512xf32>
    %convert_element_type3A_247 = arith.sitofp %jit3A_237 : i32 to f32
    %sub3A_248 = arith.constant 5.120000e+02 : f32
    %sub3A_249 = arith.subf %sub3A_248, %convert_element_type3A_247 : f32
    %reduce_sum3A_250 = arith.constant dense<0.000000e+00> : vector<512xf32>
    %reduce_sum3A_251 = vector.multi_reduction <add>, %square3A_246, %reduce_sum3A_250 [1] : vector<512x512xf32> to vector<512xf32>
    %broadcast_in_dim3A_252 = vector.shape_cast %reduce_sum3A_251 : vector<512xf32> to vector<512x1xf32>
    %div3A_253 = vector.broadcast %sub3A_249 : f32 to vector<512x1xf32>
    %div3A_254 = arith.divf %broadcast_in_dim3A_252, %div3A_253 : vector<512x1xf32>
    %gt3A_255 = arith.constant 0.000000e+00 : f32
    %gt3A_256 = arith.cmpf ogt, %sub3A_249, %gt3A_255 : f32
    %jit3A_257 = arith.constant 0x7FC00000 : f32
    %broadcast_in_dim3A_258 = vector.broadcast %jit3A_257 : f32 to vector<512x1xf32>
    %select_n3A_259 = arith.select %gt3A_256, %div3A_254, %broadcast_in_dim3A_258 : vector<512x1xf32>
    %sub3A_260 = vector.broadcast %div3A_236 : vector<512x1xf32> to vector<512x512xf32>
    %sub3A_261 = arith.subf %add3A_224, %sub3A_260 : vector<512x512xf32>
    %add3A_262 = arith.constant 9.99999974E-6 : f32
    %add3A_263 = vector.broadcast %add3A_262 : f32 to vector<512x1xf32>
    %add3A_264 = arith.addf %select_n3A_259, %add3A_263 : vector<512x1xf32>
    %sqrt3A_265 = math.sqrt %add3A_264 : vector<512x1xf32>
    %div3A_266 = vector.broadcast %sqrt3A_265 : vector<512x1xf32> to vector<512x512xf32>
    %div3A_267 = arith.divf %sub3A_261, %div3A_266 : vector<512x512xf32>
    %mul3A_268 = vector.broadcast %get3A_227 : vector<1x512xf32> to vector<512x512xf32>
    %mul3A_269 = arith.mulf %div3A_267, %mul3A_268 : vector<512x512xf32>
    %add3A_270 = vector.broadcast %get3A_230 : vector<1x512xf32> to vector<512x512xf32>
    %add3A_271 = arith.addf %mul3A_269, %add3A_270 : vector<512x512xf32>
    %get3A_272 = arith.constant 0 : index
    %get3A_273 = arith.constant 0 : index
    %get3A_274 = vector.load %arg8[%get3A_272, %get3A_273] : memref<512x2048xf32, #tpu.memory_space<vmem>>, vector<512x2048xf32>
    %dot_general3A_275 = arith.constant dense<0.000000e+00> : vector<512x2048xf32>
    %dot_general3A_276 = tpu.matmul %add3A_271, %get3A_274, %dot_general3A_275 {dimension_numbers = #tpu.dot_dimension_numbers<[1], [0], [0], [1], [0, 0, 1, 1], [], []>, transpose_lhs_hint = false} : vector<512x512xf32>, vector<512x2048xf32>, vector<512x2048xf32> -> vector<512x2048xf32>
    %get3A_277 = arith.constant 0 : index
    %get3A_278 = arith.constant 0 : index
    %get3A_279 = vector.load %arg9[%get3A_277, %get3A_278] : memref<1x2048xf32, #tpu.memory_space<vmem>>, vector<1x2048xf32>
    %add3A_280 = vector.broadcast %get3A_279 : vector<1x2048xf32> to vector<512x2048xf32>
    %add3A_281 = arith.addf %dot_general3A_276, %add3A_280 : vector<512x2048xf32>
    %max3A = arith.constant 0.000000e+00 : f32
    %max3A_282 = vector.broadcast %max3A : f32 to vector<512x2048xf32>
    %max3A_283 = arith.maximumf %add3A_281, %max3A_282 : vector<512x2048xf32>
    %get3A_284 = arith.constant 0 : index
    %get3A_285 = arith.constant 0 : index
    %get3A_286 = vector.load %arg10[%get3A_284, %get3A_285] : memref<2048x512xf32, #tpu.memory_space<vmem>>, vector<2048x512xf32>
    %dot_general3A_287 = arith.constant dense<0.000000e+00> : vector<512x512xf32>
    %dot_general3A_288 = tpu.matmul %max3A_283, %get3A_286, %dot_general3A_287 {dimension_numbers = #tpu.dot_dimension_numbers<[1], [0], [0], [1], [0, 0, 1, 1], [], []>, transpose_lhs_hint = false} : vector<512x2048xf32>, vector<2048x512xf32>, vector<512x512xf32> -> vector<512x512xf32>
    %add3A_289 = arith.addf %add3A_224, %dot_general3A_288 : vector<512x512xf32>
    %get3A_290 = arith.constant 0 : index
    %get3A_291 = arith.constant 0 : index
    %get3A_292 = vector.load %arg11[%get3A_290, %get3A_291] : memref<1x512xf32, #tpu.memory_space<vmem>>, vector<1x512xf32>
    %add3A_293 = vector.broadcast %get3A_292 : vector<1x512xf32> to vector<512x512xf32>
    %add3A_294 = arith.addf %add3A_289, %add3A_293 : vector<512x512xf32>
    %convert_element_type3A_295 = arith.extui %reshape3A : vector<1x512xi1> to vector<1x512xi32>
    %convert_element_type3A_296 = arith.sitofp %convert_element_type3A_295 : vector<1x512xi32> to vector<1x512xf32>
    %transpose3A = tpu.transpose %convert_element_type3A_296, [1, 0] : vector<1x512xf32> -> vector<512x1xf32>
    %mul3A_297 = vector.broadcast %transpose3A : vector<512x1xf32> to vector<512x512xf32>
    %mul3A_298 = arith.mulf %add3A_294, %mul3A_297 : vector<512x512xf32>
    %swap3A = arith.constant 0 : index
    %swap3A_299 = arith.constant 0 : index
    %swap3A_300 = arith.constant 0 : index
    %swap3A_301 = vector.load %arg16[%swap3A, %swap3A_299, %swap3A_300] : memref<1x512x512xf32, #tpu.memory_space<vmem>>, vector<1x512x512xf32>
    %swap3A_302 = vector.shape_cast %swap3A_301 : vector<1x512x512xf32> to vector<512x512xf32>
    %swap3A_303 = vector.shape_cast %mul3A_298 : vector<512x512xf32> to vector<1x512x512xf32>
    tpu.vector_store %arg16[%swap3A, %swap3A_299, %swap3A_300], %swap3A_303 {strides = array<i32>} : memref<1x512x512xf32, #tpu.memory_space<vmem>>, vector<1x512x512xf32>,
    %convert_element_type3A_304 = arith.extui %reshape3A : vector<1x512xi1> to vector<1x512xi32>
    %convert_element_type3A_305 = arith.sitofp %convert_element_type3A_304 : vector<1x512xi32> to vector<1x512xf32>
    %reduce_sum3A_306 = arith.constant dense<0.000000e+00> : vector<1xf32>
    %reduce_sum3A_307 = vector.multi_reduction <add>, %convert_element_type3A_305, %reduce_sum3A_306 [1] : vector<1x512xf32> to vector<1xf32>
    %broadcast_in_dim3A_308 = vector.shape_cast %reduce_sum3A_307 : vector<1xf32> to vector<1x1xf32>
    %reshape3A_309 = vector.shape_cast %mul3A_298 : vector<512x512xf32> to vector<1x512x512xf32>
    %reduce_sum3A_310 = arith.constant dense<0.000000e+00> : vector<1x512xf32>
    %reduce_sum3A_311 = vector.multi_reduction <add>, %reshape3A_309, %reduce_sum3A_310 [1] : vector<1x512x512xf32> to vector<1x512xf32>
    %max3A_312 = arith.constant 1.000000e+00 : f32
    %max3A_313 = vector.broadcast %max3A_312 : f32 to vector<1x1xf32>
    %max3A_314 = arith.maximumf %broadcast_in_dim3A_308, %max3A_313 : vector<1x1xf32>
    %mul3A_315 = arith.constant 5.120000e+02 : f32
    %mul3A_316 = vector.broadcast %mul3A_315 : f32 to vector<1x1xf32>
    %mul3A_317 = arith.mulf %mul3A_316, %max3A_314 : vector<1x1xf32>
    %rsqrt3A = math.rsqrt %mul3A_317 : vector<1x1xf32>
    %mul3A_318 = vector.broadcast %rsqrt3A : vector<1x1xf32> to vector<1x512xf32>
    %mul3A_319 = arith.mulf %reduce_sum3A_311, %mul3A_318 : vector<1x512xf32>
    %swap3A_320 = arith.constant 0 : index
    %swap3A_321 = arith.constant 0 : index
    %swap3A_322 = arith.constant 0 : index
    %swap3A_323 = vector.load %arg17[%swap3A_320, %swap3A_321, %swap3A_322] : memref<1x1x512xf32, #tpu.memory_space<vmem>>, vector<1x1x512xf32>
    %swap3A_324 = vector.shape_cast %swap3A_323 : vector<1x1x512xf32> to vector<1x512xf32>
    %swap3A_325 = vector.shape_cast %mul3A_319 : vector<1x512xf32> to vector<1x1x512xf32>
    tpu.vector_store %arg17[%swap3A_320, %swap3A_321, %swap3A_322], %swap3A_325 {strides = array<i32>} : memref<1x1x512xf32, #tpu.memory_space<vmem>>, vector<1x1x512xf32>,
    return
  }
  func.func @transform_0(%arg0: i32) -> (i32, i32, i32) {
    %c0_i32 = arith.constant 0 : i32
    %c0_i32_0 = arith.constant 0 : i32
    %c0_i32_1 = arith.constant 0 : i32
    return %arg0, %c0_i32, %c0_i32_0 : i32, i32, i32
  }
  func.func @transform_1(%arg0: i32) -> (i32, i32, i32) {
    %c0_i32 = arith.constant 0 : i32
    %c0_i32_0 = arith.constant 0 : i32
    %c0_i32_1 = arith.constant 0 : i32
    return %arg0, %c0_i32, %c0_i32_0 : i32, i32, i32
  }
  func.func @transform_2(%arg0: i32) -> (i32, i32) {
    %c0_i32 = arith.constant 0 : i32
    %c0_i32_0 = arith.constant 0 : i32
    %c0_i32_1 = arith.constant 0 : i32
    return %c0_i32, %c0_i32_0 : i32, i32
  }
  func.func @transform_3(%arg0: i32) -> (i32, i32) {
    %c0_i32 = arith.constant 0 : i32
    %c0_i32_0 = arith.constant 0 : i32
    %c0_i32_1 = arith.constant 0 : i32
    return %c0_i32, %c0_i32_0 : i32, i32
  }
  func.func @transform_4(%arg0: i32) -> (i32, i32) {
    %c0_i32 = arith.constant 0 : i32
    %c0_i32_0 = arith.constant 0 : i32
    %c0_i32_1 = arith.constant 0 : i32
    return %c0_i32, %c0_i32_0 : i32, i32
  }
  func.func @transform_5(%arg0: i32) -> (i32, i32) {
    %c0_i32 = arith.constant 0 : i32
    %c0_i32_0 = arith.constant 0 : i32
    %c0_i32_1 = arith.constant 0 : i32
    return %c0_i32, %c0_i32_0 : i32, i32
  }
  func.func @transform_6(%arg0: i32) -> (i32, i32) {
    %c0_i32 = arith.constant 0 : i32
    %c0_i32_0 = arith.constant 0 : i32
    %c0_i32_1 = arith.constant 0 : i32
    return %c0_i32, %c0_i32_0 : i32, i32
  }
  func.func @transform_7(%arg0: i32) -> (i32, i32) {
    %c0_i32 = arith.constant 0 : i32
    %c0_i32_0 = arith.constant 0 : i32
    %c0_i32_1 = arith.constant 0 : i32
    return %c0_i32, %c0_i32_0 : i32, i32
  }
  func.func @transform_8(%arg0: i32) -> (i32, i32) {
    %c0_i32 = arith.constant 0 : i32
    %c0_i32_0 = arith.constant 0 : i32
    %c0_i32_1 = arith.constant 0 : i32
    return %c0_i32, %c0_i32_0 : i32, i32
  }
  func.func @transform_9(%arg0: i32) -> (i32, i32) {
    %c0_i32 = arith.constant 0 : i32
    %c0_i32_0 = arith.constant 0 : i32
    %c0_i32_1 = arith.constant 0 : i32
    return %c0_i32, %c0_i32_0 : i32, i32
  }
  func.func @transform_10(%arg0: i32) -> (i32, i32) {
    %c0_i32 = arith.constant 0 : i32
    %c0_i32_0 = arith.constant 0 : i32
    %c0_i32_1 = arith.constant 0 : i32
    return %c0_i32, %c0_i32_0 : i32, i32
  }
  func.func @transform_11(%arg0: i32) -> (i32, i32) {
    %c0_i32 = arith.constant 0 : i32
    %c0_i32_0 = arith.constant 0 : i32
    %c0_i32_1 = arith.constant 0 : i32
    return %c0_i32, %c0_i32_0 : i32, i32
  }
  func.func @transform_12(%arg0: i32) -> (i32, i32) {
    %c0_i32 = arith.constant 0 : i32
    %c0_i32_0 = arith.constant 0 : i32
    %c0_i32_1 = arith.constant 0 : i32
    return %c0_i32, %c0_i32_0 : i32, i32
  }
  func.func @transform_13(%arg0: i32) -> (i32, i32) {
    %c0_i32 = arith.constant 0 : i32
    %c0_i32_0 = arith.constant 0 : i32
    %c0_i32_1 = arith.constant 0 : i32
    return %c0_i32, %c0_i32_0 : i32, i32
  }
  func.func @transform_14(%arg0: i32) -> (i32, i32) {
    %c0_i32 = arith.constant 0 : i32
    %c0_i32_0 = arith.constant 0 : i32
    %c0_i32_1 = arith.constant 0 : i32
    return %c0_i32, %c0_i32_0 : i32, i32
  }
  func.func @transform_15(%arg0: i32) -> (i32, i32, i32) {
    %c0_i32 = arith.constant 0 : i32
    %c0_i32_0 = arith.constant 0 : i32
    %c0_i32_1 = arith.constant 0 : i32
    return %arg0, %c0_i32, %c0_i32_0 : i32, i32, i32
  }
  func.func @transform_16(%arg0: i32) -> (i32, i32, i32) {
    %c0_i32 = arith.constant 0 : i32
    %c0_i32_0 = arith.constant 0 : i32
    %c0_i32_1 = arith.constant 0 : i32
    return %arg0, %c0_i32, %c0_i32_0 : i32, i32, i32
  }
}

module attributes {stable_mosaic.version = 14 : i64} {
  func.func @_enc_kernel(%arg0: i32, %arg1: memref<1x1x512xi32, #tpu.memory_space<vmem>>, %arg2: memref<1x512x512xf32, #tpu.memory_space<vmem>>, %arg3: memref<128x512xf32, #tpu.memory_space<vmem>>, %arg4: memref<512x512xf32, #tpu.memory_space<vmem>>, %arg5: memref<512x512xf32, #tpu.memory_space<vmem>>, %arg6: memref<512x512xf32, #tpu.memory_space<vmem>>, %arg7: memref<512x512xf32, #tpu.memory_space<vmem>>, %arg8: memref<512x512xf32, #tpu.memory_space<vmem>>, %arg9: memref<512x2048xf32, #tpu.memory_space<vmem>>, %arg10: memref<1x2048xf32, #tpu.memory_space<vmem>>, %arg11: memref<2048x512xf32, #tpu.memory_space<vmem>>, %arg12: memref<1x512xf32, #tpu.memory_space<vmem>>, %arg13: memref<1x512xf32, #tpu.memory_space<vmem>>, %arg14: memref<1x512xf32, #tpu.memory_space<vmem>>, %arg15: memref<1x512xf32, #tpu.memory_space<vmem>>, %arg16: memref<1x512xf32, #tpu.memory_space<vmem>>, %arg17: memref<1x512x512xf32, #tpu.memory_space<vmem>>, %arg18: memref<1x4x512xf32, #tpu.memory_space<vmem>>) attributes {dimension_semantics = [#tpu.dimension_semantics<arbitrary>], iteration_bounds = array<i64: 32>, scalar_prefetch = 0 : i64, scratch_operands = 0 : i64, tpu.core_type = #tpu.core_type<tc>, window_params = [{transform_indices = @transform_0, window_bounds = array<i64: 1, 1, 512>}, {transform_indices = @transform_1, window_bounds = array<i64: 1, 512, 512>}, {pipeline_mode = #tpu.pipeline_mode<synchronous>, transform_indices = @transform_2, window_bounds = array<i64: 128, 512>}, {pipeline_mode = #tpu.pipeline_mode<synchronous>, transform_indices = @transform_3, window_bounds = array<i64: 512, 512>}, {pipeline_mode = #tpu.pipeline_mode<synchronous>, transform_indices = @transform_4, window_bounds = array<i64: 512, 512>}, {pipeline_mode = #tpu.pipeline_mode<synchronous>, transform_indices = @transform_5, window_bounds = array<i64: 512, 512>}, {pipeline_mode = #tpu.pipeline_mode<synchronous>, transform_indices = @transform_6, window_bounds = array<i64: 512, 512>}, {pipeline_mode = #tpu.pipeline_mode<synchronous>, transform_indices = @transform_7, window_bounds = array<i64: 512, 512>}, {pipeline_mode = #tpu.pipeline_mode<synchronous>, transform_indices = @transform_8, window_bounds = array<i64: 512, 2048>}, {pipeline_mode = #tpu.pipeline_mode<synchronous>, transform_indices = @transform_9, window_bounds = array<i64: 1, 2048>}, {pipeline_mode = #tpu.pipeline_mode<synchronous>, transform_indices = @transform_10, window_bounds = array<i64: 2048, 512>}, {pipeline_mode = #tpu.pipeline_mode<synchronous>, transform_indices = @transform_11, window_bounds = array<i64: 1, 512>}, {pipeline_mode = #tpu.pipeline_mode<synchronous>, transform_indices = @transform_12, window_bounds = array<i64: 1, 512>}, {pipeline_mode = #tpu.pipeline_mode<synchronous>, transform_indices = @transform_13, window_bounds = array<i64: 1, 512>}, {pipeline_mode = #tpu.pipeline_mode<synchronous>, transform_indices = @transform_14, window_bounds = array<i64: 1, 512>}, {pipeline_mode = #tpu.pipeline_mode<synchronous>, transform_indices = @transform_15, window_bounds = array<i64: 1, 512>}, {transform_indices = @transform_16, window_bounds = array<i64: 1, 512, 512>}, {transform_indices = @transform_17, window_bounds = array<i64: 1, 4, 512>}]} {
    %get3A = arith.constant 0 : index
    %get3A_0 = arith.constant 0 : index
    %get3A_1 = arith.constant 0 : index
    %get3A_2 = vector.load %arg1[%get3A, %get3A_0, %get3A_1] : memref<1x1x512xi32, #tpu.memory_space<vmem>>, vector<1x1x512xi32>
    %get3A_3 = vector.shape_cast %get3A_2 : vector<1x1x512xi32> to vector<512xi32>
    %ne3A = arith.constant 0 : i32
    %ne3A_4 = vector.broadcast %ne3A : i32 to vector<512xi32>
    %ne3A_5 = arith.cmpi ne, %get3A_3, %ne3A_4 : vector<512xi32>
    %reshape3A = vector.shape_cast %ne3A_5 : vector<512xi1> to vector<1x512xi1>
    %jit3A = arith.constant 0.000000e+00 : f32
    %jit3A_6 = arith.constant -1.000000e+09 : f32
    %broadcast_in_dim3A = vector.broadcast %jit3A : f32 to vector<1x512xf32>
    %broadcast_in_dim3A_7 = vector.broadcast %jit3A_6 : f32 to vector<1x512xf32>
    %select_n3A = arith.select %reshape3A, %broadcast_in_dim3A, %broadcast_in_dim3A_7 : vector<1x512xi1>, vector<1x512xf32>
    %get3A_8 = arith.constant 0 : index
    %get3A_9 = arith.constant 0 : index
    %get3A_10 = arith.constant 0 : index
    %get3A_11 = vector.load %arg2[%get3A_8, %get3A_9, %get3A_10] : memref<1x512x512xf32, #tpu.memory_space<vmem>>, vector<1x512x512xf32>
    %get3A_12 = vector.shape_cast %get3A_11 : vector<1x512x512xf32> to vector<512x512xf32>
    %reshape3A_13 = vector.shape_cast %get3A_12 : vector<512x512xf32> to vector<4x128x512xf32>
    %mul3A = arith.constant 22.6274166 : f32
    %mul3A_14 = vector.broadcast %mul3A : f32 to vector<4x128x512xf32>
    %mul3A_15 = arith.mulf %reshape3A_13, %mul3A_14 : vector<4x128x512xf32>
    %get3A_16 = arith.constant 0 : index
    %get3A_17 = arith.constant 0 : index
    %get3A_18 = vector.load %arg3[%get3A_16, %get3A_17] : memref<128x512xf32, #tpu.memory_space<vmem>>, vector<128x512xf32>
    %broadcast_in_dim3A_19 = vector.shape_cast %get3A_18 : vector<128x512xf32> to vector<1x128x512xf32>
    %add3A = vector.broadcast %broadcast_in_dim3A_19 : vector<1x128x512xf32> to vector<4x128x512xf32>
    %add3A_20 = arith.addf %mul3A_15, %add3A : vector<4x128x512xf32>
    %reshape3A_21 = vector.shape_cast %add3A_20 : vector<4x128x512xf32> to vector<512x512xf32>
    %get3A_22 = arith.constant 0 : index
    %get3A_23 = arith.constant 0 : index
    %get3A_24 = vector.load %arg4[%get3A_22, %get3A_23] : memref<512x512xf32, #tpu.memory_space<vmem>>, vector<512x512xf32>
    %add3A_25 = vector.broadcast %select_n3A : vector<1x512xf32> to vector<512x512xf32>
    %add3A_26 = arith.addf %get3A_24, %add3A_25 : vector<512x512xf32>
    %get3A_27 = arith.constant 0 : index
    %get3A_28 = arith.constant 0 : index
    %get3A_29 = vector.load %arg13[%get3A_27, %get3A_28] : memref<1x512xf32, #tpu.memory_space<vmem>>, vector<1x512xf32>
    %get3A_30 = arith.constant 0 : index
    %get3A_31 = arith.constant 0 : index
    %get3A_32 = vector.load %arg14[%get3A_30, %get3A_31] : memref<1x512xf32, #tpu.memory_space<vmem>>, vector<1x512xf32>
    %reduce_sum3A = arith.constant dense<0.000000e+00> : vector<512xf32>
    %reduce_sum3A_33 = vector.multi_reduction <add>, %reshape3A_21, %reduce_sum3A [1] : vector<512x512xf32> to vector<512xf32>
    %broadcast_in_dim3A_34 = vector.shape_cast %reduce_sum3A_33 : vector<512xf32> to vector<512x1xf32>
    %div3A = arith.constant 5.120000e+02 : f32
    %div3A_35 = vector.broadcast %div3A : f32 to vector<512x1xf32>
    %div3A_36 = arith.divf %broadcast_in_dim3A_34, %div3A_35 : vector<512x1xf32>
    %jit3A_37 = arith.constant 0 : i32
    %reduce_sum3A_38 = arith.constant dense<0.000000e+00> : vector<512xf32>
    %reduce_sum3A_39 = vector.multi_reduction <add>, %reshape3A_21, %reduce_sum3A_38 [1] : vector<512x512xf32> to vector<512xf32>
    %broadcast_in_dim3A_40 = vector.shape_cast %reduce_sum3A_39 : vector<512xf32> to vector<512x1xf32>
    %div3A_41 = arith.constant 5.120000e+02 : f32
    %div3A_42 = vector.broadcast %div3A_41 : f32 to vector<512x1xf32>
    %div3A_43 = arith.divf %broadcast_in_dim3A_40, %div3A_42 : vector<512x1xf32>
    %sub3A = vector.broadcast %div3A_43 : vector<512x1xf32> to vector<512x512xf32>
    %sub3A_44 = arith.subf %reshape3A_21, %sub3A : vector<512x512xf32>
    %square3A = arith.mulf %sub3A_44, %sub3A_44 : vector<512x512xf32>
    %convert_element_type3A = arith.sitofp %jit3A_37 : i32 to f32
    %sub3A_45 = arith.constant 5.120000e+02 : f32
    %sub3A_46 = arith.subf %sub3A_45, %convert_element_type3A : f32
    %reduce_sum3A_47 = arith.constant dense<0.000000e+00> : vector<512xf32>
    %reduce_sum3A_48 = vector.multi_reduction <add>, %square3A, %reduce_sum3A_47 [1] : vector<512x512xf32> to vector<512xf32>
    %broadcast_in_dim3A_49 = vector.shape_cast %reduce_sum3A_48 : vector<512xf32> to vector<512x1xf32>
    %div3A_50 = vector.broadcast %sub3A_46 : f32 to vector<512x1xf32>
    %div3A_51 = arith.divf %broadcast_in_dim3A_49, %div3A_50 : vector<512x1xf32>
    %gt3A = arith.constant 0.000000e+00 : f32
    %gt3A_52 = arith.cmpf ogt, %sub3A_46, %gt3A : f32
    %jit3A_53 = arith.constant 0x7FC00000 : f32
    %broadcast_in_dim3A_54 = vector.broadcast %jit3A_53 : f32 to vector<512x1xf32>
    %select_n3A_55 = arith.select %gt3A_52, %div3A_51, %broadcast_in_dim3A_54 : vector<512x1xf32>
    %sub3A_56 = vector.broadcast %div3A_36 : vector<512x1xf32> to vector<512x512xf32>
    %sub3A_57 = arith.subf %reshape3A_21, %sub3A_56 : vector<512x512xf32>
    %add3A_58 = arith.constant 9.99999974E-6 : f32
    %add3A_59 = vector.broadcast %add3A_58 : f32 to vector<512x1xf32>
    %add3A_60 = arith.addf %select_n3A_55, %add3A_59 : vector<512x1xf32>
    %sqrt3A = math.sqrt %add3A_60 : vector<512x1xf32>
    %div3A_61 = vector.broadcast %sqrt3A : vector<512x1xf32> to vector<512x512xf32>
    %div3A_62 = arith.divf %sub3A_57, %div3A_61 : vector<512x512xf32>
    %mul3A_63 = vector.broadcast %get3A_29 : vector<1x512xf32> to vector<512x512xf32>
    %mul3A_64 = arith.mulf %div3A_62, %mul3A_63 : vector<512x512xf32>
    %add3A_65 = vector.broadcast %get3A_32 : vector<1x512xf32> to vector<512x512xf32>
    %add3A_66 = arith.addf %mul3A_64, %add3A_65 : vector<512x512xf32>
    %get3A_67 = arith.constant 0 : index
    %get3A_68 = arith.constant 0 : index
    %get3A_69 = vector.load %arg5[%get3A_67, %get3A_68] : memref<512x512xf32, #tpu.memory_space<vmem>>, vector<512x512xf32>
    %dot_general3A = arith.constant dense<0.000000e+00> : vector<512x512xf32>
    %dot_general3A_70 = tpu.matmul %add3A_66, %get3A_69, %dot_general3A {dimension_numbers = #tpu.dot_dimension_numbers<[1], [0], [0], [1], [0, 0, 1, 1], [], []>, transpose_lhs_hint = false} : vector<512x512xf32>, vector<512x512xf32>, vector<512x512xf32> -> vector<512x512xf32>
    %mul3A_71 = arith.constant 1.250000e-01 : f32
    %mul3A_72 = vector.broadcast %mul3A_71 : f32 to vector<512x512xf32>
    %mul3A_73 = arith.mulf %dot_general3A_70, %mul3A_72 : vector<512x512xf32>
    %get3A_74 = arith.constant 0 : index
    %get3A_75 = arith.constant 0 : index
    %get3A_76 = vector.load %arg6[%get3A_74, %get3A_75] : memref<512x512xf32, #tpu.memory_space<vmem>>, vector<512x512xf32>
    %dot_general3A_77 = arith.constant dense<0.000000e+00> : vector<512x512xf32>
    %dot_general3A_78 = tpu.matmul %add3A_66, %get3A_76, %dot_general3A_77 {dimension_numbers = #tpu.dot_dimension_numbers<[1], [0], [0], [1], [0, 0, 1, 1], [], []>, transpose_lhs_hint = false} : vector<512x512xf32>, vector<512x512xf32>, vector<512x512xf32> -> vector<512x512xf32>
    %get3A_79 = arith.constant 0 : index
    %get3A_80 = arith.constant 0 : index
    %get3A_81 = vector.load %arg7[%get3A_79, %get3A_80] : memref<512x512xf32, #tpu.memory_space<vmem>>, vector<512x512xf32>
    %dot_general3A_82 = arith.constant dense<0.000000e+00> : vector<512x512xf32>
    %dot_general3A_83 = tpu.matmul %add3A_66, %get3A_81, %dot_general3A_82 {dimension_numbers = #tpu.dot_dimension_numbers<[1], [0], [0], [1], [0, 0, 1, 1], [], []>, transpose_lhs_hint = false} : vector<512x512xf32>, vector<512x512xf32>, vector<512x512xf32> -> vector<512x512xf32>
    %broadcast_in_dim3A_84 = arith.constant 1.000000e+00 : f32
    %broadcast_in_dim3A_85 = vector.broadcast %broadcast_in_dim3A_84 : f32 to vector<512x1xf32>
    %slice3A = vector.extract_strided_slice %mul3A_73 {offsets = [0, 0], sizes = [512, 64], strides = [1, 1]} : vector<512x512xf32> to vector<512x64xf32>
    %slice3A_86 = vector.extract_strided_slice %dot_general3A_78 {offsets = [0, 0], sizes = [512, 64], strides = [1, 1]} : vector<512x512xf32> to vector<512x64xf32>
    %dot_general3A_87 = arith.constant dense<0.000000e+00> : vector<512x512xf32>
    %dot_general3A_88 = tpu.matmul %slice3A, %slice3A_86, %dot_general3A_87 {dimension_numbers = #tpu.dot_dimension_numbers<[1], [1], [0], [0], [0, 0, 1, 0], [], []>, transpose_lhs_hint = false} : vector<512x64xf32>, vector<512x64xf32>, vector<512x512xf32> -> vector<512x512xf32>
    %add3A_89 = arith.addf %dot_general3A_88, %add3A_26 : vector<512x512xf32>
    %exp3A = math.exp %add3A_89 : vector<512x512xf32>
    %slice3A_90 = vector.extract_strided_slice %dot_general3A_83 {offsets = [0, 0], sizes = [512, 64], strides = [1, 1]} : vector<512x512xf32> to vector<512x64xf32>
    %concatenate3A = tpu.concatenate %slice3A_90, %broadcast_in_dim3A_85 in 1 : vector<512x64xf32>, vector<512x1xf32> -> vector<512x65xf32>
    %dot_general3A_91 = arith.constant dense<0.000000e+00> : vector<512x65xf32>
    %dot_general3A_92 = tpu.matmul %exp3A, %concatenate3A, %dot_general3A_91 {dimension_numbers = #tpu.dot_dimension_numbers<[1], [0], [0], [1], [0, 0, 1, 1], [], []>, transpose_lhs_hint = false} : vector<512x512xf32>, vector<512x65xf32>, vector<512x65xf32> -> vector<512x65xf32>
    %slice3A_93 = vector.extract_strided_slice %dot_general3A_92 {offsets = [0, 0], sizes = [512, 64], strides = [1, 1]} : vector<512x65xf32> to vector<512x64xf32>
    %slice3A_94 = vector.extract_strided_slice %dot_general3A_92 {offsets = [0, 64], sizes = [512, 1], strides = [1, 1]} : vector<512x65xf32> to vector<512x1xf32>
    %div3A_95 = arith.constant 1.000000e+00 : f32
    %div3A_96 = vector.broadcast %div3A_95 : f32 to vector<512x1xf32>
    %div3A_97 = arith.divf %div3A_96, %slice3A_94 : vector<512x1xf32>
    %mul3A_98 = vector.broadcast %div3A_97 : vector<512x1xf32> to vector<512x64xf32>
    %mul3A_99 = arith.mulf %slice3A_93, %mul3A_98 : vector<512x64xf32>
    %slice3A_100 = vector.extract_strided_slice %mul3A_73 {offsets = [0, 64], sizes = [512, 64], strides = [1, 1]} : vector<512x512xf32> to vector<512x64xf32>
    %slice3A_101 = vector.extract_strided_slice %dot_general3A_78 {offsets = [0, 64], sizes = [512, 64], strides = [1, 1]} : vector<512x512xf32> to vector<512x64xf32>
    %dot_general3A_102 = arith.constant dense<0.000000e+00> : vector<512x512xf32>
    %dot_general3A_103 = tpu.matmul %slice3A_100, %slice3A_101, %dot_general3A_102 {dimension_numbers = #tpu.dot_dimension_numbers<[1], [1], [0], [0], [0, 0, 1, 0], [], []>, transpose_lhs_hint = false} : vector<512x64xf32>, vector<512x64xf32>, vector<512x512xf32> -> vector<512x512xf32>
    %add3A_104 = arith.addf %dot_general3A_103, %add3A_26 : vector<512x512xf32>
    %exp3A_105 = math.exp %add3A_104 : vector<512x512xf32>
    %slice3A_106 = vector.extract_strided_slice %dot_general3A_83 {offsets = [0, 64], sizes = [512, 64], strides = [1, 1]} : vector<512x512xf32> to vector<512x64xf32>
    %concatenate3A_107 = tpu.concatenate %slice3A_106, %broadcast_in_dim3A_85 in 1 : vector<512x64xf32>, vector<512x1xf32> -> vector<512x65xf32>
    %dot_general3A_108 = arith.constant dense<0.000000e+00> : vector<512x65xf32>
    %dot_general3A_109 = tpu.matmul %exp3A_105, %concatenate3A_107, %dot_general3A_108 {dimension_numbers = #tpu.dot_dimension_numbers<[1], [0], [0], [1], [0, 0, 1, 1], [], []>, transpose_lhs_hint = false} : vector<512x512xf32>, vector<512x65xf32>, vector<512x65xf32> -> vector<512x65xf32>
    %slice3A_110 = vector.extract_strided_slice %dot_general3A_109 {offsets = [0, 0], sizes = [512, 64], strides = [1, 1]} : vector<512x65xf32> to vector<512x64xf32>
    %slice3A_111 = vector.extract_strided_slice %dot_general3A_109 {offsets = [0, 64], sizes = [512, 1], strides = [1, 1]} : vector<512x65xf32> to vector<512x1xf32>
    %div3A_112 = arith.constant 1.000000e+00 : f32
    %div3A_113 = vector.broadcast %div3A_112 : f32 to vector<512x1xf32>
    %div3A_114 = arith.divf %div3A_113, %slice3A_111 : vector<512x1xf32>
    %mul3A_115 = vector.broadcast %div3A_114 : vector<512x1xf32> to vector<512x64xf32>
    %mul3A_116 = arith.mulf %slice3A_110, %mul3A_115 : vector<512x64xf32>
    %slice3A_117 = vector.extract_strided_slice %mul3A_73 {offsets = [0, 128], sizes = [512, 64], strides = [1, 1]} : vector<512x512xf32> to vector<512x64xf32>
    %slice3A_118 = vector.extract_strided_slice %dot_general3A_78 {offsets = [0, 128], sizes = [512, 64], strides = [1, 1]} : vector<512x512xf32> to vector<512x64xf32>
    %dot_general3A_119 = arith.constant dense<0.000000e+00> : vector<512x512xf32>
    %dot_general3A_120 = tpu.matmul %slice3A_117, %slice3A_118, %dot_general3A_119 {dimension_numbers = #tpu.dot_dimension_numbers<[1], [1], [0], [0], [0, 0, 1, 0], [], []>, transpose_lhs_hint = false} : vector<512x64xf32>, vector<512x64xf32>, vector<512x512xf32> -> vector<512x512xf32>
    %add3A_121 = arith.addf %dot_general3A_120, %add3A_26 : vector<512x512xf32>
    %exp3A_122 = math.exp %add3A_121 : vector<512x512xf32>
    %slice3A_123 = vector.extract_strided_slice %dot_general3A_83 {offsets = [0, 128], sizes = [512, 64], strides = [1, 1]} : vector<512x512xf32> to vector<512x64xf32>
    %concatenate3A_124 = tpu.concatenate %slice3A_123, %broadcast_in_dim3A_85 in 1 : vector<512x64xf32>, vector<512x1xf32> -> vector<512x65xf32>
    %dot_general3A_125 = arith.constant dense<0.000000e+00> : vector<512x65xf32>
    %dot_general3A_126 = tpu.matmul %exp3A_122, %concatenate3A_124, %dot_general3A_125 {dimension_numbers = #tpu.dot_dimension_numbers<[1], [0], [0], [1], [0, 0, 1, 1], [], []>, transpose_lhs_hint = false} : vector<512x512xf32>, vector<512x65xf32>, vector<512x65xf32> -> vector<512x65xf32>
    %slice3A_127 = vector.extract_strided_slice %dot_general3A_126 {offsets = [0, 0], sizes = [512, 64], strides = [1, 1]} : vector<512x65xf32> to vector<512x64xf32>
    %slice3A_128 = vector.extract_strided_slice %dot_general3A_126 {offsets = [0, 64], sizes = [512, 1], strides = [1, 1]} : vector<512x65xf32> to vector<512x1xf32>
    %div3A_129 = arith.constant 1.000000e+00 : f32
    %div3A_130 = vector.broadcast %div3A_129 : f32 to vector<512x1xf32>
    %div3A_131 = arith.divf %div3A_130, %slice3A_128 : vector<512x1xf32>
    %mul3A_132 = vector.broadcast %div3A_131 : vector<512x1xf32> to vector<512x64xf32>
    %mul3A_133 = arith.mulf %slice3A_127, %mul3A_132 : vector<512x64xf32>
    %slice3A_134 = vector.extract_strided_slice %mul3A_73 {offsets = [0, 192], sizes = [512, 64], strides = [1, 1]} : vector<512x512xf32> to vector<512x64xf32>
    %slice3A_135 = vector.extract_strided_slice %dot_general3A_78 {offsets = [0, 192], sizes = [512, 64], strides = [1, 1]} : vector<512x512xf32> to vector<512x64xf32>
    %dot_general3A_136 = arith.constant dense<0.000000e+00> : vector<512x512xf32>
    %dot_general3A_137 = tpu.matmul %slice3A_134, %slice3A_135, %dot_general3A_136 {dimension_numbers = #tpu.dot_dimension_numbers<[1], [1], [0], [0], [0, 0, 1, 0], [], []>, transpose_lhs_hint = false} : vector<512x64xf32>, vector<512x64xf32>, vector<512x512xf32> -> vector<512x512xf32>
    %add3A_138 = arith.addf %dot_general3A_137, %add3A_26 : vector<512x512xf32>
    %exp3A_139 = math.exp %add3A_138 : vector<512x512xf32>
    %slice3A_140 = vector.extract_strided_slice %dot_general3A_83 {offsets = [0, 192], sizes = [512, 64], strides = [1, 1]} : vector<512x512xf32> to vector<512x64xf32>
    %concatenate3A_141 = tpu.concatenate %slice3A_140, %broadcast_in_dim3A_85 in 1 : vector<512x64xf32>, vector<512x1xf32> -> vector<512x65xf32>
    %dot_general3A_142 = arith.constant dense<0.000000e+00> : vector<512x65xf32>
    %dot_general3A_143 = tpu.matmul %exp3A_139, %concatenate3A_141, %dot_general3A_142 {dimension_numbers = #tpu.dot_dimension_numbers<[1], [0], [0], [1], [0, 0, 1, 1], [], []>, transpose_lhs_hint = false} : vector<512x512xf32>, vector<512x65xf32>, vector<512x65xf32> -> vector<512x65xf32>
    %slice3A_144 = vector.extract_strided_slice %dot_general3A_143 {offsets = [0, 0], sizes = [512, 64], strides = [1, 1]} : vector<512x65xf32> to vector<512x64xf32>
    %slice3A_145 = vector.extract_strided_slice %dot_general3A_143 {offsets = [0, 64], sizes = [512, 1], strides = [1, 1]} : vector<512x65xf32> to vector<512x1xf32>
    %div3A_146 = arith.constant 1.000000e+00 : f32
    %div3A_147 = vector.broadcast %div3A_146 : f32 to vector<512x1xf32>
    %div3A_148 = arith.divf %div3A_147, %slice3A_145 : vector<512x1xf32>
    %mul3A_149 = vector.broadcast %div3A_148 : vector<512x1xf32> to vector<512x64xf32>
    %mul3A_150 = arith.mulf %slice3A_144, %mul3A_149 : vector<512x64xf32>
    %slice3A_151 = vector.extract_strided_slice %mul3A_73 {offsets = [0, 256], sizes = [512, 64], strides = [1, 1]} : vector<512x512xf32> to vector<512x64xf32>
    %slice3A_152 = vector.extract_strided_slice %dot_general3A_78 {offsets = [0, 256], sizes = [512, 64], strides = [1, 1]} : vector<512x512xf32> to vector<512x64xf32>
    %dot_general3A_153 = arith.constant dense<0.000000e+00> : vector<512x512xf32>
    %dot_general3A_154 = tpu.matmul %slice3A_151, %slice3A_152, %dot_general3A_153 {dimension_numbers = #tpu.dot_dimension_numbers<[1], [1], [0], [0], [0, 0, 1, 0], [], []>, transpose_lhs_hint = false} : vector<512x64xf32>, vector<512x64xf32>, vector<512x512xf32> -> vector<512x512xf32>
    %add3A_155 = arith.addf %dot_general3A_154, %add3A_26 : vector<512x512xf32>
    %exp3A_156 = math.exp %add3A_155 : vector<512x512xf32>
    %slice3A_157 = vector.extract_strided_slice %dot_general3A_83 {offsets = [0, 256], sizes = [512, 64], strides = [1, 1]} : vector<512x512xf32> to vector<512x64xf32>
    %concatenate3A_158 = tpu.concatenate %slice3A_157, %broadcast_in_dim3A_85 in 1 : vector<512x64xf32>, vector<512x1xf32> -> vector<512x65xf32>
    %dot_general3A_159 = arith.constant dense<0.000000e+00> : vector<512x65xf32>
    %dot_general3A_160 = tpu.matmul %exp3A_156, %concatenate3A_158, %dot_general3A_159 {dimension_numbers = #tpu.dot_dimension_numbers<[1], [0], [0], [1], [0, 0, 1, 1], [], []>, transpose_lhs_hint = false} : vector<512x512xf32>, vector<512x65xf32>, vector<512x65xf32> -> vector<512x65xf32>
    %slice3A_161 = vector.extract_strided_slice %dot_general3A_160 {offsets = [0, 0], sizes = [512, 64], strides = [1, 1]} : vector<512x65xf32> to vector<512x64xf32>
    %slice3A_162 = vector.extract_strided_slice %dot_general3A_160 {offsets = [0, 64], sizes = [512, 1], strides = [1, 1]} : vector<512x65xf32> to vector<512x1xf32>
    %div3A_163 = arith.constant 1.000000e+00 : f32
    %div3A_164 = vector.broadcast %div3A_163 : f32 to vector<512x1xf32>
    %div3A_165 = arith.divf %div3A_164, %slice3A_162 : vector<512x1xf32>
    %mul3A_166 = vector.broadcast %div3A_165 : vector<512x1xf32> to vector<512x64xf32>
    %mul3A_167 = arith.mulf %slice3A_161, %mul3A_166 : vector<512x64xf32>
    %slice3A_168 = vector.extract_strided_slice %mul3A_73 {offsets = [0, 320], sizes = [512, 64], strides = [1, 1]} : vector<512x512xf32> to vector<512x64xf32>
    %slice3A_169 = vector.extract_strided_slice %dot_general3A_78 {offsets = [0, 320], sizes = [512, 64], strides = [1, 1]} : vector<512x512xf32> to vector<512x64xf32>
    %dot_general3A_170 = arith.constant dense<0.000000e+00> : vector<512x512xf32>
    %dot_general3A_171 = tpu.matmul %slice3A_168, %slice3A_169, %dot_general3A_170 {dimension_numbers = #tpu.dot_dimension_numbers<[1], [1], [0], [0], [0, 0, 1, 0], [], []>, transpose_lhs_hint = false} : vector<512x64xf32>, vector<512x64xf32>, vector<512x512xf32> -> vector<512x512xf32>
    %add3A_172 = arith.addf %dot_general3A_171, %add3A_26 : vector<512x512xf32>
    %exp3A_173 = math.exp %add3A_172 : vector<512x512xf32>
    %slice3A_174 = vector.extract_strided_slice %dot_general3A_83 {offsets = [0, 320], sizes = [512, 64], strides = [1, 1]} : vector<512x512xf32> to vector<512x64xf32>
    %concatenate3A_175 = tpu.concatenate %slice3A_174, %broadcast_in_dim3A_85 in 1 : vector<512x64xf32>, vector<512x1xf32> -> vector<512x65xf32>
    %dot_general3A_176 = arith.constant dense<0.000000e+00> : vector<512x65xf32>
    %dot_general3A_177 = tpu.matmul %exp3A_173, %concatenate3A_175, %dot_general3A_176 {dimension_numbers = #tpu.dot_dimension_numbers<[1], [0], [0], [1], [0, 0, 1, 1], [], []>, transpose_lhs_hint = false} : vector<512x512xf32>, vector<512x65xf32>, vector<512x65xf32> -> vector<512x65xf32>
    %slice3A_178 = vector.extract_strided_slice %dot_general3A_177 {offsets = [0, 0], sizes = [512, 64], strides = [1, 1]} : vector<512x65xf32> to vector<512x64xf32>
    %slice3A_179 = vector.extract_strided_slice %dot_general3A_177 {offsets = [0, 64], sizes = [512, 1], strides = [1, 1]} : vector<512x65xf32> to vector<512x1xf32>
    %div3A_180 = arith.constant 1.000000e+00 : f32
    %div3A_181 = vector.broadcast %div3A_180 : f32 to vector<512x1xf32>
    %div3A_182 = arith.divf %div3A_181, %slice3A_179 : vector<512x1xf32>
    %mul3A_183 = vector.broadcast %div3A_182 : vector<512x1xf32> to vector<512x64xf32>
    %mul3A_184 = arith.mulf %slice3A_178, %mul3A_183 : vector<512x64xf32>
    %slice3A_185 = vector.extract_strided_slice %mul3A_73 {offsets = [0, 384], sizes = [512, 64], strides = [1, 1]} : vector<512x512xf32> to vector<512x64xf32>
    %slice3A_186 = vector.extract_strided_slice %dot_general3A_78 {offsets = [0, 384], sizes = [512, 64], strides = [1, 1]} : vector<512x512xf32> to vector<512x64xf32>
    %dot_general3A_187 = arith.constant dense<0.000000e+00> : vector<512x512xf32>
    %dot_general3A_188 = tpu.matmul %slice3A_185, %slice3A_186, %dot_general3A_187 {dimension_numbers = #tpu.dot_dimension_numbers<[1], [1], [0], [0], [0, 0, 1, 0], [], []>, transpose_lhs_hint = false} : vector<512x64xf32>, vector<512x64xf32>, vector<512x512xf32> -> vector<512x512xf32>
    %add3A_189 = arith.addf %dot_general3A_188, %add3A_26 : vector<512x512xf32>
    %exp3A_190 = math.exp %add3A_189 : vector<512x512xf32>
    %slice3A_191 = vector.extract_strided_slice %dot_general3A_83 {offsets = [0, 384], sizes = [512, 64], strides = [1, 1]} : vector<512x512xf32> to vector<512x64xf32>
    %concatenate3A_192 = tpu.concatenate %slice3A_191, %broadcast_in_dim3A_85 in 1 : vector<512x64xf32>, vector<512x1xf32> -> vector<512x65xf32>
    %dot_general3A_193 = arith.constant dense<0.000000e+00> : vector<512x65xf32>
    %dot_general3A_194 = tpu.matmul %exp3A_190, %concatenate3A_192, %dot_general3A_193 {dimension_numbers = #tpu.dot_dimension_numbers<[1], [0], [0], [1], [0, 0, 1, 1], [], []>, transpose_lhs_hint = false} : vector<512x512xf32>, vector<512x65xf32>, vector<512x65xf32> -> vector<512x65xf32>
    %slice3A_195 = vector.extract_strided_slice %dot_general3A_194 {offsets = [0, 0], sizes = [512, 64], strides = [1, 1]} : vector<512x65xf32> to vector<512x64xf32>
    %slice3A_196 = vector.extract_strided_slice %dot_general3A_194 {offsets = [0, 64], sizes = [512, 1], strides = [1, 1]} : vector<512x65xf32> to vector<512x1xf32>
    %div3A_197 = arith.constant 1.000000e+00 : f32
    %div3A_198 = vector.broadcast %div3A_197 : f32 to vector<512x1xf32>
    %div3A_199 = arith.divf %div3A_198, %slice3A_196 : vector<512x1xf32>
    %mul3A_200 = vector.broadcast %div3A_199 : vector<512x1xf32> to vector<512x64xf32>
    %mul3A_201 = arith.mulf %slice3A_195, %mul3A_200 : vector<512x64xf32>
    %slice3A_202 = vector.extract_strided_slice %mul3A_73 {offsets = [0, 448], sizes = [512, 64], strides = [1, 1]} : vector<512x512xf32> to vector<512x64xf32>
    %slice3A_203 = vector.extract_strided_slice %dot_general3A_78 {offsets = [0, 448], sizes = [512, 64], strides = [1, 1]} : vector<512x512xf32> to vector<512x64xf32>
    %dot_general3A_204 = arith.constant dense<0.000000e+00> : vector<512x512xf32>
    %dot_general3A_205 = tpu.matmul %slice3A_202, %slice3A_203, %dot_general3A_204 {dimension_numbers = #tpu.dot_dimension_numbers<[1], [1], [0], [0], [0, 0, 1, 0], [], []>, transpose_lhs_hint = false} : vector<512x64xf32>, vector<512x64xf32>, vector<512x512xf32> -> vector<512x512xf32>
    %add3A_206 = arith.addf %dot_general3A_205, %add3A_26 : vector<512x512xf32>
    %exp3A_207 = math.exp %add3A_206 : vector<512x512xf32>
    %slice3A_208 = vector.extract_strided_slice %dot_general3A_83 {offsets = [0, 448], sizes = [512, 64], strides = [1, 1]} : vector<512x512xf32> to vector<512x64xf32>
    %concatenate3A_209 = tpu.concatenate %slice3A_208, %broadcast_in_dim3A_85 in 1 : vector<512x64xf32>, vector<512x1xf32> -> vector<512x65xf32>
    %dot_general3A_210 = arith.constant dense<0.000000e+00> : vector<512x65xf32>
    %dot_general3A_211 = tpu.matmul %exp3A_207, %concatenate3A_209, %dot_general3A_210 {dimension_numbers = #tpu.dot_dimension_numbers<[1], [0], [0], [1], [0, 0, 1, 1], [], []>, transpose_lhs_hint = false} : vector<512x512xf32>, vector<512x65xf32>, vector<512x65xf32> -> vector<512x65xf32>
    %slice3A_212 = vector.extract_strided_slice %dot_general3A_211 {offsets = [0, 0], sizes = [512, 64], strides = [1, 1]} : vector<512x65xf32> to vector<512x64xf32>
    %slice3A_213 = vector.extract_strided_slice %dot_general3A_211 {offsets = [0, 64], sizes = [512, 1], strides = [1, 1]} : vector<512x65xf32> to vector<512x1xf32>
    %div3A_214 = arith.constant 1.000000e+00 : f32
    %div3A_215 = vector.broadcast %div3A_214 : f32 to vector<512x1xf32>
    %div3A_216 = arith.divf %div3A_215, %slice3A_213 : vector<512x1xf32>
    %mul3A_217 = vector.broadcast %div3A_216 : vector<512x1xf32> to vector<512x64xf32>
    %mul3A_218 = arith.mulf %slice3A_212, %mul3A_217 : vector<512x64xf32>
    %concatenate3A_219 = tpu.concatenate %mul3A_99, %mul3A_116, %mul3A_133, %mul3A_150, %mul3A_167, %mul3A_184, %mul3A_201, %mul3A_218 in 1 : vector<512x64xf32>, vector<512x64xf32>, vector<512x64xf32>, vector<512x64xf32>, vector<512x64xf32>, vector<512x64xf32>, vector<512x64xf32>, vector<512x64xf32> -> vector<512x512xf32>
    %get3A_220 = arith.constant 0 : index
    %get3A_221 = arith.constant 0 : index
    %get3A_222 = vector.load %arg8[%get3A_220, %get3A_221] : memref<512x512xf32, #tpu.memory_space<vmem>>, vector<512x512xf32>
    %dot_general3A_223 = arith.constant dense<0.000000e+00> : vector<512x512xf32>
    %dot_general3A_224 = tpu.matmul %concatenate3A_219, %get3A_222, %dot_general3A_223 {dimension_numbers = #tpu.dot_dimension_numbers<[1], [0], [0], [1], [0, 0, 1, 1], [], []>, transpose_lhs_hint = false} : vector<512x512xf32>, vector<512x512xf32>, vector<512x512xf32> -> vector<512x512xf32>
    %add3A_225 = arith.addf %reshape3A_21, %dot_general3A_224 : vector<512x512xf32>
    %get3A_226 = arith.constant 0 : index
    %get3A_227 = arith.constant 0 : index
    %get3A_228 = vector.load %arg15[%get3A_226, %get3A_227] : memref<1x512xf32, #tpu.memory_space<vmem>>, vector<1x512xf32>
    %get3A_229 = arith.constant 0 : index
    %get3A_230 = arith.constant 0 : index
    %get3A_231 = vector.load %arg16[%get3A_229, %get3A_230] : memref<1x512xf32, #tpu.memory_space<vmem>>, vector<1x512xf32>
    %reduce_sum3A_232 = arith.constant dense<0.000000e+00> : vector<512xf32>
    %reduce_sum3A_233 = vector.multi_reduction <add>, %add3A_225, %reduce_sum3A_232 [1] : vector<512x512xf32> to vector<512xf32>
    %broadcast_in_dim3A_234 = vector.shape_cast %reduce_sum3A_233 : vector<512xf32> to vector<512x1xf32>
    %div3A_235 = arith.constant 5.120000e+02 : f32
    %div3A_236 = vector.broadcast %div3A_235 : f32 to vector<512x1xf32>
    %div3A_237 = arith.divf %broadcast_in_dim3A_234, %div3A_236 : vector<512x1xf32>
    %jit3A_238 = arith.constant 0 : i32
    %reduce_sum3A_239 = arith.constant dense<0.000000e+00> : vector<512xf32>
    %reduce_sum3A_240 = vector.multi_reduction <add>, %add3A_225, %reduce_sum3A_239 [1] : vector<512x512xf32> to vector<512xf32>
    %broadcast_in_dim3A_241 = vector.shape_cast %reduce_sum3A_240 : vector<512xf32> to vector<512x1xf32>
    %div3A_242 = arith.constant 5.120000e+02 : f32
    %div3A_243 = vector.broadcast %div3A_242 : f32 to vector<512x1xf32>
    %div3A_244 = arith.divf %broadcast_in_dim3A_241, %div3A_243 : vector<512x1xf32>
    %sub3A_245 = vector.broadcast %div3A_244 : vector<512x1xf32> to vector<512x512xf32>
    %sub3A_246 = arith.subf %add3A_225, %sub3A_245 : vector<512x512xf32>
    %square3A_247 = arith.mulf %sub3A_246, %sub3A_246 : vector<512x512xf32>
    %convert_element_type3A_248 = arith.sitofp %jit3A_238 : i32 to f32
    %sub3A_249 = arith.constant 5.120000e+02 : f32
    %sub3A_250 = arith.subf %sub3A_249, %convert_element_type3A_248 : f32
    %reduce_sum3A_251 = arith.constant dense<0.000000e+00> : vector<512xf32>
    %reduce_sum3A_252 = vector.multi_reduction <add>, %square3A_247, %reduce_sum3A_251 [1] : vector<512x512xf32> to vector<512xf32>
    %broadcast_in_dim3A_253 = vector.shape_cast %reduce_sum3A_252 : vector<512xf32> to vector<512x1xf32>
    %div3A_254 = vector.broadcast %sub3A_250 : f32 to vector<512x1xf32>
    %div3A_255 = arith.divf %broadcast_in_dim3A_253, %div3A_254 : vector<512x1xf32>
    %gt3A_256 = arith.constant 0.000000e+00 : f32
    %gt3A_257 = arith.cmpf ogt, %sub3A_250, %gt3A_256 : f32
    %jit3A_258 = arith.constant 0x7FC00000 : f32
    %broadcast_in_dim3A_259 = vector.broadcast %jit3A_258 : f32 to vector<512x1xf32>
    %select_n3A_260 = arith.select %gt3A_257, %div3A_255, %broadcast_in_dim3A_259 : vector<512x1xf32>
    %sub3A_261 = vector.broadcast %div3A_237 : vector<512x1xf32> to vector<512x512xf32>
    %sub3A_262 = arith.subf %add3A_225, %sub3A_261 : vector<512x512xf32>
    %add3A_263 = arith.constant 9.99999974E-6 : f32
    %add3A_264 = vector.broadcast %add3A_263 : f32 to vector<512x1xf32>
    %add3A_265 = arith.addf %select_n3A_260, %add3A_264 : vector<512x1xf32>
    %sqrt3A_266 = math.sqrt %add3A_265 : vector<512x1xf32>
    %div3A_267 = vector.broadcast %sqrt3A_266 : vector<512x1xf32> to vector<512x512xf32>
    %div3A_268 = arith.divf %sub3A_262, %div3A_267 : vector<512x512xf32>
    %mul3A_269 = vector.broadcast %get3A_228 : vector<1x512xf32> to vector<512x512xf32>
    %mul3A_270 = arith.mulf %div3A_268, %mul3A_269 : vector<512x512xf32>
    %add3A_271 = vector.broadcast %get3A_231 : vector<1x512xf32> to vector<512x512xf32>
    %add3A_272 = arith.addf %mul3A_270, %add3A_271 : vector<512x512xf32>
    %get3A_273 = arith.constant 0 : index
    %get3A_274 = arith.constant 0 : index
    %get3A_275 = vector.load %arg9[%get3A_273, %get3A_274] : memref<512x2048xf32, #tpu.memory_space<vmem>>, vector<512x2048xf32>
    %dot_general3A_276 = arith.constant dense<0.000000e+00> : vector<512x2048xf32>
    %dot_general3A_277 = tpu.matmul %add3A_272, %get3A_275, %dot_general3A_276 {dimension_numbers = #tpu.dot_dimension_numbers<[1], [0], [0], [1], [0, 0, 1, 1], [], []>, transpose_lhs_hint = false} : vector<512x512xf32>, vector<512x2048xf32>, vector<512x2048xf32> -> vector<512x2048xf32>
    %get3A_278 = arith.constant 0 : index
    %get3A_279 = arith.constant 0 : index
    %get3A_280 = vector.load %arg10[%get3A_278, %get3A_279] : memref<1x2048xf32, #tpu.memory_space<vmem>>, vector<1x2048xf32>
    %add3A_281 = vector.broadcast %get3A_280 : vector<1x2048xf32> to vector<512x2048xf32>
    %add3A_282 = arith.addf %dot_general3A_277, %add3A_281 : vector<512x2048xf32>
    %max3A = arith.constant 0.000000e+00 : f32
    %max3A_283 = vector.broadcast %max3A : f32 to vector<512x2048xf32>
    %max3A_284 = arith.maximumf %add3A_282, %max3A_283 : vector<512x2048xf32>
    %get3A_285 = arith.constant 0 : index
    %get3A_286 = arith.constant 0 : index
    %get3A_287 = vector.load %arg11[%get3A_285, %get3A_286] : memref<2048x512xf32, #tpu.memory_space<vmem>>, vector<2048x512xf32>
    %dot_general3A_288 = arith.constant dense<0.000000e+00> : vector<512x512xf32>
    %dot_general3A_289 = tpu.matmul %max3A_284, %get3A_287, %dot_general3A_288 {dimension_numbers = #tpu.dot_dimension_numbers<[1], [0], [0], [1], [0, 0, 1, 1], [], []>, transpose_lhs_hint = false} : vector<512x2048xf32>, vector<2048x512xf32>, vector<512x512xf32> -> vector<512x512xf32>
    %add3A_290 = arith.addf %add3A_225, %dot_general3A_289 : vector<512x512xf32>
    %get3A_291 = arith.constant 0 : index
    %get3A_292 = arith.constant 0 : index
    %get3A_293 = vector.load %arg12[%get3A_291, %get3A_292] : memref<1x512xf32, #tpu.memory_space<vmem>>, vector<1x512xf32>
    %add3A_294 = vector.broadcast %get3A_293 : vector<1x512xf32> to vector<512x512xf32>
    %add3A_295 = arith.addf %add3A_290, %add3A_294 : vector<512x512xf32>
    %convert_element_type3A_296 = arith.extui %reshape3A : vector<1x512xi1> to vector<1x512xi32>
    %convert_element_type3A_297 = arith.sitofp %convert_element_type3A_296 : vector<1x512xi32> to vector<1x512xf32>
    %transpose3A = tpu.transpose %convert_element_type3A_297, [1, 0] : vector<1x512xf32> -> vector<512x1xf32>
    %mul3A_298 = vector.broadcast %transpose3A : vector<512x1xf32> to vector<512x512xf32>
    %mul3A_299 = arith.mulf %add3A_295, %mul3A_298 : vector<512x512xf32>
    %swap3A = arith.constant 0 : index
    %swap3A_300 = arith.constant 0 : index
    %swap3A_301 = arith.constant 0 : index
    %swap3A_302 = vector.load %arg17[%swap3A, %swap3A_300, %swap3A_301] : memref<1x512x512xf32, #tpu.memory_space<vmem>>, vector<1x512x512xf32>
    %swap3A_303 = vector.shape_cast %swap3A_302 : vector<1x512x512xf32> to vector<512x512xf32>
    %swap3A_304 = vector.shape_cast %mul3A_299 : vector<512x512xf32> to vector<1x512x512xf32>
    tpu.vector_store %arg17[%swap3A, %swap3A_300, %swap3A_301], %swap3A_304 {strides = array<i32>} : memref<1x512x512xf32, #tpu.memory_space<vmem>>, vector<1x512x512xf32>,
    %convert_element_type3A_305 = arith.extui %reshape3A : vector<1x512xi1> to vector<1x512xi32>
    %convert_element_type3A_306 = arith.sitofp %convert_element_type3A_305 : vector<1x512xi32> to vector<1x512xf32>
    %reshape3A_307 = vector.shape_cast %convert_element_type3A_306 : vector<1x512xf32> to vector<4x128xf32>
    %reduce_sum3A_308 = arith.constant dense<0.000000e+00> : vector<4xf32>
    %reduce_sum3A_309 = vector.multi_reduction <add>, %reshape3A_307, %reduce_sum3A_308 [1] : vector<4x128xf32> to vector<4xf32>
    %broadcast_in_dim3A_310 = vector.shape_cast %reduce_sum3A_309 : vector<4xf32> to vector<4x1xf32>
    %reshape3A_311 = vector.shape_cast %mul3A_299 : vector<512x512xf32> to vector<4x128x512xf32>
    %reduce_sum3A_312 = arith.constant dense<0.000000e+00> : vector<4x512xf32>
    %reduce_sum3A_313 = vector.multi_reduction <add>, %reshape3A_311, %reduce_sum3A_312 [1] : vector<4x128x512xf32> to vector<4x512xf32>
    %max3A_314 = arith.constant 1.000000e+00 : f32
    %max3A_315 = vector.broadcast %max3A_314 : f32 to vector<4x1xf32>
    %max3A_316 = arith.maximumf %broadcast_in_dim3A_310, %max3A_315 : vector<4x1xf32>
    %mul3A_317 = arith.constant 5.120000e+02 : f32
    %mul3A_318 = vector.broadcast %mul3A_317 : f32 to vector<4x1xf32>
    %mul3A_319 = arith.mulf %mul3A_318, %max3A_316 : vector<4x1xf32>
    %rsqrt3A = math.rsqrt %mul3A_319 : vector<4x1xf32>
    %mul3A_320 = vector.broadcast %rsqrt3A : vector<4x1xf32> to vector<4x512xf32>
    %mul3A_321 = arith.mulf %reduce_sum3A_313, %mul3A_320 : vector<4x512xf32>
    %swap3A_322 = arith.constant 0 : index
    %swap3A_323 = arith.constant 0 : index
    %swap3A_324 = arith.constant 0 : index
    %swap3A_325 = vector.load %arg18[%swap3A_322, %swap3A_323, %swap3A_324] : memref<1x4x512xf32, #tpu.memory_space<vmem>>, vector<1x4x512xf32>
    %swap3A_326 = vector.shape_cast %swap3A_325 : vector<1x4x512xf32> to vector<4x512xf32>
    %swap3A_327 = vector.shape_cast %mul3A_321 : vector<4x512xf32> to vector<1x4x512xf32>
    tpu.vector_store %arg18[%swap3A_322, %swap3A_323, %swap3A_324], %swap3A_327 {strides = array<i32>} : memref<1x4x512xf32, #tpu.memory_space<vmem>>, vector<1x4x512xf32>,
    return
  }
  func.func @transform_0(%arg0: i32) -> (i32, i32, i32) {
    %c0_i32 = arith.constant 0 : i32
    %c0_i32_0 = arith.constant 0 : i32
    %c0_i32_1 = arith.constant 0 : i32
    return %arg0, %c0_i32, %c0_i32_0 : i32, i32, i32
  }
  func.func @transform_1(%arg0: i32) -> (i32, i32, i32) {
    %c0_i32 = arith.constant 0 : i32
    %c0_i32_0 = arith.constant 0 : i32
    %c0_i32_1 = arith.constant 0 : i32
    return %arg0, %c0_i32, %c0_i32_0 : i32, i32, i32
  }
  func.func @transform_2(%arg0: i32) -> (i32, i32) {
    %c0_i32 = arith.constant 0 : i32
    %c0_i32_0 = arith.constant 0 : i32
    %c0_i32_1 = arith.constant 0 : i32
    return %c0_i32, %c0_i32_0 : i32, i32
  }
  func.func @transform_3(%arg0: i32) -> (i32, i32) {
    %c0_i32 = arith.constant 0 : i32
    %c0_i32_0 = arith.constant 0 : i32
    %c0_i32_1 = arith.constant 0 : i32
    return %c0_i32, %c0_i32_0 : i32, i32
  }
  func.func @transform_4(%arg0: i32) -> (i32, i32) {
    %c0_i32 = arith.constant 0 : i32
    %c0_i32_0 = arith.constant 0 : i32
    %c0_i32_1 = arith.constant 0 : i32
    return %c0_i32, %c0_i32_0 : i32, i32
  }
  func.func @transform_5(%arg0: i32) -> (i32, i32) {
    %c0_i32 = arith.constant 0 : i32
    %c0_i32_0 = arith.constant 0 : i32
    %c0_i32_1 = arith.constant 0 : i32
    return %c0_i32, %c0_i32_0 : i32, i32
  }
  func.func @transform_6(%arg0: i32) -> (i32, i32) {
    %c0_i32 = arith.constant 0 : i32
    %c0_i32_0 = arith.constant 0 : i32
    %c0_i32_1 = arith.constant 0 : i32
    return %c0_i32, %c0_i32_0 : i32, i32
  }
  func.func @transform_7(%arg0: i32) -> (i32, i32) {
    %c0_i32 = arith.constant 0 : i32
    %c0_i32_0 = arith.constant 0 : i32
    %c0_i32_1 = arith.constant 0 : i32
    return %c0_i32, %c0_i32_0 : i32, i32
  }
  func.func @transform_8(%arg0: i32) -> (i32, i32) {
    %c0_i32 = arith.constant 0 : i32
    %c0_i32_0 = arith.constant 0 : i32
    %c0_i32_1 = arith.constant 0 : i32
    return %c0_i32, %c0_i32_0 : i32, i32
  }
  func.func @transform_9(%arg0: i32) -> (i32, i32) {
    %c0_i32 = arith.constant 0 : i32
    %c0_i32_0 = arith.constant 0 : i32
    %c0_i32_1 = arith.constant 0 : i32
    return %c0_i32, %c0_i32_0 : i32, i32
  }
  func.func @transform_10(%arg0: i32) -> (i32, i32) {
    %c0_i32 = arith.constant 0 : i32
    %c0_i32_0 = arith.constant 0 : i32
    %c0_i32_1 = arith.constant 0 : i32
    return %c0_i32, %c0_i32_0 : i32, i32
  }
  func.func @transform_11(%arg0: i32) -> (i32, i32) {
    %c0_i32 = arith.constant 0 : i32
    %c0_i32_0 = arith.constant 0 : i32
    %c0_i32_1 = arith.constant 0 : i32
    return %c0_i32, %c0_i32_0 : i32, i32
  }
  func.func @transform_12(%arg0: i32) -> (i32, i32) {
    %c0_i32 = arith.constant 0 : i32
    %c0_i32_0 = arith.constant 0 : i32
    %c0_i32_1 = arith.constant 0 : i32
    return %c0_i32, %c0_i32_0 : i32, i32
  }
  func.func @transform_13(%arg0: i32) -> (i32, i32) {
    %c0_i32 = arith.constant 0 : i32
    %c0_i32_0 = arith.constant 0 : i32
    %c0_i32_1 = arith.constant 0 : i32
    return %c0_i32, %c0_i32_0 : i32, i32
  }
  func.func @transform_14(%arg0: i32) -> (i32, i32) {
    %c0_i32 = arith.constant 0 : i32
    %c0_i32_0 = arith.constant 0 : i32
    %c0_i32_1 = arith.constant 0 : i32
    return %c0_i32, %c0_i32_0 : i32, i32
  }
  func.func @transform_15(%arg0: i32) -> (i32, i32) {
    %c0_i32 = arith.constant 0 : i32
    %c0_i32_0 = arith.constant 0 : i32
    %c0_i32_1 = arith.constant 0 : i32
    return %c0_i32, %c0_i32_0 : i32, i32
  }
  func.func @transform_16(%arg0: i32) -> (i32, i32, i32) {
    %c0_i32 = arith.constant 0 : i32
    %c0_i32_0 = arith.constant 0 : i32
    %c0_i32_1 = arith.constant 0 : i32
    return %arg0, %c0_i32, %c0_i32_0 : i32, i32, i32
  }
  func.func @transform_17(%arg0: i32) -> (i32, i32, i32) {
    %c0_i32 = arith.constant 0 : i32
    %c0_i32_0 = arith.constant 0 : i32
    %c0_i32_1 = arith.constant 0 : i32
    return %arg0, %c0_i32, %c0_i32_0 : i32, i32, i32
  }
}

module attributes {stable_mosaic.version = 14 : i64} {
  func.func @_select_kernel(%arg0: i32, %arg1: memref<16x8x512xf32, #tpu.memory_space<vmem>>, %arg2: memref<16x512xf32, #tpu.memory_space<vmem>>, %arg3: memref<16x8xi32, #tpu.memory_space<vmem>>, %arg4: memref<16x1xi32, #tpu.memory_space<vmem>>, %arg5: memref<1x1xi32, #tpu.memory_space<vmem>>, %arg6: memref<16x1xi32, #tpu.memory_space<vmem>>, %arg7: memref<16x8xf32, #tpu.memory_space<vmem>>) attributes {dimension_semantics = [#tpu.dimension_semantics<arbitrary>], iteration_bounds = array<i64: 1>, scalar_prefetch = 0 : i64, scratch_operands = 0 : i64, tpu.core_type = #tpu.core_type<tc>, window_params = [{pipeline_mode = #tpu.pipeline_mode<synchronous>, transform_indices = @transform_0, window_bounds = array<i64: 16, 8, 512>}, {pipeline_mode = #tpu.pipeline_mode<synchronous>, transform_indices = @transform_1, window_bounds = array<i64: 16, 512>}, {pipeline_mode = #tpu.pipeline_mode<synchronous>, transform_indices = @transform_2, window_bounds = array<i64: 16, 8>}, {pipeline_mode = #tpu.pipeline_mode<synchronous>, transform_indices = @transform_3, window_bounds = array<i64: 16, 1>}, {pipeline_mode = #tpu.pipeline_mode<synchronous>, transform_indices = @transform_4, window_bounds = array<i64: 1, 1>}, {pipeline_mode = #tpu.pipeline_mode<synchronous>, transform_indices = @transform_5, window_bounds = array<i64: 16, 1>}, {pipeline_mode = #tpu.pipeline_mode<synchronous>, transform_indices = @transform_6, window_bounds = array<i64: 16, 8>}]} {
    %get3A = arith.constant 0 : index
    %get3A_0 = arith.constant 0 : index
    %get3A_1 = arith.constant 0 : index
    %get3A_2 = vector.load %arg1[%get3A, %get3A_0, %get3A_1] : memref<16x8x512xf32, #tpu.memory_space<vmem>>, vector<16x8x512xf32>
    %get3A_3 = arith.constant 0 : index
    %get3A_4 = arith.constant 0 : index
    %get3A_5 = vector.load %arg2[%get3A_3, %get3A_4] : memref<16x512xf32, #tpu.memory_space<vmem>>, vector<16x512xf32>
    %broadcast_in_dim3A = vector.shape_cast %get3A_5 : vector<16x512xf32> to vector<16x1x512xf32>
    %mul3A = vector.broadcast %broadcast_in_dim3A : vector<16x1x512xf32> to vector<16x8x512xf32>
    %mul3A_6 = arith.mulf %get3A_2, %mul3A : vector<16x8x512xf32>
    %reduce_sum3A = arith.constant dense<0.000000e+00> : vector<16x8xf32>
    %reduce_sum3A_7 = vector.multi_reduction <add>, %mul3A_6, %reduce_sum3A [2] : vector<16x8x512xf32> to vector<16x8xf32>
    %get3A_8 = arith.constant 0 : index
    %get3A_9 = arith.constant 0 : index
    %get3A_10 = vector.load %arg3[%get3A_8, %get3A_9] : memref<16x8xi32, #tpu.memory_space<vmem>>, vector<16x8xi32>
    %ne3A = arith.constant 0 : i32
    %ne3A_11 = vector.broadcast %ne3A : i32 to vector<16x8xi32>
    %ne3A_12 = arith.cmpi ne, %get3A_10, %ne3A_11 : vector<16x8xi32>
    %jit3A = arith.constant -1.000000e+09 : f32
    %broadcast_in_dim3A_13 = vector.broadcast %jit3A : f32 to vector<16x8xf32>
    %select_n3A = arith.select %ne3A_12, %reduce_sum3A_7, %broadcast_in_dim3A_13 : vector<16x8xi1>, vector<16x8xf32>
    %reduce_max3A = arith.constant dense<0xFF800000> : vector<16xf32>
    %reduce_max3A_14 = vector.multi_reduction <maximumf>, %select_n3A, %reduce_max3A [1] : vector<16x8xf32> to vector<16xf32>
    %broadcast_in_dim3A_15 = vector.shape_cast %reduce_max3A_14 : vector<16xf32> to vector<16x1xf32>
    %iota3A = tpu.iota {dimensions = array<i32: 1>} : vector<16x8xi32>
    %eq3A = vector.broadcast %broadcast_in_dim3A_15 : vector<16x1xf32> to vector<16x8xf32>
    %eq3A_16 = arith.cmpf oeq, %select_n3A, %eq3A : vector<16x8xf32>
    %jit3A_17 = arith.constant 8 : i32
    %broadcast_in_dim3A_18 = vector.broadcast %jit3A_17 : i32 to vector<16x8xi32>
    %select_n3A_19 = arith.select %eq3A_16, %iota3A, %broadcast_in_dim3A_18 : vector<16x8xi1>, vector<16x8xi32>
    %reduce_min3A = arith.constant dense<2147483647> : vector<16xi32>
    %reduce_min3A_20 = vector.multi_reduction <minsi>, %select_n3A_19, %reduce_min3A [1] : vector<16x8xi32> to vector<16xi32>
    %broadcast_in_dim3A_21 = vector.shape_cast %reduce_min3A_20 : vector<16xi32> to vector<16x1xi32>
    %get3A_22 = arith.constant 0 : index
    %get3A_23 = arith.constant 0 : index
    %get3A_24 = vector.load %arg5[%get3A_22, %get3A_23] : memref<1x1xi32, #tpu.memory_space<vmem>>, vector<1x1xi32>
    %get3A_25 = vector.extract %get3A_24[0, 0] : i32 from vector<1x1xi32>
    %ne3A_26 = arith.constant 0 : i32
    %ne3A_27 = arith.cmpi ne, %get3A_25, %ne3A_26 : i32
    %get3A_28 = arith.constant 0 : index
    %get3A_29 = arith.constant 0 : index
    %get3A_30 = vector.load %arg4[%get3A_28, %get3A_29] : memref<16x1xi32, #tpu.memory_space<vmem>>, vector<16x1xi32>
    %select_n3A_31 = arith.select %ne3A_27, %get3A_30, %broadcast_in_dim3A_21 : vector<16x1xi32>
    %iota3A_32 = tpu.iota {dimensions = array<i32: 1>} : vector<16x16xi32>
    %eq3A_33 = vector.broadcast %select_n3A_31 : vector<16x1xi32> to vector<16x16xi32>
    %eq3A_34 = arith.cmpi eq, %eq3A_33, %iota3A_32 : vector<16x16xi32>
    %convert_element_type3A = arith.extui %eq3A_34 : vector<16x16xi1> to vector<16x16xi32>
    %convert_element_type3A_35 = arith.sitofp %convert_element_type3A : vector<16x16xi32> to vector<16x16xf32>
    %convert_element_type3A_36 = arith.sitofp %select_n3A_31 : vector<16x1xi32> to vector<16x1xf32>
    %dot_general3A = arith.constant dense<0.000000e+00> : vector<16x1xf32>
    %dot_general3A_37 = tpu.matmul %convert_element_type3A_35, %convert_element_type3A_36, %dot_general3A {dimension_numbers = #tpu.dot_dimension_numbers<[1], [0], [0], [1], [0, 0, 1, 1], [], []>, transpose_lhs_hint = false} : vector<16x16xf32>, vector<16x1xf32>, vector<16x1xf32> -> vector<16x1xf32>
    %convert_element_type3A_38 = arith.fptosi %dot_general3A_37 : vector<16x1xf32> to vector<16x1xi32>
    %swap3A = arith.constant 0 : index
    %swap3A_39 = arith.constant 0 : index
    %swap3A_40 = vector.load %arg6[%swap3A, %swap3A_39] : memref<16x1xi32, #tpu.memory_space<vmem>>, vector<16x1xi32>
    tpu.vector_store %arg6[%swap3A, %swap3A_39], %convert_element_type3A_38 {strides = array<i32>} : memref<16x1xi32, #tpu.memory_space<vmem>>, vector<16x1xi32>,
    %jit3A_41 = arith.constant 0.000000e+00 : f32
    %broadcast_in_dim3A_42 = vector.broadcast %jit3A_41 : f32 to vector<16x8xf32>
    %select_n3A_43 = arith.select %ne3A_12, %reduce_sum3A_7, %broadcast_in_dim3A_42 : vector<16x8xi1>, vector<16x8xf32>
    %swap3A_44 = arith.constant 0 : index
    %swap3A_45 = arith.constant 0 : index
    %swap3A_46 = vector.load %arg7[%swap3A_44, %swap3A_45] : memref<16x8xf32, #tpu.memory_space<vmem>>, vector<16x8xf32>
    tpu.vector_store %arg7[%swap3A_44, %swap3A_45], %select_n3A_43 {strides = array<i32>} : memref<16x8xf32, #tpu.memory_space<vmem>>, vector<16x8xf32>,
    return
  }
  func.func @transform_0(%arg0: i32) -> (i32, i32, i32) {
    %c0_i32 = arith.constant 0 : i32
    %c0_i32_0 = arith.constant 0 : i32
    %c0_i32_1 = arith.constant 0 : i32
    %c0_i32_2 = arith.constant 0 : i32
    return %c0_i32, %c0_i32_0, %c0_i32_1 : i32, i32, i32
  }
  func.func @transform_1(%arg0: i32) -> (i32, i32) {
    %c0_i32 = arith.constant 0 : i32
    %c0_i32_0 = arith.constant 0 : i32
    %c0_i32_1 = arith.constant 0 : i32
    return %c0_i32, %c0_i32_0 : i32, i32
  }
  func.func @transform_2(%arg0: i32) -> (i32, i32) {
    %c0_i32 = arith.constant 0 : i32
    %c0_i32_0 = arith.constant 0 : i32
    %c0_i32_1 = arith.constant 0 : i32
    return %c0_i32, %c0_i32_0 : i32, i32
  }
  func.func @transform_3(%arg0: i32) -> (i32, i32) {
    %c0_i32 = arith.constant 0 : i32
    %c0_i32_0 = arith.constant 0 : i32
    %c0_i32_1 = arith.constant 0 : i32
    return %c0_i32, %c0_i32_0 : i32, i32
  }
  func.func @transform_4(%arg0: i32) -> (i32, i32) {
    %c0_i32 = arith.constant 0 : i32
    %c0_i32_0 = arith.constant 0 : i32
    %c0_i32_1 = arith.constant 0 : i32
    return %c0_i32, %c0_i32_0 : i32, i32
  }
  func.func @transform_5(%arg0: i32) -> (i32, i32) {
    %c0_i32 = arith.constant 0 : i32
    %c0_i32_0 = arith.constant 0 : i32
    %c0_i32_1 = arith.constant 0 : i32
    return %c0_i32, %c0_i32_0 : i32, i32
  }
  func.func @transform_6(%arg0: i32) -> (i32, i32) {
    %c0_i32 = arith.constant 0 : i32
    %c0_i32_0 = arith.constant 0 : i32
    %c0_i32_1 = arith.constant 0 : i32
    return %c0_i32, %c0_i32_0 : i32, i32
  }
}

module attributes {stable_mosaic.version = 14 : i64} {
  func.func @_gc_kernel(%arg0: i32, %arg1: memref<16xi32, #tpu.memory_space<smem>>, %arg2: memref<1x1x128x512xf32, #tpu.memory_space<vmem>>, %arg3: memref<1x1x1x128xi32, #tpu.memory_space<vmem>>, %arg4: memref<1x512x512xf32, #tpu.memory_space<vmem>>, %arg5: memref<1x1x512xi32, #tpu.memory_space<vmem>>, %arg6: memref<1x640x512xf32, #tpu.memory_space<vmem>>, %arg7: memref<1x1x640xi32, #tpu.memory_space<vmem>>) attributes {dimension_semantics = [#tpu.dimension_semantics<arbitrary>], iteration_bounds = array<i64: 16>, scalar_prefetch = 1 : i64, scratch_operands = 0 : i64, tpu.core_type = #tpu.core_type<tc>, window_params = [{transform_indices = @transform_0, window_bounds = array<i64: 1, 1, 128, 512>}, {transform_indices = @transform_1, window_bounds = array<i64: 1, 1, 1, 128>}, {transform_indices = @transform_2, window_bounds = array<i64: 1, 512, 512>}, {transform_indices = @transform_3, window_bounds = array<i64: 1, 1, 512>}, {transform_indices = @transform_4, window_bounds = array<i64: 1, 640, 512>}, {transform_indices = @transform_5, window_bounds = array<i64: 1, 1, 640>}]} {
    %get3A = arith.constant 0 : index
    %get3A_0 = arith.constant 0 : index
    %get3A_1 = arith.constant 0 : index
    %get3A_2 = arith.constant 0 : index
    %get3A_3 = vector.load %arg2[%get3A, %get3A_0, %get3A_1, %get3A_2] : memref<1x1x128x512xf32, #tpu.memory_space<vmem>>, vector<1x1x128x512xf32>
    %get3A_4 = vector.shape_cast %get3A_3 : vector<1x1x128x512xf32> to vector<128x512xf32>
    %swap3A = arith.constant 0 : index
    %swap3A_5 = arith.constant 0 : index
    %swap3A_6 = arith.constant 0 : index
    %swap3A_7 = vector.load %arg6[%swap3A, %swap3A_5, %swap3A_6] : memref<1x640x512xf32, #tpu.memory_space<vmem>>, vector<1x128x512xf32>
    %swap3A_8 = vector.shape_cast %swap3A_7 : vector<1x128x512xf32> to vector<128x512xf32>
    %swap3A_9 = vector.shape_cast %get3A_4 : vector<128x512xf32> to vector<1x128x512xf32>
    tpu.vector_store %arg6[%swap3A, %swap3A_5, %swap3A_6], %swap3A_9 {strides = array<i32>} : memref<1x640x512xf32, #tpu.memory_space<vmem>>, vector<1x128x512xf32>,
    %get3A_10 = arith.constant 0 : index
    %get3A_11 = arith.constant 0 : index
    %get3A_12 = arith.constant 0 : index
    %get3A_13 = vector.load %arg4[%get3A_10, %get3A_11, %get3A_12] : memref<1x512x512xf32, #tpu.memory_space<vmem>>, vector<1x512x512xf32>
    %get3A_14 = vector.shape_cast %get3A_13 : vector<1x512x512xf32> to vector<512x512xf32>
    %swap3A_15 = arith.constant 0 : index
    %swap3A_16 = arith.constant 128 : index
    %swap3A_17 = arith.constant 0 : index
    %swap3A_18 = vector.load %arg6[%swap3A_15, %swap3A_16, %swap3A_17] : memref<1x640x512xf32, #tpu.memory_space<vmem>>, vector<1x512x512xf32>
    %swap3A_19 = vector.shape_cast %swap3A_18 : vector<1x512x512xf32> to vector<512x512xf32>
    %swap3A_20 = vector.shape_cast %get3A_14 : vector<512x512xf32> to vector<1x512x512xf32>
    tpu.vector_store %arg6[%swap3A_15, %swap3A_16, %swap3A_17], %swap3A_20 {strides = array<i32>} : memref<1x640x512xf32, #tpu.memory_space<vmem>>, vector<1x512x512xf32>,
    %get3A_21 = arith.constant 0 : index
    %get3A_22 = arith.constant 0 : index
    %get3A_23 = arith.constant 0 : index
    %get3A_24 = arith.constant 0 : index
    %get3A_25 = vector.load %arg3[%get3A_21, %get3A_22, %get3A_23, %get3A_24] : memref<1x1x1x128xi32, #tpu.memory_space<vmem>>, vector<1x1x1x128xi32>
    %get3A_26 = vector.shape_cast %get3A_25 : vector<1x1x1x128xi32> to vector<128xi32>
    %ne3A = arith.constant 0 : i32
    %ne3A_27 = vector.broadcast %ne3A : i32 to vector<128xi32>
    %ne3A_28 = arith.cmpi ne, %get3A_26, %ne3A_27 : vector<128xi32>
    %convert_element_type3A = arith.extui %ne3A_28 : vector<128xi1> to vector<128xi32>
    %swap3A_29 = arith.constant 0 : index
    %swap3A_30 = arith.constant 0 : index
    %swap3A_31 = arith.constant 0 : index
    %swap3A_32 = vector.load %arg7[%swap3A_29, %swap3A_30, %swap3A_31] : memref<1x1x640xi32, #tpu.memory_space<vmem>>, vector<1x1x128xi32>
    %swap3A_33 = vector.shape_cast %swap3A_32 : vector<1x1x128xi32> to vector<128xi32>
    %swap3A_34 = vector.shape_cast %convert_element_type3A : vector<128xi32> to vector<1x1x128xi32>
    tpu.vector_store %arg7[%swap3A_29, %swap3A_30, %swap3A_31], %swap3A_34 {strides = array<i32>} : memref<1x1x640xi32, #tpu.memory_space<vmem>>, vector<1x1x128xi32>,
    %get3A_35 = arith.constant 0 : index
    %get3A_36 = arith.constant 0 : index
    %get3A_37 = arith.constant 0 : index
    %get3A_38 = vector.load %arg5[%get3A_35, %get3A_36, %get3A_37] : memref<1x1x512xi32, #tpu.memory_space<vmem>>, vector<1x1x512xi32>
    %get3A_39 = vector.shape_cast %get3A_38 : vector<1x1x512xi32> to vector<512xi32>
    %ne3A_40 = arith.constant 0 : i32
    %ne3A_41 = vector.broadcast %ne3A_40 : i32 to vector<512xi32>
    %ne3A_42 = arith.cmpi ne, %get3A_39, %ne3A_41 : vector<512xi32>
    %convert_element_type3A_43 = arith.extui %ne3A_42 : vector<512xi1> to vector<512xi32>
    %swap3A_44 = arith.constant 0 : index
    %swap3A_45 = arith.constant 0 : index
    %swap3A_46 = arith.constant 128 : index
    %swap3A_47 = vector.load %arg7[%swap3A_44, %swap3A_45, %swap3A_46] : memref<1x1x640xi32, #tpu.memory_space<vmem>>, vector<1x1x512xi32>
    %swap3A_48 = vector.shape_cast %swap3A_47 : vector<1x1x512xi32> to vector<512xi32>
    %swap3A_49 = vector.shape_cast %convert_element_type3A_43 : vector<512xi32> to vector<1x1x512xi32>
    tpu.vector_store %arg7[%swap3A_44, %swap3A_45, %swap3A_46], %swap3A_49 {strides = array<i32>} : memref<1x1x640xi32, #tpu.memory_space<vmem>>, vector<1x1x512xi32>,
    return
  }
  func.func @transform_0(%arg0: i32, %arg1: memref<16xi32, #tpu.memory_space<smem>>) -> (i32, i32, i32, i32) {
    %get3A = arith.index_cast %arg0 : i32 to index
    %get3A_0 = memref.load %arg1[%get3A] : memref<16xi32, #tpu.memory_space<smem>>
    %c0_i32 = arith.constant 0 : i32
    %c0_i32_1 = arith.constant 0 : i32
    %c0_i32_2 = arith.constant 0 : i32
    return %arg0, %get3A_0, %c0_i32, %c0_i32_1 : i32, i32, i32, i32
  }
  func.func @transform_1(%arg0: i32, %arg1: memref<16xi32, #tpu.memory_space<smem>>) -> (i32, i32, i32, i32) {
    %get3A = arith.index_cast %arg0 : i32 to index
    %get3A_0 = memref.load %arg1[%get3A] : memref<16xi32, #tpu.memory_space<smem>>
    %c0_i32 = arith.constant 0 : i32
    %c0_i32_1 = arith.constant 0 : i32
    %c0_i32_2 = arith.constant 0 : i32
    return %arg0, %get3A_0, %c0_i32, %c0_i32_1 : i32, i32, i32, i32
  }
  func.func @transform_2(%arg0: i32, %arg1: memref<16xi32, #tpu.memory_space<smem>>) -> (i32, i32, i32) {
    %c0_i32 = arith.constant 0 : i32
    %c0_i32_0 = arith.constant 0 : i32
    %c0_i32_1 = arith.constant 0 : i32
    return %arg0, %c0_i32, %c0_i32_0 : i32, i32, i32
  }
  func.func @transform_3(%arg0: i32, %arg1: memref<16xi32, #tpu.memory_space<smem>>) -> (i32, i32, i32) {
    %c0_i32 = arith.constant 0 : i32
    %c0_i32_0 = arith.constant 0 : i32
    %c0_i32_1 = arith.constant 0 : i32
    return %arg0, %c0_i32, %c0_i32_0 : i32, i32, i32
  }
  func.func @transform_4(%arg0: i32, %arg1: memref<16xi32, #tpu.memory_space<smem>>) -> (i32, i32, i32) {
    %c0_i32 = arith.constant 0 : i32
    %c0_i32_0 = arith.constant 0 : i32
    %c0_i32_1 = arith.constant 0 : i32
    return %arg0, %c0_i32, %c0_i32_0 : i32, i32, i32
  }
  func.func @transform_5(%arg0: i32, %arg1: memref<16xi32, #tpu.memory_space<smem>>) -> (i32, i32, i32) {
    %c0_i32 = arith.constant 0 : i32
    %c0_i32_0 = arith.constant 0 : i32
    %c0_i32_1 = arith.constant 0 : i32
    return %arg0, %c0_i32, %c0_i32_0 : i32, i32, i32
  }
}

</mosaic_0001>

<sc_bundles>
// kernel: kernel.11.cloned.1.call-start
scs
__scs_entry_jumppad:
0x0: {  	(pc) =	sbr.rel $0x88, $3  }
0x1: {  	(tag) =	ssettag $0x0;
	lr =	simm.s32 $0x1  }
0x2: {  	[smem:$0x3F8E] =	sst lr;
	_ =	strace $0xD0000000  }
0x3: {  	_ = 	snop  }
0x4: {  	_ = 	snop  }
0x5: {  	_ = 	snop  }
0x6: {  	_ = 	snop  }
0x7: {  	_ = 	snop  }
__scs_overlays_trampoline_lowered:
0x8: {  	[smem:$0x3F9D] =	sst s0  }
0x9: {  	[smem:$0x3F9E] =	sst s1  }
0xa: {  	[smem:$0x3F9F] =	sst s2  }
0xb: {  	[smem:$0x3FA0] =	sst s3  }
0xc: {  	[smem:$0x3FA1] =	sst s4  }
0xd: {  	[smem:$0x3FA2] =	sst s5  }
0xe: {  	[smem:$0x3FA3] =	sst s6  }
0xf: {  	[smem:$0x3FA4] =	sst s7  }
0x10: {  	[smem:$0x3FA5] =	sst s8  }
0x11: {  	[smem:$0x3FA6] =	sst s9;
	s0 =	simm.s32 @!p0 $0x0  }
0x12: {  	s1 =	sld [smem:$0x3F8C];
	s0 =	simm.s32 @p0 $0x1  }
0x13: {  	[smem:$0x3FA7] =	sst s0;
	s0 =	simm.s32 @!p1 $0x0  }
0x14: {  	s2 =	sld [smem:$0x3F8B];
	s0 =	simm.s32 @p1 $0x1  }
0x15: {  	[smem:$0x3FA8] =	sst s0;
	s0 =	simm.s32 @!p2 $0x0  }
0x16: {  	s3 =	sld [smem:$0x3FDB];
	s0 =	simm.s32 @p2 $0x1  }
0x17: {  	s4 =	simm.s32 $0x1BF5;
	[smem:$0x3FAA] =	sst s0  }
0x18: {  	s0 =	sld [smem:$0x3F8D];
	_ =	swait.ge [sflag:s4], $0x0  }
0x19: {  	s7 =	sld [smem:$0x3F8E]  }
0x1a: {  	s8 =	sadd.s32 $0xFFFFE003, lr  }
0x1b: {  	s9 =	sadd.s32 $0xFFFFFEF7, lr;
	s5 =	simm.s32 $0xFFFFFFFF;
	p2 =	slt.u32 s8, $0xFFFFF086  }
0x1c: {  	p1 =	slt.u32 s9, $0xF7A;
	s5 =	simm.s32 @!p2 $0x0  }
0x1d: {  	s5 =	simm.s32 @p1 $0x1;
	p0 =	seq.s32 s7, s2  }
0x1e: {  	s7 =	smul.u32 @!p0 $0xF7A, s2;
	p2 =	seq.s32 @!p0 s5, $0x0  }
0x1f: {  	s9 =	smul.u32 $0xF7A, s1;
	s8 =	simm.s32 @!p0 $0x1BF5;
	p2 =	por !p2, p0  }
0x20: {  	[sflag:s8] =	ssyncset.s32 @!p0 $0xFFFFF086;
	s6 =	sadd.s32 @!p0 s3, s7;
	s7 =	simm.s32 @!p0 $0x108  }
0x21: {  	s3 =	sadd.s32 s3, s9;
	s6 =	sadd.s32 @!p0 $0x88, s6;
	s7 =	simm.s32 @p2 $0x1082  }
0x22: {  	[simem:s7], [sflag:s8] =	dma.local @!p0 [hbm:s6], $0xF7A  }
0x23: {  	s9 =	sor.u32 $0xD0000000, s2;
	s6 =	simm.s32 $0x108;
	_ =	swait.ge @!p0 [sflag:s8], $0x0  }
0x24: {  	s3 =	sadd.s32 $0x88, s3;
	s6 =	simm.s32 @!p1 $0x1082;
	[sflag:s4] =	ssyncset.s32 $0xFFFFF086  }
0x25: {  	[simem:s6], [sflag:s4] =	dma.local [hbm:s3], $0xF7A  }
0x26: {  	[smem:$0x3F8E] =	sst s1;
	(tag) =	ssettag s2;
	_ =	strace s9  }
0x27: {  	s1 =	sld [smem:$0x3F9E]  }
0x28: {  	s2 =	sld [smem:$0x3F9F]  }
0x29: {  	s4 =	sld [smem:$0x3FA1]  }
0x2a: {  	p0 =	seq.s32 s5, $0x0;
	s5 =	sld [smem:$0x3FA2]  }
0x2b: {  	s6 =	sld [smem:$0x3FA3]  }
0x2c: {  	s7 =	sld [smem:$0x3FA4]  }
0x2d: {  	s3 =	simm.s32 $0x108;
	s8 =	sld [smem:$0x3FA5]  }
0x2e: {  	s3 =	simm.s32 @!p0 $0x1082;
	s9 =	sld [smem:$0x3FA6]  }
0x2f: {  	lr =	sadd.s32 s0, s3;
	s0 =	sld [smem:$0x3F9D]  }
0x30: {  	s3 =	sld [smem:$0x3FA0]  }
0x31: {  	[smem:$0x3FA9] =	sst s10  }
0x32: {  	s10 =	sld [smem:$0x3FA7];
	_ =	sdelay $0x3  }
0x33: {  	p0 =	seq.s32 s10, $0x1;
	s10 =	sld [smem:$0x3FA9];
	_ =	sdelay $0x3  }
0x34: {  	[smem:$0x3FA9] =	sst s10  }
0x35: {  	s10 =	sld [smem:$0x3FA8];
	_ =	sdelay $0x3  }
0x36: {  	p1 =	seq.s32 s10, $0x1;
	s10 =	sld [smem:$0x3FA9];
	_ =	sdelay $0x3  }
0x37: {  	[smem:$0x3FA9] =	sst s10  }
0x38: {  	s10 =	sld [smem:$0x3FAA]  }
0x39: {  	_ = 	snop;
	(pc) =	sbr.ind lr, $3  }
0x3a: {  	_ = 	snop  }
0x3b: {  	_ = 	snop  }
0x3c: {  	p2 =	seq.s32 s10, $0x1;
	s10 =	sld [smem:$0x3FA9]  }
0x3d: {  	_ =	shalt  }
0x3e: {  	_ =	shalt  }
0x3f: {  	_ =	shalt  }
0x40: {  	_ =	shalt  }
0x41: {  	_ =	shalt  }
0x42: {  	_ =	shalt  }
0x43: {  	_ =	shalt  }
0x44: {  	_ =	shalt  }
0x45: {  	_ =	shalt  }
0x46: {  	_ =	shalt  }
0x47: {  	_ =	shalt  }
0x48: {  	_ =	shalt  }
0x49: {  	_ =	shalt  }
0x4a: {  	_ =	shalt  }
0x4b: {  	_ =	shalt  }
0x4c: {  	_ =	shalt  }
0x4d: {  	_ =	shalt  }
0x4e: {  	_ =	shalt  }
0x4f: {  	_ =	shalt  }
0x50: {  	_ =	shalt  }
0x51: {  	_ =	shalt  }
0x52: {  	_ =	shalt  }
0x53: {  	_ =	shalt  }
0x54: {  	_ =	shalt  }
0x55: {  	_ =	shalt  }
0x56: {  	_ =	shalt  }
0x57: {  	_ =	shalt  }
0x58: {  	_ =	shalt  }
0x59: {  	_ =	shalt  }
0x5a: {  	_ =	shalt  }
0x5b: {  	_ =	shalt  }
0x5c: {  	_ =	shalt  }
0x5d: {  	_ =	shalt  }
0x5e: {  	_ =	shalt  }
0x5f: {  	_ =	shalt  }
0x60: {  	_ =	shalt  }
0x61: {  	_ =	shalt  }
0x62: {  	_ =	shalt  }
0x63: {  	_ =	shalt  }
0x64: {  	_ =	shalt  }
0x65: {  	_ =	shalt  }
0x66: {  	_ =	shalt  }
0x67: {  	_ =	shalt  }
0x68: {  	_ =	shalt  }
0x69: {  	_ =	shalt  }
0x6a: {  	_ =	shalt  }
0x6b: {  	_ =	shalt  }
0x6c: {  	_ =	shalt  }
0x6d: {  	_ =	shalt  }
0x6e: {  	_ =	shalt  }
0x6f: {  	_ =	shalt  }
0x70: {  	_ =	shalt  }
0x71: {  	_ =	shalt  }
0x72: {  	_ =	shalt  }
0x73: {  	_ =	shalt  }
0x74: {  	_ =	shalt  }
0x75: {  	_ =	shalt  }
0x76: {  	_ =	shalt  }
0x77: {  	_ =	shalt  }
0x78: {  	_ =	shalt  }
0x79: {  	_ =	shalt  }
0x7a: {  	_ =	shalt  }
0x7b: {  	_ =	shalt  }
0x7c: {  	_ =	shalt  }
0x7d: {  	_ =	shalt  }
0x7e: {  	_ =	shalt  }
0x7f: {  	_ =	shalt  }
0x80: {  	_ =	shalt  }
0x81: {  	_ =	shalt  }
0x82: {  	_ =	shalt  }
0x83: {  	_ =	shalt  }
0x84: {  	_ =	shalt  }
0x85: {  	_ =	shalt  }
0x86: {  	_ =	shalt  }
0x87: {  	_ =	shalt  }
.Lfunc_end0:
.L_simem_size_0:
called_computation.1_lowered:
.L_overlay_start_0:
0x88: {  	s2 =	sld [smem:$0x3FD9]  }
0x89: {  	s3 =	sld [smem:$0x3FFE];
	_ =	sdelay $0x1  }
0x8a: {  	s1 =	srdreg.scid  }
0x8b: {  	s0 =	sand.u32 $0x1, s1  }
0x8c: {  	s17 =	sshll.u32 s0, $0xA;
	s2 =	sadd.s32 s3, s2  }
0x8d: {  	s2 =	sadd.s32 s2, s17  }
0x8e: {  	[smem:$0x3FB5] =	sst s2  }
0x8f: {  	_ = 	snop  }
0x90: {  	s2 =	sld [smem:$0x3FC8]  }
0x91: {  	s18 =	sld [smem:$0x3FBA];
	(tm) =	ssettm $0x1  }
0x92: {  	s4 =	sld [smem:$0x3FFB];
	_ =	sdelay $0x3  }
0x93: {  	_ =	strace s4  }
0x94: {  	s4 =	sld [smem:$0x3FFC];
	_ =	sdelay $0x3  }
0x95: {  	_ =	strace s4  }
0x96: {  	s4 =	sld [smem:$0x3FFD];
	_ =	sdelay $0x3  }
0x97: {  	_ =	strace s4  }
0x98: {  	_ =	strace $0x8FFFFFFF  }
0x99: {  	s19 =	sld [smem:$0x3FDB];
	_ =	sdelay $0x1  }
0x9a: {  	s5 =	simm.s32 $_scs_section_size  }
0x9b: {  	s6 =	simm.s32 $_size__tile_overlayer_lowered;
	s7 =	simm.s32 $_tile_overlayer_lowered  }
0x9c: {  	s22 =	simm.s32 $0x1BFF;
	s21 =	sshll.u32 s7, $0x1;
	s4 =	sadd.s32 s5, s19  }
0x9d: {  	s8 =	simm.s32 $0x0;
	s20 =	sshll.u32 s6, $0x1;
	s6 =	sadd.s32 s21, s4  }
0x9e: {  	[timem:s8], [sflag:s22] =	dma.local [hbm:s6], s20  }
0x9f: {  	_ =	swait.ge [sflag:s22], s20  }
0xa0: {  	s5 =	ssub.s32 $0x0, s20;
	[sflag:s22] =	ssyncset.done $0x0  }
0xa1: {  	[sflag:s22] =	ssyncadd.s32 s5;
	_ =	sdelay $0x1  }
0xa2: {  	s23 =	simm.s32 $0x1B8B  }
0xa3: {  	_ =	swait.ge [sflag:s23], $0x1  }
0xa4: {  	[sflag:s23] =	ssyncset.done $0x0  }
0xa5: {  	s25 =	simm.s32 $0x1B8E;
	s24 =	sld [smem:$0x3FFE];
	[sflag:s23] =	ssyncadd.s32 $0xFFFFFFFF  }
0xa6: {  	s26 =	simm.s32 $execute0_lowered;
	[smem:$0x3FD2] =	sst s25  }
0xa7: {  	s6 =	sshll.u32 s26, $0x1;
	_ =	strace $0x80000046;
	[dreg:$0x1] =	wrdreg $0xFFFFFFFF  }
0xa8: {  	s28 =	simm.s32 $_size_execute0_lowered;
	s4 =	sadd.s32 s4, s6;
	[dreg:$0x0] =	wrdreg $0x0  }
0xa9: {  	s6 =	sshll.u32 s28, $0x1;
	[dreg:$0x2] =	wrdreg s4  }
0xaa: {  	[dreg:$0x3] =	wrdreg s6  }
0xab: {  	[dreg:$0x4] =	wrdreg $0xC0  }
0xac: {  	_ =	task [dreg:s8], $0x5FFFF  }
0xad: {  	[dreg:$0x1] =	wrdreg $0xFFFFFFFF  }
0xae: {  	[dreg:$0x0] =	wrdreg $0x60  }
0xaf: {  	[dreg:$0x2] =	wrdreg s18  }
0xb0: {  	[dreg:$0x3] =	wrdreg s2  }
0xb1: {  	[dreg:$0x4] =	wrdreg s24  }
0xb2: {  	[dreg:$0x5] =	wrdreg $0xA  }
0xb3: {  	_ =	task.clear_ibuf [dreg:s8], $0x6FFFF;
	_ =	strace $0x90000046  }
0xb4: {  	s29 =	simm.s32 $0xA;
	_ =	strace $0x80000048  }
0xb5: {  	_ =	swait.ge [sflag:s29], $0x1  }
0xb6: {  	[sflag:s29] =	ssyncadd.s32 $0xFFFFFFFF  }
0xb7: {  	_ =	strace $0x90000048  }
0xb8: {  	_ =	sfence  }
0xb9: {  	s30 =	sld [smem:$0x0];
	_ =	sdelay $0x2  }
0xba: {  	s31 =	sshll.u32 s1, $0xD;
	s1 =	sshrl.u32 s1, $0x2  }
0xbb: {  	s3 =	sand.u32 $0x4000, s31;
	s1 =	sadd.s32 s1, s30  }
0xbc: {  	s0 =	sor.u32 s3, s0;
	s1 =	sshll.u32 s1, $0x11  }
0xbd: {  	s0 =	sor.u32 s1, s0  }
0xbe: {  	s0 =	sadd.s32 $0x8F2B, s0  }
0xbf: {  	[sflag:s0] =	ssyncadd.remote.s32 $0x1  }
0xc0: {  	_ =	sfence.sel $0xFFFF  }
0xc1: {  	[dreg:$0x0] =	wrdreg $0xFFFFFFFF;
	(pc) =	sbr.abs _section_cstart, $3  }
0xc2: {  	[dreg:$0x1] =	wrdreg $0xFFFFFFFF  }
0xc3: {  	_ =	task.clear_ibuf [dreg:s8], $0x2FFFF;
	_ =	strace $0x9FFFFFFF  }
0xc4: {  	(tm) =	ssettm $0x7FFFFFFF  }
0xc5: {  	_ =	shalt  }
tec
execute0_lowered:
.L_overlay_start_1:
0x0: {  	(tag) =	ssettag $0x1  }
0x1: {  	s1 =	rddreg [dreg:$0x0]  }
0x2: {  	s0 =	srdreg.scid;
	s2 =	rddreg [dreg:$0x1]  }
0x3: {  	s3 =	stileid.u32;
	s4 =	rddreg [dreg:$0x2];
	s29 =	simm.s32 $0x8200  }
0x4: {  	s13 =	simm.s32 $0x1;
	s15 =	simm.s32 $0x2;
	s16 =	simm.s32 $0x4  }
0x5: {  	s17 =	simm.s32 $0x3;
	s30 =	simm.s32 $0x4200;
	s31 =	simm.s32 $0x4A00  }
0x6: {  	s7 =	simm.s32 $0x10200;
	s11 =	simm.s32 $0x10A00;
	s12 =	simm.s32 $0x11200  }
0x7: {  	s14 =	simm.s32 $0x11A00;
	s8 =	simm.s32 $0x13A00;
	s0 =	sand.u32 $0x1, s0  }
0x8: {  	s9 =	simm.s32 $0x14200;
	s5 =	sshll.u32 s3, $0xA;
	s6 =	sshll.u32 s0, $0x9  }
0x9: {  	s10 =	simm.s32 $0x14A00;
	s28 =	simm.s32 $0x17A00;
	s5 =	sor.u32 s6, s5  }
0xa: {  	s3 =	simm.s32 $0x0;
	s6 =	sshll.u32 s5, $0x6;
	s5 =	sshrl.u32 s5, $0x3  }
0xb: {  	[smem:$0x7FF] =	sst s3;
	s6 =	sadd.s32 s6, s4;
	s2 =	sadd.s32 s2, s5  }
0xc: {  	_ =	strace $0x80000047;
	[dreg:$0x4] =	wrdreg s2;
	s18 =	sadd.s32 $0x3200, s6  }
0xd: {  	s0 =	ssub.s32 $0x2, s0;
	s19 =	sadd.s32 $0x4200, s6;
	[dreg:$0x5] =	wrdreg s18  }
0xe: {  	s23 =	sshrl.u32 s0, $0x1;
	s20 =	sadd.s32 $0x5200, s6;
	[dreg:$0x6] =	wrdreg s19  }
0xf: {  	s0 =	ssub.s32 s0, s23;
	s21 =	sadd.s32 $0x6200, s6;
	[dreg:$0x7] =	wrdreg s20  }
0x10: {  	s23 =	simm.s32 $0x12200;
	s22 =	sadd.s32 $0x7200, s6;
	[dreg:$0x8] =	wrdreg s21  }
0x11: {  	s4 =	sadd.s32 $0x100, s1;
	s24 =	sadd.s32 $0x8200, s6;
	[dreg:$0x9] =	wrdreg s22  }
0x12: {  	s5 =	smax.u32 s0, $0x1;
	s25 =	sadd.s32 $0x9200, s6;
	[dreg:$0xa] =	wrdreg s24  }
0x13: {  	s0 =	simm.s32 $0x200;
	s26 =	sadd.s32 $0xA200, s6;
	[dreg:$0xb] =	wrdreg s25  }
0x14: {  	v2 =	vlaneseq.u32;
	s6 =	simm.s32 $0x13200;
	[dreg:$0xc] =	wrdreg s26;
	s18 =	simm.s32 $0x5  }
0x15: {  	vm0 =	vmmov $0xffff;
	v1 =	vshrl.u32 v2, $0x3;
	s19 =	simm.s32 $0x6;
	s21 =	simm.s32 $0x15200;
	s22 =	simm.s32 $0x15A00  }
0x16: {  	v0 =	vand.u32 $0x7, v2;
	v2 =	vor.u32 $0x8, v2;
	v1 =	vmul.u32 $0x8, v1;
	s24 =	simm.s32 $0x16200;
	s25 =	simm.s32 $0x16A00;
	s26 =	simm.s32 $0x17200  }
.LBB2_1:
0x17: {  	s20 =	rddreg [dreg:$0x4];
	s2 =	simm.s32 $0x7  }
0x18: {  	[tilespmem:s3], [sflag:$0x7] =	stream.linear.gather [hbm4b:s20+s3], $0x200, $0x38;
	[tilespmem:$0x18200] =	vst v63  }
0x19: {  	_ =	swait.ge [sflag:s2], $0x200  }
0x1a: {  	[sflag:s2] =	ssyncset.done $0x0  }
0x1b: {  	[sflag:s2] =	ssyncadd.s32 $0xFFFFFE00  }
0x1c: {  	v3 =	vld [tilespmem:$0x0];
	_ =	sdelay $0x4  }
0x1d: {  	v4 =	vshll.u32 v3, $0x2  }
0x1e: {  	v3 =	vand.u32 $0x7, v3;
	v4 =	vand.u32 $0xFFFFFFE0, v4  }
0x1f: {  	v3 =	vor.u32 v3, v4  }
0x20: {  	v4 =	vperm.xlane v3, v0;
	_ =	sdelay $0x1  }
0x21: {  	v4 =	vadd.s32 v1, v4;
	_ =	sdelay $0x1  }
0x22: {  	v3 =	vperm.xlane v3, v2;
	_ =	sdelay $0x1  }
0x23: {  	v3 =	vadd.s32 v1, v3  }
0x24: {  	[tilespmem:s0], [sflag:$0x1] =	stream.indirect_vreg.gather [hbm4b:s1+s3], $0x80, v4, vm0, $0xb8;
	[tilespmem:$0x18200] =	vst v63  }
0x25: {  	s2 =	simm.s32 $0xA00  }
0x26: {  	[tilespmem:s2], [sflag:$0x1] =	stream.indirect_vreg.gather [hbm4b:s4+s3], $0x80, v4, vm0, $0xb8;
	[tilespmem:$0x18200] =	vst v63  }
0x27: {  	s20 =	simm.s32 $0x1200  }
0x28: {  	[tilespmem:s20], [sflag:$0x1] =	stream.indirect_vreg.gather [hbm4b:s1+s3], $0x80, v3, vm0, $0xb8;
	[tilespmem:$0x18200] =	vst v63  }
0x29: {  	s20 =	simm.s32 $0x1A00  }
0x2a: {  	[tilespmem:s20], [sflag:$0x1] =	stream.indirect_vreg.gather [hbm4b:s4+s3], $0x80, v3, vm0, $0xb8;
	[tilespmem:$0x18200] =	vst v63  }
0x2b: {  	v3 =	vld [tilespmem:$0x10];
	_ =	sdelay $0x4  }
0x2c: {  	v33 =	vshll.u32 v3, $0x2  }
0x2d: {  	v3 =	vand.u32 $0x7, v3;
	v4 =	vand.u32 $0xFFFFFFE0, v33  }
0x2e: {  	v3 =	vor.u32 v3, v4  }
0x2f: {  	v4 =	vperm.xlane v3, v0;
	_ =	sdelay $0x1  }
0x30: {  	v4 =	vadd.s32 v1, v4;
	_ =	sdelay $0x1  }
0x31: {  	v3 =	vperm.xlane v3, v2;
	_ =	sdelay $0x1  }
0x32: {  	s20 =	simm.s32 $0x2200;
	v3 =	vadd.s32 v1, v3  }
0x33: {  	[tilespmem:s20], [sflag:$0x1] =	stream.indirect_vreg.gather [hbm4b:s1+s3], $0x80, v4, vm0, $0xb8;
	[tilespmem:$0x18200] =	vst v63  }
0x34: {  	s20 =	simm.s32 $0x2A00  }
0x35: {  	[tilespmem:s20], [sflag:$0x1] =	stream.indirect_vreg.gather [hbm4b:s4+s3], $0x80, v4, vm0, $0xb8;
	[tilespmem:$0x18200] =	vst v63  }
0x36: {  	s20 =	simm.s32 $0x3200  }
0x37: {  	[tilespmem:s20], [sflag:$0x1] =	stream.indirect_vreg.gather [hbm4b:s1+s3], $0x80, v3, vm0, $0xb8;
	[tilespmem:$0x18200] =	vst v63  }
0x38: {  	s20 =	simm.s32 $0x3A00  }
0x39: {  	[tilespmem:s20], [sflag:$0x1] =	stream.indirect_vreg.gather [hbm4b:s4+s3], $0x80, v3, vm0, $0xb8;
	[tilespmem:$0x18200] =	vst v63  }
0x3a: {  	v3 =	vld [tilespmem:$0x20];
	_ =	sdelay $0x4  }
0x3b: {  	v34 =	vshll.u32 v3, $0x2  }
0x3c: {  	v3 =	vand.u32 $0x7, v3;
	v4 =	vand.u32 $0xFFFFFFE0, v34  }
0x3d: {  	v3 =	vor.u32 v3, v4  }
0x3e: {  	v4 =	vperm.xlane v3, v0;
	_ =	sdelay $0x1  }
0x3f: {  	v4 =	vadd.s32 v1, v4;
	_ =	sdelay $0x1  }
0x40: {  	v3 =	vperm.xlane v3, v2;
	_ =	sdelay $0x1  }
0x41: {  	v3 =	vadd.s32 v1, v3  }
0x42: {  	[tilespmem:s30], [sflag:$0x1] =	stream.indirect_vreg.gather [hbm4b:s1+s3], $0x80, v4, vm0, $0xb8;
	[tilespmem:$0x18200] =	vst v63  }
0x43: {  	_ = 	snop  }
0x44: {  	[tilespmem:s31], [sflag:$0x1] =	stream.indirect_vreg.gather [hbm4b:s4+s3], $0x80, v4, vm0, $0xb8;
	[tilespmem:$0x18200] =	vst v63  }
0x45: {  	s20 =	simm.s32 $0x5200  }
0x46: {  	[tilespmem:s20], [sflag:$0x1] =	stream.indirect_vreg.gather [hbm4b:s1+s3], $0x80, v3, vm0, $0xb8;
	[tilespmem:$0x18200] =	vst v63  }
0x47: {  	s20 =	simm.s32 $0x5A00  }
0x48: {  	[tilespmem:s20], [sflag:$0x1] =	stream.indirect_vreg.gather [hbm4b:s4+s3], $0x80, v3, vm0, $0xb8;
	[tilespmem:$0x18200] =	vst v63  }
0x49: {  	v3 =	vld [tilespmem:$0x30];
	_ =	sdelay $0x4  }
0x4a: {  	v35 =	vshll.u32 v3, $0x2  }
0x4b: {  	v3 =	vand.u32 $0x7, v3;
	v4 =	vand.u32 $0xFFFFFFE0, v35  }
0x4c: {  	v3 =	vor.u32 v3, v4  }
0x4d: {  	v4 =	vperm.xlane v3, v0;
	_ =	sdelay $0x1  }
0x4e: {  	v4 =	vadd.s32 v1, v4;
	_ =	sdelay $0x1  }
0x4f: {  	v3 =	vperm.xlane v3, v2;
	_ =	sdelay $0x1  }
0x50: {  	s20 =	simm.s32 $0x6200;
	v3 =	vadd.s32 v1, v3  }
0x51: {  	[tilespmem:s20], [sflag:$0x1] =	stream.indirect_vreg.gather [hbm4b:s1+s3], $0x80, v4, vm0, $0xb8;
	[tilespmem:$0x18200] =	vst v63  }
0x52: {  	s20 =	simm.s32 $0x6A00  }
0x53: {  	[tilespmem:s20], [sflag:$0x1] =	stream.indirect_vreg.gather [hbm4b:s4+s3], $0x80, v4, vm0, $0xb8;
	[tilespmem:$0x18200] =	vst v63  }
0x54: {  	s20 =	simm.s32 $0x7200  }
0x55: {  	[tilespmem:s20], [sflag:$0x1] =	stream.indirect_vreg.gather [hbm4b:s1+s3], $0x80, v3, vm0, $0xb8;
	[tilespmem:$0x18200] =	vst v63  }
0x56: {  	s20 =	simm.s32 $0x7A00  }
0x57: {  	[tilespmem:s20], [sflag:$0x1] =	stream.indirect_vreg.gather [hbm4b:s4+s3], $0x80, v3, vm0, $0xb8;
	[tilespmem:$0x18200] =	vst v63  }
0x58: {  	v3 =	vld [tilespmem:$0x40];
	_ =	sdelay $0x4  }
0x59: {  	v36 =	vshll.u32 v3, $0x2  }
0x5a: {  	v3 =	vand.u32 $0x7, v3;
	v4 =	vand.u32 $0xFFFFFFE0, v36  }
0x5b: {  	v3 =	vor.u32 v3, v4  }
0x5c: {  	v4 =	vperm.xlane v3, v0;
	_ =	sdelay $0x1  }
0x5d: {  	v4 =	vadd.s32 v1, v4;
	_ =	sdelay $0x1  }
0x5e: {  	v3 =	vperm.xlane v3, v2;
	_ =	sdelay $0x1  }
0x5f: {  	v3 =	vadd.s32 v1, v3  }
0x60: {  	[tilespmem:s29], [sflag:$0x2] =	stream.indirect_vreg.gather [hbm4b:s1+s3], $0x80, v4, vm0, $0xb8;
	[tilespmem:$0x18200] =	vst v63  }
0x61: {  	s20 =	simm.s32 $0x8A00  }
0x62: {  	[tilespmem:s20], [sflag:$0x2] =	stream.indirect_vreg.gather [hbm4b:s4+s3], $0x80, v4, vm0, $0xb8;
	[tilespmem:$0x18200] =	vst v63  }
0x63: {  	s20 =	simm.s32 $0x9200  }
0x64: {  	[tilespmem:s20], [sflag:$0x2] =	stream.indirect_vreg.gather [hbm4b:s1+s3], $0x80, v3, vm0, $0xb8;
	[tilespmem:$0x18200] =	vst v63  }
0x65: {  	s20 =	simm.s32 $0x9A00  }
0x66: {  	[tilespmem:s20], [sflag:$0x2] =	stream.indirect_vreg.gather [hbm4b:s4+s3], $0x80, v3, vm0, $0xb8;
	[tilespmem:$0x18200] =	vst v63  }
0x67: {  	v3 =	vld [tilespmem:$0x50];
	_ =	sdelay $0x4  }
0x68: {  	v37 =	vshll.u32 v3, $0x2  }
0x69: {  	v3 =	vand.u32 $0x7, v3;
	v4 =	vand.u32 $0xFFFFFFE0, v37  }
0x6a: {  	v3 =	vor.u32 v3, v4  }
0x6b: {  	v4 =	vperm.xlane v3, v0;
	_ =	sdelay $0x1  }
0x6c: {  	v4 =	vadd.s32 v1, v4;
	_ =	sdelay $0x1  }
0x6d: {  	v3 =	vperm.xlane v3, v2;
	_ =	sdelay $0x1  }
0x6e: {  	s20 =	simm.s32 $0xA200;
	v3 =	vadd.s32 v1, v3  }
0x6f: {  	[tilespmem:s20], [sflag:$0x2] =	stream.indirect_vreg.gather [hbm4b:s1+s3], $0x80, v4, vm0, $0xb8;
	[tilespmem:$0x18200] =	vst v63  }
0x70: {  	s20 =	simm.s32 $0xAA00  }
0x71: {  	[tilespmem:s20], [sflag:$0x2] =	stream.indirect_vreg.gather [hbm4b:s4+s3], $0x80, v4, vm0, $0xb8;
	[tilespmem:$0x18200] =	vst v63  }
0x72: {  	s20 =	simm.s32 $0xB200  }
0x73: {  	[tilespmem:s20], [sflag:$0x2] =	stream.indirect_vreg.gather [hbm4b:s1+s3], $0x80, v3, vm0, $0xb8;
	[tilespmem:$0x18200] =	vst v63  }
0x74: {  	s20 =	simm.s32 $0xBA00  }
0x75: {  	[tilespmem:s20], [sflag:$0x2] =	stream.indirect_vreg.gather [hbm4b:s4+s3], $0x80, v3, vm0, $0xb8;
	[tilespmem:$0x18200] =	vst v63  }
0x76: {  	v3 =	vld [tilespmem:$0x60];
	_ =	sdelay $0x4  }
0x77: {  	v38 =	vshll.u32 v3, $0x2  }
0x78: {  	v3 =	vand.u32 $0x7, v3;
	v4 =	vand.u32 $0xFFFFFFE0, v38  }
0x79: {  	v3 =	vor.u32 v3, v4  }
0x7a: {  	v4 =	vperm.xlane v3, v0;
	_ =	sdelay $0x1  }
0x7b: {  	v4 =	vadd.s32 v1, v4;
	_ =	sdelay $0x1  }
0x7c: {  	v3 =	vperm.xlane v3, v2;
	_ =	sdelay $0x1  }
0x7d: {  	s20 =	simm.s32 $0xC200;
	v3 =	vadd.s32 v1, v3  }
0x7e: {  	[tilespmem:s20], [sflag:$0x2] =	stream.indirect_vreg.gather [hbm4b:s1+s3], $0x80, v4, vm0, $0xb8;
	[tilespmem:$0x18200] =	vst v63  }
0x7f: {  	s20 =	simm.s32 $0xCA00  }
0x80: {  	[tilespmem:s20], [sflag:$0x2] =	stream.indirect_vreg.gather [hbm4b:s4+s3], $0x80, v4, vm0, $0xb8;
	[tilespmem:$0x18200] =	vst v63  }
0x81: {  	s20 =	simm.s32 $0xD200  }
0x82: {  	[tilespmem:s20], [sflag:$0x2] =	stream.indirect_vreg.gather [hbm4b:s1+s3], $0x80, v3, vm0, $0xb8;
	[tilespmem:$0x18200] =	vst v63  }
0x83: {  	s20 =	simm.s32 $0xDA00  }
0x84: {  	[tilespmem:s20], [sflag:$0x2] =	stream.indirect_vreg.gather [hbm4b:s4+s3], $0x80, v3, vm0, $0xb8;
	[tilespmem:$0x18200] =	vst v63  }
0x85: {  	v3 =	vld [tilespmem:$0x70];
	_ =	sdelay $0x4  }
0x86: {  	v39 =	vshll.u32 v3, $0x2  }
0x87: {  	v3 =	vand.u32 $0x7, v3;
	v4 =	vand.u32 $0xFFFFFFE0, v39  }
0x88: {  	v3 =	vor.u32 v3, v4  }
0x89: {  	v4 =	vperm.xlane v3, v0;
	_ =	sdelay $0x1  }
0x8a: {  	v4 =	vadd.s32 v1, v4;
	_ =	sdelay $0x1  }
0x8b: {  	v3 =	vperm.xlane v3, v2;
	_ =	sdelay $0x1  }
0x8c: {  	s20 =	simm.s32 $0xE200;
	v3 =	vadd.s32 v1, v3  }
0x8d: {  	[tilespmem:s20], [sflag:$0x2] =	stream.indirect_vreg.gather [hbm4b:s1+s3], $0x80, v4, vm0, $0xb8;
	[tilespmem:$0x18200] =	vst v63  }
0x8e: {  	s20 =	simm.s32 $0xEA00  }
0x8f: {  	[tilespmem:s20], [sflag:$0x2] =	stream.indirect_vreg.gather [hbm4b:s4+s3], $0x80, v4, vm0, $0xb8;
	[tilespmem:$0x18200] =	vst v63  }
0x90: {  	s20 =	simm.s32 $0xF200  }
0x91: {  	[tilespmem:s20], [sflag:$0x2] =	stream.indirect_vreg.gather [hbm4b:s1+s3], $0x80, v3, vm0, $0xb8;
	[tilespmem:$0x18200] =	vst v63  }
0x92: {  	s20 =	simm.s32 $0xFA00  }
0x93: {  	[tilespmem:s20], [sflag:$0x2] =	stream.indirect_vreg.gather [hbm4b:s4+s3], $0x80, v3, vm0, $0xb8;
	[tilespmem:$0x18200] =	vst v63  }
0x94: {  	_ =	swait.ge [sflag:s13], $0x8000  }
0x95: {  	[sflag:s13] =	ssyncset.done $0x0  }
0x96: {  	s2 =	rddreg [dreg:$0x5];
	[sflag:s13] =	ssyncadd.s32 $0xFFFF8000  }
0x97: {  	[hbm4b:s2+s3] =	stream.linear.scatter [tilespmem:s0], [sflag:$0x4], $0x8000, $0x38;
	[tilespmem:$0x18200] =	vst v63  }
0x98: {  	v3 =	vld [tilespmem:$0x80];
	_ =	sdelay $0x4  }
0x99: {  	v40 =	vshll.u32 v3, $0x2  }
0x9a: {  	v3 =	vand.u32 $0x7, v3;
	v4 =	vand.u32 $0xFFFFFFE0, v40  }
0x9b: {  	v3 =	vor.u32 v3, v4  }
0x9c: {  	v4 =	vperm.xlane v3, v0;
	_ =	sdelay $0x1  }
0x9d: {  	v4 =	vadd.s32 v1, v4;
	_ =	sdelay $0x1  }
0x9e: {  	v3 =	vperm.xlane v3, v2;
	_ =	sdelay $0x1  }
0x9f: {  	v3 =	vadd.s32 v1, v3  }
0xa0: {  	[tilespmem:s7], [sflag:$0x3] =	stream.indirect_vreg.gather [hbm4b:s1+s3], $0x80, v4, vm0, $0xb8;
	[tilespmem:$0x18200] =	vst v63  }
0xa1: {  	_ = 	snop  }
0xa2: {  	[tilespmem:s11], [sflag:$0x3] =	stream.indirect_vreg.gather [hbm4b:s4+s3], $0x80, v4, vm0, $0xb8;
	[tilespmem:$0x18200] =	vst v63  }
0xa3: {  	_ = 	snop  }
0xa4: {  	[tilespmem:s12], [sflag:$0x3] =	stream.indirect_vreg.gather [hbm4b:s1+s3], $0x80, v3, vm0, $0xb8;
	[tilespmem:$0x18200] =	vst v63  }
0xa5: {  	_ = 	snop  }
0xa6: {  	[tilespmem:s14], [sflag:$0x3] =	stream.indirect_vreg.gather [hbm4b:s4+s3], $0x80, v3, vm0, $0xb8;
	[tilespmem:$0x18200] =	vst v63  }
0xa7: {  	v3 =	vld [tilespmem:$0x90];
	_ =	sdelay $0x4  }
0xa8: {  	v41 =	vshll.u32 v3, $0x2  }
0xa9: {  	v3 =	vand.u32 $0x7, v3;
	v4 =	vand.u32 $0xFFFFFFE0, v41  }
0xaa: {  	v3 =	vor.u32 v3, v4  }
0xab: {  	v4 =	vperm.xlane v3, v0;
	_ =	sdelay $0x1  }
0xac: {  	v4 =	vadd.s32 v1, v4;
	_ =	sdelay $0x1  }
0xad: {  	v3 =	vperm.xlane v3, v2;
	_ =	sdelay $0x1  }
0xae: {  	v3 =	vadd.s32 v1, v3  }
0xaf: {  	[tilespmem:s23], [sflag:$0x3] =	stream.indirect_vreg.gather [hbm4b:s1+s3], $0x80, v4, vm0, $0xb8;
	[tilespmem:$0x18200] =	vst v63  }
0xb0: {  	s2 =	simm.s32 $0x12A00  }
0xb1: {  	[tilespmem:s2], [sflag:$0x3] =	stream.indirect_vreg.gather [hbm4b:s4+s3], $0x80, v4, vm0, $0xb8;
	[tilespmem:$0x18200] =	vst v63  }
0xb2: {  	_ = 	snop  }
0xb3: {  	[tilespmem:s6], [sflag:$0x3] =	stream.indirect_vreg.gather [hbm4b:s1+s3], $0x80, v3, vm0, $0xb8;
	[tilespmem:$0x18200] =	vst v63  }
0xb4: {  	_ = 	snop  }
0xb5: {  	[tilespmem:s8], [sflag:$0x3] =	stream.indirect_vreg.gather [hbm4b:s4+s3], $0x80, v3, vm0, $0xb8;
	[tilespmem:$0x18200] =	vst v63  }
0xb6: {  	v3 =	vld [tilespmem:$0xA0];
	_ =	sdelay $0x4  }
0xb7: {  	v42 =	vshll.u32 v3, $0x2  }
0xb8: {  	v3 =	vand.u32 $0x7, v3;
	v4 =	vand.u32 $0xFFFFFFE0, v42  }
0xb9: {  	v3 =	vor.u32 v3, v4  }
0xba: {  	v4 =	vperm.xlane v3, v0;
	_ =	sdelay $0x1  }
0xbb: {  	v4 =	vadd.s32 v1, v4;
	_ =	sdelay $0x1  }
0xbc: {  	v3 =	vperm.xlane v3, v2;
	_ =	sdelay $0x1  }
0xbd: {  	v3 =	vadd.s32 v1, v3  }
0xbe: {  	[tilespmem:s9], [sflag:$0x3] =	stream.indirect_vreg.gather [hbm4b:s1+s3], $0x80, v4, vm0, $0xb8;
	[tilespmem:$0x18200] =	vst v63  }
0xbf: {  	_ = 	snop  }
0xc0: {  	[tilespmem:s10], [sflag:$0x3] =	stream.indirect_vreg.gather [hbm4b:s4+s3], $0x80, v4, vm0, $0xb8;
	[tilespmem:$0x18200] =	vst v63  }
0xc1: {  	_ = 	snop  }
0xc2: {  	[tilespmem:s21], [sflag:$0x3] =	stream.indirect_vreg.gather [hbm4b:s1+s3], $0x80, v3, vm0, $0xb8;
	[tilespmem:$0x18200] =	vst v63  }
0xc3: {  	_ = 	snop  }
0xc4: {  	[tilespmem:s22], [sflag:$0x3] =	stream.indirect_vreg.gather [hbm4b:s4+s3], $0x80, v3, vm0, $0xb8;
	[tilespmem:$0x18200] =	vst v63  }
0xc5: {  	v3 =	vld [tilespmem:$0xB0];
	_ =	sdelay $0x4  }
0xc6: {  	v43 =	vshll.u32 v3, $0x2  }
0xc7: {  	v3 =	vand.u32 $0x7, v3;
	v4 =	vand.u32 $0xFFFFFFE0, v43  }
0xc8: {  	v3 =	vor.u32 v3, v4  }
0xc9: {  	v4 =	vperm.xlane v3, v0;
	_ =	sdelay $0x1  }
0xca: {  	v4 =	vadd.s32 v1, v4;
	_ =	sdelay $0x1  }
0xcb: {  	v3 =	vperm.xlane v3, v2;
	_ =	sdelay $0x1  }
0xcc: {  	v3 =	vadd.s32 v1, v3  }
0xcd: {  	[tilespmem:s24], [sflag:$0x3] =	stream.indirect_vreg.gather [hbm4b:s1+s3], $0x80, v4, vm0, $0xb8;
	[tilespmem:$0x18200] =	vst v63  }
0xce: {  	_ = 	snop  }
0xcf: {  	[tilespmem:s25], [sflag:$0x3] =	stream.indirect_vreg.gather [hbm4b:s4+s3], $0x80, v4, vm0, $0xb8;
	[tilespmem:$0x18200] =	vst v63  }
0xd0: {  	_ = 	snop  }
0xd1: {  	[tilespmem:s26], [sflag:$0x3] =	stream.indirect_vreg.gather [hbm4b:s1+s3], $0x80, v3, vm0, $0xb8;
	[tilespmem:$0x18200] =	vst v63  }
0xd2: {  	_ = 	snop  }
0xd3: {  	[tilespmem:s28], [sflag:$0x3] =	stream.indirect_vreg.gather [hbm4b:s4+s3], $0x80, v3, vm0, $0xb8;
	[tilespmem:$0x18200] =	vst v63  }
0xd4: {  	_ =	swait.ge [sflag:s15], $0x8000  }
0xd5: {  	[sflag:s15] =	ssyncset.done $0x0  }
0xd6: {  	s20 =	rddreg [dreg:$0x6];
	[sflag:s15] =	ssyncadd.s32 $0xFFFF8000  }
0xd7: {  	[hbm4b:s20+s3] =	stream.linear.scatter [tilespmem:s29], [sflag:$0x5], $0x8000, $0x38;
	[tilespmem:$0x18200] =	vst v63  }
0xd8: {  	_ =	swait.ge [sflag:s16], $0x8000  }
0xd9: {  	[sflag:s16] =	ssyncset.done $0x0  }
0xda: {  	[sflag:s16] =	ssyncadd.s32 $0xFFFF8000  }
0xdb: {  	v3 =	vld [tilespmem:$0xC0];
	_ =	sdelay $0x4  }
0xdc: {  	v44 =	vshll.u32 v3, $0x2  }
0xdd: {  	v3 =	vand.u32 $0x7, v3;
	v4 =	vand.u32 $0xFFFFFFE0, v44  }
0xde: {  	v3 =	vor.u32 v3, v4  }
0xdf: {  	v4 =	vperm.xlane v3, v0;
	_ =	sdelay $0x1  }
0xe0: {  	v4 =	vadd.s32 v1, v4;
	_ =	sdelay $0x1  }
0xe1: {  	v3 =	vperm.xlane v3, v2;
	_ =	sdelay $0x1  }
0xe2: {  	v3 =	vadd.s32 v1, v3  }
0xe3: {  	[tilespmem:s0], [sflag:$0x1] =	stream.indirect_vreg.gather [hbm4b:s1+s3], $0x80, v4, vm0, $0xb8;
	[tilespmem:$0x18200] =	vst v63  }
0xe4: {  	s20 =	simm.s32 $0xA00  }
0xe5: {  	[tilespmem:s20], [sflag:$0x1] =	stream.indirect_vreg.gather [hbm4b:s4+s3], $0x80, v4, vm0, $0xb8;
	[tilespmem:$0x18200] =	vst v63  }
0xe6: {  	s20 =	simm.s32 $0x1200  }
0xe7: {  	[tilespmem:s20], [sflag:$0x1] =	stream.indirect_vreg.gather [hbm4b:s1+s3], $0x80, v3, vm0, $0xb8;
	[tilespmem:$0x18200] =	vst v63  }
0xe8: {  	s20 =	simm.s32 $0x1A00  }
0xe9: {  	[tilespmem:s20], [sflag:$0x1] =	stream.indirect_vreg.gather [hbm4b:s4+s3], $0x80, v3, vm0, $0xb8;
	[tilespmem:$0x18200] =	vst v63  }
0xea: {  	v3 =	vld [tilespmem:$0xD0];
	_ =	sdelay $0x4  }
0xeb: {  	v45 =	vshll.u32 v3, $0x2  }
0xec: {  	v3 =	vand.u32 $0x7, v3;
	v4 =	vand.u32 $0xFFFFFFE0, v45  }
0xed: {  	v3 =	vor.u32 v3, v4  }
0xee: {  	v4 =	vperm.xlane v3, v0;
	_ =	sdelay $0x1  }
0xef: {  	v4 =	vadd.s32 v1, v4;
	_ =	sdelay $0x1  }
0xf0: {  	v3 =	vperm.xlane v3, v2;
	_ =	sdelay $0x1  }
0xf1: {  	s20 =	simm.s32 $0x2200;
	v3 =	vadd.s32 v1, v3  }
0xf2: {  	[tilespmem:s20], [sflag:$0x1] =	stream.indirect_vreg.gather [hbm4b:s1+s3], $0x80, v4, vm0, $0xb8;
	[tilespmem:$0x18200] =	vst v63  }
0xf3: {  	s20 =	simm.s32 $0x2A00  }
0xf4: {  	[tilespmem:s20], [sflag:$0x1] =	stream.indirect_vreg.gather [hbm4b:s4+s3], $0x80, v4, vm0, $0xb8;
	[tilespmem:$0x18200] =	vst v63  }
0xf5: {  	s20 =	simm.s32 $0x3200  }
0xf6: {  	[tilespmem:s20], [sflag:$0x1] =	stream.indirect_vreg.gather [hbm4b:s1+s3], $0x80, v3, vm0, $0xb8;
	[tilespmem:$0x18200] =	vst v63  }
0xf7: {  	s20 =	simm.s32 $0x3A00  }
0xf8: {  	[tilespmem:s20], [sflag:$0x1] =	stream.indirect_vreg.gather [hbm4b:s4+s3], $0x80, v3, vm0, $0xb8;
	[tilespmem:$0x18200] =	vst v63  }
0xf9: {  	v3 =	vld [tilespmem:$0xE0];
	_ =	sdelay $0x4  }
0xfa: {  	v46 =	vshll.u32 v3, $0x2  }
0xfb: {  	v3 =	vand.u32 $0x7, v3;
	v4 =	vand.u32 $0xFFFFFFE0, v46  }
0xfc: {  	v3 =	vor.u32 v3, v4  }
0xfd: {  	v4 =	vperm.xlane v3, v0;
	_ =	sdelay $0x1  }
0xfe: {  	v4 =	vadd.s32 v1, v4;
	_ =	sdelay $0x1  }
0xff: {  	v3 =	vperm.xlane v3, v2;
	_ =	sdelay $0x1  }
0x100: {  	v3 =	vadd.s32 v1, v3  }
0x101: {  	[tilespmem:s30], [sflag:$0x1] =	stream.indirect_vreg.gather [hbm4b:s1+s3], $0x80, v4, vm0, $0xb8;
	[tilespmem:$0x18200] =	vst v63  }
0x102: {  	_ = 	snop  }
0x103: {  	[tilespmem:s31], [sflag:$0x1] =	stream.indirect_vreg.gather [hbm4b:s4+s3], $0x80, v4, vm0, $0xb8;
	[tilespmem:$0x18200] =	vst v63  }
0x104: {  	s20 =	simm.s32 $0x5200  }
0x105: {  	[tilespmem:s20], [sflag:$0x1] =	stream.indirect_vreg.gather [hbm4b:s1+s3], $0x80, v3, vm0, $0xb8;
	[tilespmem:$0x18200] =	vst v63  }
0x106: {  	s20 =	simm.s32 $0x5A00  }
0x107: {  	[tilespmem:s20], [sflag:$0x1] =	stream.indirect_vreg.gather [hbm4b:s4+s3], $0x80, v3, vm0, $0xb8;
	[tilespmem:$0x18200] =	vst v63  }
0x108: {  	v3 =	vld [tilespmem:$0xF0];
	_ =	sdelay $0x4  }
0x109: {  	v47 =	vshll.u32 v3, $0x2  }
0x10a: {  	v3 =	vand.u32 $0x7, v3;
	v4 =	vand.u32 $0xFFFFFFE0, v47  }
0x10b: {  	v3 =	vor.u32 v3, v4  }
0x10c: {  	v4 =	vperm.xlane v3, v0;
	_ =	sdelay $0x1  }
0x10d: {  	v4 =	vadd.s32 v1, v4;
	_ =	sdelay $0x1  }
0x10e: {  	v3 =	vperm.xlane v3, v2;
	_ =	sdelay $0x1  }
0x10f: {  	s20 =	simm.s32 $0x6200;
	v3 =	vadd.s32 v1, v3  }
0x110: {  	[tilespmem:s20], [sflag:$0x1] =	stream.indirect_vreg.gather [hbm4b:s1+s3], $0x80, v4, vm0, $0xb8;
	[tilespmem:$0x18200] =	vst v63  }
0x111: {  	s20 =	simm.s32 $0x6A00  }
0x112: {  	[tilespmem:s20], [sflag:$0x1] =	stream.indirect_vreg.gather [hbm4b:s4+s3], $0x80, v4, vm0, $0xb8;
	[tilespmem:$0x18200] =	vst v63  }
0x113: {  	s20 =	simm.s32 $0x7200  }
0x114: {  	[tilespmem:s20], [sflag:$0x1] =	stream.indirect_vreg.gather [hbm4b:s1+s3], $0x80, v3, vm0, $0xb8;
	[tilespmem:$0x18200] =	vst v63  }
0x115: {  	s20 =	simm.s32 $0x7A00  }
0x116: {  	[tilespmem:s20], [sflag:$0x1] =	stream.indirect_vreg.gather [hbm4b:s4+s3], $0x80, v3, vm0, $0xb8;
	[tilespmem:$0x18200] =	vst v63  }
0x117: {  	_ =	swait.ge [sflag:s17], $0x8000  }
0x118: {  	[sflag:s17] =	ssyncset.done $0x0  }
0x119: {  	s20 =	rddreg [dreg:$0x7];
	[sflag:s17] =	ssyncadd.s32 $0xFFFF8000  }
0x11a: {  	[hbm4b:s20+s3] =	stream.linear.scatter [tilespmem:s7], [sflag:$0x6], $0x8000, $0x38;
	[tilespmem:$0x18200] =	vst v63  }
0x11b: {  	_ =	swait.ge [sflag:s18], $0x8000  }
0x11c: {  	[sflag:s18] =	ssyncset.done $0x0  }
0x11d: {  	[sflag:s18] =	ssyncadd.s32 $0xFFFF8000  }
0x11e: {  	v3 =	vld [tilespmem:$0x100];
	_ =	sdelay $0x4  }
0x11f: {  	v48 =	vshll.u32 v3, $0x2  }
0x120: {  	v3 =	vand.u32 $0x7, v3;
	v4 =	vand.u32 $0xFFFFFFE0, v48  }
0x121: {  	v3 =	vor.u32 v3, v4  }
0x122: {  	v4 =	vperm.xlane v3, v0;
	_ =	sdelay $0x1  }
0x123: {  	v4 =	vadd.s32 v1, v4;
	_ =	sdelay $0x1  }
0x124: {  	v3 =	vperm.xlane v3, v2;
	_ =	sdelay $0x1  }
0x125: {  	v3 =	vadd.s32 v1, v3  }
0x126: {  	[tilespmem:s29], [sflag:$0x2] =	stream.indirect_vreg.gather [hbm4b:s1+s3], $0x80, v4, vm0, $0xb8;
	[tilespmem:$0x18200] =	vst v63  }
0x127: {  	s20 =	simm.s32 $0x8A00  }
0x128: {  	[tilespmem:s20], [sflag:$0x2] =	stream.indirect_vreg.gather [hbm4b:s4+s3], $0x80, v4, vm0, $0xb8;
	[tilespmem:$0x18200] =	vst v63  }
0x129: {  	s20 =	simm.s32 $0x9200  }
0x12a: {  	[tilespmem:s20], [sflag:$0x2] =	stream.indirect_vreg.gather [hbm4b:s1+s3], $0x80, v3, vm0, $0xb8;
	[tilespmem:$0x18200] =	vst v63  }
0x12b: {  	s20 =	simm.s32 $0x9A00  }
0x12c: {  	[tilespmem:s20], [sflag:$0x2] =	stream.indirect_vreg.gather [hbm4b:s4+s3], $0x80, v3, vm0, $0xb8;
	[tilespmem:$0x18200] =	vst v63  }
0x12d: {  	v3 =	vld [tilespmem:$0x110];
	_ =	sdelay $0x4  }
0x12e: {  	v49 =	vshll.u32 v3, $0x2  }
0x12f: {  	v3 =	vand.u32 $0x7, v3;
	v4 =	vand.u32 $0xFFFFFFE0, v49  }
0x130: {  	v3 =	vor.u32 v3, v4  }
0x131: {  	v4 =	vperm.xlane v3, v0;
	_ =	sdelay $0x1  }
0x132: {  	v4 =	vadd.s32 v1, v4;
	_ =	sdelay $0x1  }
0x133: {  	v3 =	vperm.xlane v3, v2;
	_ =	sdelay $0x1  }
0x134: {  	s20 =	simm.s32 $0xA200;
	v3 =	vadd.s32 v1, v3  }
0x135: {  	[tilespmem:s20], [sflag:$0x2] =	stream.indirect_vreg.gather [hbm4b:s1+s3], $0x80, v4, vm0, $0xb8;
	[tilespmem:$0x18200] =	vst v63  }
0x136: {  	s20 =	simm.s32 $0xAA00  }
0x137: {  	[tilespmem:s20], [sflag:$0x2] =	stream.indirect_vreg.gather [hbm4b:s4+s3], $0x80, v4, vm0, $0xb8;
	[tilespmem:$0x18200] =	vst v63  }
0x138: {  	s20 =	simm.s32 $0xB200  }
0x139: {  	[tilespmem:s20], [sflag:$0x2] =	stream.indirect_vreg.gather [hbm4b:s1+s3], $0x80, v3, vm0, $0xb8;
	[tilespmem:$0x18200] =	vst v63  }
0x13a: {  	s20 =	simm.s32 $0xBA00  }
0x13b: {  	[tilespmem:s20], [sflag:$0x2] =	stream.indirect_vreg.gather [hbm4b:s4+s3], $0x80, v3, vm0, $0xb8;
	[tilespmem:$0x18200] =	vst v63  }
0x13c: {  	v3 =	vld [tilespmem:$0x120];
	_ =	sdelay $0x4  }
0x13d: {  	v50 =	vshll.u32 v3, $0x2  }
0x13e: {  	v3 =	vand.u32 $0x7, v3;
	v4 =	vand.u32 $0xFFFFFFE0, v50  }
0x13f: {  	v3 =	vor.u32 v3, v4  }
0x140: {  	v4 =	vperm.xlane v3, v0;
	_ =	sdelay $0x1  }
0x141: {  	v4 =	vadd.s32 v1, v4;
	_ =	sdelay $0x1  }
0x142: {  	v3 =	vperm.xlane v3, v2;
	_ =	sdelay $0x1  }
0x143: {  	s20 =	simm.s32 $0xC200;
	v3 =	vadd.s32 v1, v3  }
0x144: {  	[tilespmem:s20], [sflag:$0x2] =	stream.indirect_vreg.gather [hbm4b:s1+s3], $0x80, v4, vm0, $0xb8;
	[tilespmem:$0x18200] =	vst v63  }
0x145: {  	s20 =	simm.s32 $0xCA00  }
0x146: {  	[tilespmem:s20], [sflag:$0x2] =	stream.indirect_vreg.gather [hbm4b:s4+s3], $0x80, v4, vm0, $0xb8;
	[tilespmem:$0x18200] =	vst v63  }
0x147: {  	s20 =	simm.s32 $0xD200  }
0x148: {  	[tilespmem:s20], [sflag:$0x2] =	stream.indirect_vreg.gather [hbm4b:s1+s3], $0x80, v3, vm0, $0xb8;
	[tilespmem:$0x18200] =	vst v63  }
0x149: {  	s20 =	simm.s32 $0xDA00  }
0x14a: {  	[tilespmem:s20], [sflag:$0x2] =	stream.indirect_vreg.gather [hbm4b:s4+s3], $0x80, v3, vm0, $0xb8;
	[tilespmem:$0x18200] =	vst v63  }
0x14b: {  	v3 =	vld [tilespmem:$0x130];
	_ =	sdelay $0x4  }
0x14c: {  	v51 =	vshll.u32 v3, $0x2  }
0x14d: {  	v3 =	vand.u32 $0x7, v3;
	v4 =	vand.u32 $0xFFFFFFE0, v51  }
0x14e: {  	v3 =	vor.u32 v3, v4  }
0x14f: {  	v4 =	vperm.xlane v3, v0;
	_ =	sdelay $0x1  }
0x150: {  	v4 =	vadd.s32 v1, v4;
	_ =	sdelay $0x1  }
0x151: {  	v3 =	vperm.xlane v3, v2;
	_ =	sdelay $0x1  }
0x152: {  	s20 =	simm.s32 $0xE200;
	v3 =	vadd.s32 v1, v3  }
0x153: {  	[tilespmem:s20], [sflag:$0x2] =	stream.indirect_vreg.gather [hbm4b:s1+s3], $0x80, v4, vm0, $0xb8;
	[tilespmem:$0x18200] =	vst v63  }
0x154: {  	s20 =	simm.s32 $0xEA00  }
0x155: {  	[tilespmem:s20], [sflag:$0x2] =	stream.indirect_vreg.gather [hbm4b:s4+s3], $0x80, v4, vm0, $0xb8;
	[tilespmem:$0x18200] =	vst v63  }
0x156: {  	s20 =	simm.s32 $0xF200  }
0x157: {  	[tilespmem:s20], [sflag:$0x2] =	stream.indirect_vreg.gather [hbm4b:s1+s3], $0x80, v3, vm0, $0xb8;
	[tilespmem:$0x18200] =	vst v63  }
0x158: {  	s20 =	simm.s32 $0xFA00  }
0x159: {  	[tilespmem:s20], [sflag:$0x2] =	stream.indirect_vreg.gather [hbm4b:s4+s3], $0x80, v3, vm0, $0xb8;
	[tilespmem:$0x18200] =	vst v63  }
0x15a: {  	_ =	swait.ge [sflag:s13], $0x8000  }
0x15b: {  	[sflag:s13] =	ssyncset.done $0x0  }
0x15c: {  	s20 =	rddreg [dreg:$0x8];
	[sflag:s13] =	ssyncadd.s32 $0xFFFF8000  }
0x15d: {  	[hbm4b:s20+s3] =	stream.linear.scatter [tilespmem:s0], [sflag:$0x4], $0x8000, $0x38;
	[tilespmem:$0x18200] =	vst v63  }
0x15e: {  	_ =	swait.ge [sflag:s19], $0x8000  }
0x15f: {  	[sflag:s19] =	ssyncset.done $0x0  }
0x160: {  	[sflag:s19] =	ssyncadd.s32 $0xFFFF8000  }
0x161: {  	v3 =	vld [tilespmem:$0x140];
	_ =	sdelay $0x4  }
0x162: {  	v52 =	vshll.u32 v3, $0x2  }
0x163: {  	v3 =	vand.u32 $0x7, v3;
	v4 =	vand.u32 $0xFFFFFFE0, v52  }
0x164: {  	v3 =	vor.u32 v3, v4  }
0x165: {  	v4 =	vperm.xlane v3, v0;
	_ =	sdelay $0x1  }
0x166: {  	v4 =	vadd.s32 v1, v4;
	_ =	sdelay $0x1  }
0x167: {  	v3 =	vperm.xlane v3, v2;
	_ =	sdelay $0x1  }
0x168: {  	v3 =	vadd.s32 v1, v3  }
0x169: {  	[tilespmem:s7], [sflag:$0x3] =	stream.indirect_vreg.gather [hbm4b:s1+s3], $0x80, v4, vm0, $0xb8;
	[tilespmem:$0x18200] =	vst v63  }
0x16a: {  	_ = 	snop  }
0x16b: {  	[tilespmem:s11], [sflag:$0x3] =	stream.indirect_vreg.gather [hbm4b:s4+s3], $0x80, v4, vm0, $0xb8;
	[tilespmem:$0x18200] =	vst v63  }
0x16c: {  	_ = 	snop  }
0x16d: {  	[tilespmem:s12], [sflag:$0x3] =	stream.indirect_vreg.gather [hbm4b:s1+s3], $0x80, v3, vm0, $0xb8;
	[tilespmem:$0x18200] =	vst v63  }
0x16e: {  	_ = 	snop  }
0x16f: {  	[tilespmem:s14], [sflag:$0x3] =	stream.indirect_vreg.gather [hbm4b:s4+s3], $0x80, v3, vm0, $0xb8;
	[tilespmem:$0x18200] =	vst v63  }
0x170: {  	v3 =	vld [tilespmem:$0x150];
	_ =	sdelay $0x4  }
0x171: {  	v53 =	vshll.u32 v3, $0x2  }
0x172: {  	v3 =	vand.u32 $0x7, v3;
	v4 =	vand.u32 $0xFFFFFFE0, v53  }
0x173: {  	v3 =	vor.u32 v3, v4  }
0x174: {  	v4 =	vperm.xlane v3, v0;
	_ =	sdelay $0x1  }
0x175: {  	v4 =	vadd.s32 v1, v4;
	_ =	sdelay $0x1  }
0x176: {  	v3 =	vperm.xlane v3, v2;
	_ =	sdelay $0x1  }
0x177: {  	v3 =	vadd.s32 v1, v3  }
0x178: {  	[tilespmem:s23], [sflag:$0x3] =	stream.indirect_vreg.gather [hbm4b:s1+s3], $0x80, v4, vm0, $0xb8;
	[tilespmem:$0x18200] =	vst v63  }
0x179: {  	_ = 	snop  }
0x17a: {  	[tilespmem:s2], [sflag:$0x3] =	stream.indirect_vreg.gather [hbm4b:s4+s3], $0x80, v4, vm0, $0xb8;
	[tilespmem:$0x18200] =	vst v63  }
0x17b: {  	_ = 	snop  }
0x17c: {  	[tilespmem:s6], [sflag:$0x3] =	stream.indirect_vreg.gather [hbm4b:s1+s3], $0x80, v3, vm0, $0xb8;
	[tilespmem:$0x18200] =	vst v63  }
0x17d: {  	_ = 	snop  }
0x17e: {  	[tilespmem:s8], [sflag:$0x3] =	stream.indirect_vreg.gather [hbm4b:s4+s3], $0x80, v3, vm0, $0xb8;
	[tilespmem:$0x18200] =	vst v63  }
0x17f: {  	v3 =	vld [tilespmem:$0x160];
	_ =	sdelay $0x4  }
0x180: {  	v54 =	vshll.u32 v3, $0x2  }
0x181: {  	v3 =	vand.u32 $0x7, v3;
	v4 =	vand.u32 $0xFFFFFFE0, v54  }
0x182: {  	v3 =	vor.u32 v3, v4  }
0x183: {  	v4 =	vperm.xlane v3, v0;
	_ =	sdelay $0x1  }
0x184: {  	v4 =	vadd.s32 v1, v4;
	_ =	sdelay $0x1  }
0x185: {  	v3 =	vperm.xlane v3, v2;
	_ =	sdelay $0x1  }
0x186: {  	v3 =	vadd.s32 v1, v3  }
0x187: {  	[tilespmem:s9], [sflag:$0x3] =	stream.indirect_vreg.gather [hbm4b:s1+s3], $0x80, v4, vm0, $0xb8;
	[tilespmem:$0x18200] =	vst v63  }
0x188: {  	_ = 	snop  }
0x189: {  	[tilespmem:s10], [sflag:$0x3] =	stream.indirect_vreg.gather [hbm4b:s4+s3], $0x80, v4, vm0, $0xb8;
	[tilespmem:$0x18200] =	vst v63  }
0x18a: {  	_ = 	snop  }
0x18b: {  	[tilespmem:s21], [sflag:$0x3] =	stream.indirect_vreg.gather [hbm4b:s1+s3], $0x80, v3, vm0, $0xb8;
	[tilespmem:$0x18200] =	vst v63  }
0x18c: {  	_ = 	snop  }
0x18d: {  	[tilespmem:s22], [sflag:$0x3] =	stream.indirect_vreg.gather [hbm4b:s4+s3], $0x80, v3, vm0, $0xb8;
	[tilespmem:$0x18200] =	vst v63  }
0x18e: {  	v3 =	vld [tilespmem:$0x170];
	_ =	sdelay $0x4  }
0x18f: {  	v55 =	vshll.u32 v3, $0x2  }
0x190: {  	v3 =	vand.u32 $0x7, v3;
	v4 =	vand.u32 $0xFFFFFFE0, v55  }
0x191: {  	v3 =	vor.u32 v3, v4  }
0x192: {  	v4 =	vperm.xlane v3, v0;
	_ =	sdelay $0x1  }
0x193: {  	v4 =	vadd.s32 v1, v4;
	_ =	sdelay $0x1  }
0x194: {  	v3 =	vperm.xlane v3, v2;
	_ =	sdelay $0x1  }
0x195: {  	v3 =	vadd.s32 v1, v3  }
0x196: {  	[tilespmem:s24], [sflag:$0x3] =	stream.indirect_vreg.gather [hbm4b:s1+s3], $0x80, v4, vm0, $0xb8;
	[tilespmem:$0x18200] =	vst v63  }
0x197: {  	_ = 	snop  }
0x198: {  	[tilespmem:s25], [sflag:$0x3] =	stream.indirect_vreg.gather [hbm4b:s4+s3], $0x80, v4, vm0, $0xb8;
	[tilespmem:$0x18200] =	vst v63  }
0x199: {  	_ = 	snop  }
0x19a: {  	[tilespmem:s26], [sflag:$0x3] =	stream.indirect_vreg.gather [hbm4b:s1+s3], $0x80, v3, vm0, $0xb8;
	[tilespmem:$0x18200] =	vst v63  }
0x19b: {  	_ = 	snop  }
0x19c: {  	[tilespmem:s28], [sflag:$0x3] =	stream.indirect_vreg.gather [hbm4b:s4+s3], $0x80, v3, vm0, $0xb8;
	[tilespmem:$0x18200] =	vst v63  }
0x19d: {  	_ =	swait.ge [sflag:s15], $0x8000  }
0x19e: {  	[sflag:s15] =	ssyncset.done $0x0  }
0x19f: {  	s2 =	rddreg [dreg:$0x9];
	[sflag:s15] =	ssyncadd.s32 $0xFFFF8000  }
0x1a0: {  	[hbm4b:s2+s3] =	stream.linear.scatter [tilespmem:s29], [sflag:$0x5], $0x8000, $0x38;
	[tilespmem:$0x18200] =	vst v63  }
0x1a1: {  	_ =	swait.ge [sflag:s16], $0x8000  }
0x1a2: {  	[sflag:s16] =	ssyncset.done $0x0  }
0x1a3: {  	[sflag:s16] =	ssyncadd.s32 $0xFFFF8000  }
0x1a4: {  	v3 =	vld [tilespmem:$0x180];
	_ =	sdelay $0x4  }
0x1a5: {  	v56 =	vshll.u32 v3, $0x2  }
0x1a6: {  	v3 =	vand.u32 $0x7, v3;
	v4 =	vand.u32 $0xFFFFFFE0, v56  }
0x1a7: {  	v3 =	vor.u32 v3, v4  }
0x1a8: {  	v4 =	vperm.xlane v3, v0;
	_ =	sdelay $0x1  }
0x1a9: {  	v4 =	vadd.s32 v1, v4;
	_ =	sdelay $0x1  }
0x1aa: {  	v3 =	vperm.xlane v3, v2;
	_ =	sdelay $0x1  }
0x1ab: {  	v3 =	vadd.s32 v1, v3  }
0x1ac: {  	[tilespmem:s0], [sflag:$0x1] =	stream.indirect_vreg.gather [hbm4b:s1+s3], $0x80, v4, vm0, $0xb8;
	[tilespmem:$0x18200] =	vst v63  }
0x1ad: {  	s20 =	simm.s32 $0xA00  }
0x1ae: {  	[tilespmem:s20], [sflag:$0x1] =	stream.indirect_vreg.gather [hbm4b:s4+s3], $0x80, v4, vm0, $0xb8;
	[tilespmem:$0x18200] =	vst v63  }
0x1af: {  	s20 =	simm.s32 $0x1200  }
0x1b0: {  	[tilespmem:s20], [sflag:$0x1] =	stream.indirect_vreg.gather [hbm4b:s1+s3], $0x80, v3, vm0, $0xb8;
	[tilespmem:$0x18200] =	vst v63  }
0x1b1: {  	s20 =	simm.s32 $0x1A00  }
0x1b2: {  	[tilespmem:s20], [sflag:$0x1] =	stream.indirect_vreg.gather [hbm4b:s4+s3], $0x80, v3, vm0, $0xb8;
	[tilespmem:$0x18200] =	vst v63  }
0x1b3: {  	v3 =	vld [tilespmem:$0x190];
	_ =	sdelay $0x4  }
0x1b4: {  	v57 =	vshll.u32 v3, $0x2  }
0x1b5: {  	v3 =	vand.u32 $0x7, v3;
	v4 =	vand.u32 $0xFFFFFFE0, v57  }
0x1b6: {  	v3 =	vor.u32 v3, v4  }
0x1b7: {  	v4 =	vperm.xlane v3, v0;
	_ =	sdelay $0x1  }
0x1b8: {  	v4 =	vadd.s32 v1, v4;
	_ =	sdelay $0x1  }
0x1b9: {  	v3 =	vperm.xlane v3, v2;
	_ =	sdelay $0x1  }
0x1ba: {  	s20 =	simm.s32 $0x2200;
	v3 =	vadd.s32 v1, v3  }
0x1bb: {  	[tilespmem:s20], [sflag:$0x1] =	stream.indirect_vreg.gather [hbm4b:s1+s3], $0x80, v4, vm0, $0xb8;
	[tilespmem:$0x18200] =	vst v63  }
0x1bc: {  	s20 =	simm.s32 $0x2A00  }
0x1bd: {  	[tilespmem:s20], [sflag:$0x1] =	stream.indirect_vreg.gather [hbm4b:s4+s3], $0x80, v4, vm0, $0xb8;
	[tilespmem:$0x18200] =	vst v63  }
0x1be: {  	s20 =	simm.s32 $0x3200  }
0x1bf: {  	[tilespmem:s20], [sflag:$0x1] =	stream.indirect_vreg.gather [hbm4b:s1+s3], $0x80, v3, vm0, $0xb8;
	[tilespmem:$0x18200] =	vst v63  }
0x1c0: {  	s20 =	simm.s32 $0x3A00  }
0x1c1: {  	[tilespmem:s20], [sflag:$0x1] =	stream.indirect_vreg.gather [hbm4b:s4+s3], $0x80, v3, vm0, $0xb8;
	[tilespmem:$0x18200] =	vst v63  }
0x1c2: {  	v3 =	vld [tilespmem:$0x1A0];
	_ =	sdelay $0x4  }
0x1c3: {  	v58 =	vshll.u32 v3, $0x2  }
0x1c4: {  	v3 =	vand.u32 $0x7, v3;
	v4 =	vand.u32 $0xFFFFFFE0, v58  }
0x1c5: {  	v3 =	vor.u32 v3, v4  }
0x1c6: {  	v4 =	vperm.xlane v3, v0;
	_ =	sdelay $0x1  }
0x1c7: {  	v4 =	vadd.s32 v1, v4;
	_ =	sdelay $0x1  }
0x1c8: {  	v3 =	vperm.xlane v3, v2;
	_ =	sdelay $0x1  }
0x1c9: {  	v3 =	vadd.s32 v1, v3  }
0x1ca: {  	[tilespmem:s30], [sflag:$0x1] =	stream.indirect_vreg.gather [hbm4b:s1+s3], $0x80, v4, vm0, $0xb8;
	[tilespmem:$0x18200] =	vst v63  }
0x1cb: {  	_ = 	snop  }
0x1cc: {  	[tilespmem:s31], [sflag:$0x1] =	stream.indirect_vreg.gather [hbm4b:s4+s3], $0x80, v4, vm0, $0xb8;
	[tilespmem:$0x18200] =	vst v63  }
0x1cd: {  	s20 =	simm.s32 $0x5200  }
0x1ce: {  	[tilespmem:s20], [sflag:$0x1] =	stream.indirect_vreg.gather [hbm4b:s1+s3], $0x80, v3, vm0, $0xb8;
	[tilespmem:$0x18200] =	vst v63  }
0x1cf: {  	s20 =	simm.s32 $0x5A00  }
0x1d0: {  	[tilespmem:s20], [sflag:$0x1] =	stream.indirect_vreg.gather [hbm4b:s4+s3], $0x80, v3, vm0, $0xb8;
	[tilespmem:$0x18200] =	vst v63  }
0x1d1: {  	v3 =	vld [tilespmem:$0x1B0];
	_ =	sdelay $0x4  }
0x1d2: {  	v59 =	vshll.u32 v3, $0x2  }
0x1d3: {  	v3 =	vand.u32 $0x7, v3;
	v4 =	vand.u32 $0xFFFFFFE0, v59  }
0x1d4: {  	v3 =	vor.u32 v3, v4  }
0x1d5: {  	v4 =	vperm.xlane v3, v0;
	_ =	sdelay $0x1  }
0x1d6: {  	v4 =	vadd.s32 v1, v4;
	_ =	sdelay $0x1  }
0x1d7: {  	v3 =	vperm.xlane v3, v2;
	_ =	sdelay $0x1  }
0x1d8: {  	s20 =	simm.s32 $0x6200;
	v3 =	vadd.s32 v1, v3  }
0x1d9: {  	[tilespmem:s20], [sflag:$0x1] =	stream.indirect_vreg.gather [hbm4b:s1+s3], $0x80, v4, vm0, $0xb8;
	[tilespmem:$0x18200] =	vst v63  }
0x1da: {  	s20 =	simm.s32 $0x6A00  }
0x1db: {  	[tilespmem:s20], [sflag:$0x1] =	stream.indirect_vreg.gather [hbm4b:s4+s3], $0x80, v4, vm0, $0xb8;
	[tilespmem:$0x18200] =	vst v63  }
0x1dc: {  	s20 =	simm.s32 $0x7200  }
0x1dd: {  	[tilespmem:s20], [sflag:$0x1] =	stream.indirect_vreg.gather [hbm4b:s1+s3], $0x80, v3, vm0, $0xb8;
	[tilespmem:$0x18200] =	vst v63  }
0x1de: {  	s20 =	simm.s32 $0x7A00  }
0x1df: {  	[tilespmem:s20], [sflag:$0x1] =	stream.indirect_vreg.gather [hbm4b:s4+s3], $0x80, v3, vm0, $0xb8;
	[tilespmem:$0x18200] =	vst v63  }
0x1e0: {  	_ =	swait.ge [sflag:s17], $0x8000  }
0x1e1: {  	[sflag:s17] =	ssyncset.done $0x0  }
0x1e2: {  	s2 =	rddreg [dreg:$0xa];
	[sflag:s17] =	ssyncadd.s32 $0xFFFF8000  }
0x1e3: {  	[hbm4b:s2+s3] =	stream.linear.scatter [tilespmem:s7], [sflag:$0x6], $0x8000, $0x38;
	[tilespmem:$0x18200] =	vst v63  }
0x1e4: {  	_ =	swait.ge [sflag:s18], $0x8000  }
0x1e5: {  	[sflag:s18] =	ssyncset.done $0x0  }
0x1e6: {  	[sflag:s18] =	ssyncadd.s32 $0xFFFF8000  }
0x1e7: {  	v3 =	vld [tilespmem:$0x1C0];
	_ =	sdelay $0x4  }
0x1e8: {  	v60 =	vshll.u32 v3, $0x2  }
0x1e9: {  	v3 =	vand.u32 $0x7, v3;
	v4 =	vand.u32 $0xFFFFFFE0, v60  }
0x1ea: {  	v3 =	vor.u32 v3, v4  }
0x1eb: {  	v4 =	vperm.xlane v3, v0;
	_ =	sdelay $0x1  }
0x1ec: {  	v4 =	vadd.s32 v1, v4;
	_ =	sdelay $0x1  }
0x1ed: {  	v3 =	vperm.xlane v3, v2;
	_ =	sdelay $0x1  }
0x1ee: {  	v3 =	vadd.s32 v1, v3  }
0x1ef: {  	[tilespmem:s29], [sflag:$0x2] =	stream.indirect_vreg.gather [hbm4b:s1+s3], $0x80, v4, vm0, $0xb8;
	[tilespmem:$0x18200] =	vst v63  }
0x1f0: {  	s20 =	simm.s32 $0x8A00  }
0x1f1: {  	[tilespmem:s20], [sflag:$0x2] =	stream.indirect_vreg.gather [hbm4b:s4+s3], $0x80, v4, vm0, $0xb8;
	[tilespmem:$0x18200] =	vst v63  }
0x1f2: {  	s20 =	simm.s32 $0x9200  }
0x1f3: {  	[tilespmem:s20], [sflag:$0x2] =	stream.indirect_vreg.gather [hbm4b:s1+s3], $0x80, v3, vm0, $0xb8;
	[tilespmem:$0x18200] =	vst v63  }
0x1f4: {  	s20 =	simm.s32 $0x9A00  }
0x1f5: {  	[tilespmem:s20], [sflag:$0x2] =	stream.indirect_vreg.gather [hbm4b:s4+s3], $0x80, v3, vm0, $0xb8;
	[tilespmem:$0x18200] =	vst v63  }
0x1f6: {  	v3 =	vld [tilespmem:$0x1D0];
	_ =	sdelay $0x4  }
0x1f7: {  	v61 =	vshll.u32 v3, $0x2  }
0x1f8: {  	v3 =	vand.u32 $0x7, v3;
	v4 =	vand.u32 $0xFFFFFFE0, v61  }
0x1f9: {  	v3 =	vor.u32 v3, v4  }
0x1fa: {  	v4 =	vperm.xlane v3, v0;
	_ =	sdelay $0x1  }
0x1fb: {  	v4 =	vadd.s32 v1, v4;
	_ =	sdelay $0x1  }
0x1fc: {  	v3 =	vperm.xlane v3, v2;
	_ =	sdelay $0x1  }
0x1fd: {  	s20 =	simm.s32 $0xA200;
	v3 =	vadd.s32 v1, v3  }
0x1fe: {  	[tilespmem:s20], [sflag:$0x2] =	stream.indirect_vreg.gather [hbm4b:s1+s3], $0x80, v4, vm0, $0xb8;
	[tilespmem:$0x18200] =	vst v63  }
0x1ff: {  	s20 =	simm.s32 $0xAA00  }
0x200: {  	[tilespmem:s20], [sflag:$0x2] =	stream.indirect_vreg.gather [hbm4b:s4+s3], $0x80, v4, vm0, $0xb8;
	[tilespmem:$0x18200] =	vst v63  }
0x201: {  	s20 =	simm.s32 $0xB200  }
0x202: {  	[tilespmem:s20], [sflag:$0x2] =	stream.indirect_vreg.gather [hbm4b:s1+s3], $0x80, v3, vm0, $0xb8;
	[tilespmem:$0x18200] =	vst v63  }
0x203: {  	s20 =	simm.s32 $0xBA00  }
0x204: {  	[tilespmem:s20], [sflag:$0x2] =	stream.indirect_vreg.gather [hbm4b:s4+s3], $0x80, v3, vm0, $0xb8;
	[tilespmem:$0x18200] =	vst v63  }
0x205: {  	v3 =	vld [tilespmem:$0x1E0];
	_ =	sdelay $0x4  }
0x206: {  	v62 =	vshll.u32 v3, $0x2  }
0x207: {  	v3 =	vand.u32 $0x7, v3;
	v4 =	vand.u32 $0xFFFFFFE0, v62  }
0x208: {  	v3 =	vor.u32 v3, v4  }
0x209: {  	v4 =	vperm.xlane v3, v0;
	_ =	sdelay $0x1  }
0x20a: {  	v4 =	vadd.s32 v1, v4;
	_ =	sdelay $0x1  }
0x20b: {  	v3 =	vperm.xlane v3, v2;
	_ =	sdelay $0x1  }
0x20c: {  	s20 =	simm.s32 $0xC200;
	v3 =	vadd.s32 v1, v3  }
0x20d: {  	[tilespmem:s20], [sflag:$0x2] =	stream.indirect_vreg.gather [hbm4b:s1+s3], $0x80, v4, vm0, $0xb8;
	[tilespmem:$0x18200] =	vst v63  }
0x20e: {  	s20 =	simm.s32 $0xCA00  }
0x20f: {  	[tilespmem:s20], [sflag:$0x2] =	stream.indirect_vreg.gather [hbm4b:s4+s3], $0x80, v4, vm0, $0xb8;
	[tilespmem:$0x18200] =	vst v63  }
0x210: {  	s20 =	simm.s32 $0xD200  }
0x211: {  	[tilespmem:s20], [sflag:$0x2] =	stream.indirect_vreg.gather [hbm4b:s1+s3], $0x80, v3, vm0, $0xb8;
	[tilespmem:$0x18200] =	vst v63  }
0x212: {  	s20 =	simm.s32 $0xDA00  }
0x213: {  	[tilespmem:s20], [sflag:$0x2] =	stream.indirect_vreg.gather [hbm4b:s4+s3], $0x80, v3, vm0, $0xb8;
	[tilespmem:$0x18200] =	vst v63  }
0x214: {  	v3 =	vld [tilespmem:$0x1F0];
	_ =	sdelay $0x4  }
0x215: {  	v63 =	vshll.u32 v3, $0x2  }
0x216: {  	v3 =	vand.u32 $0x7, v3;
	v4 =	vand.u32 $0xFFFFFFE0, v63  }
0x217: {  	v3 =	vor.u32 v3, v4  }
0x218: {  	v4 =	vperm.xlane v3, v0;
	_ =	sdelay $0x1  }
0x219: {  	v4 =	vadd.s32 v1, v4;
	_ =	sdelay $0x1  }
0x21a: {  	v3 =	vperm.xlane v3, v2;
	_ =	sdelay $0x1  }
0x21b: {  	s20 =	simm.s32 $0xE200;
	v3 =	vadd.s32 v1, v3  }
0x21c: {  	[tilespmem:s20], [sflag:$0x2] =	stream.indirect_vreg.gather [hbm4b:s1+s3], $0x80, v4, vm0, $0xb8;
	[tilespmem:$0x18200] =	vst v63  }
0x21d: {  	s20 =	simm.s32 $0xEA00  }
0x21e: {  	[tilespmem:s20], [sflag:$0x2] =	stream.indirect_vreg.gather [hbm4b:s4+s3], $0x80, v4, vm0, $0xb8;
	[tilespmem:$0x18200] =	vst v63  }
0x21f: {  	s20 =	simm.s32 $0xF200  }
0x220: {  	[tilespmem:s20], [sflag:$0x2] =	stream.indirect_vreg.gather [hbm4b:s1+s3], $0x80, v3, vm0, $0xb8;
	[tilespmem:$0x18200] =	vst v63  }
0x221: {  	s20 =	simm.s32 $0xFA00  }
0x222: {  	[tilespmem:s20], [sflag:$0x2] =	stream.indirect_vreg.gather [hbm4b:s4+s3], $0x80, v3, vm0, $0xb8;
	[tilespmem:$0x18200] =	vst v63  }
0x223: {  	_ =	swait.ge [sflag:s13], $0x8000  }
0x224: {  	[sflag:s13] =	ssyncset.done $0x0  }
0x225: {  	s2 =	rddreg [dreg:$0xb];
	[sflag:s13] =	ssyncadd.s32 $0xFFFF8000  }
0x226: {  	[hbm4b:s2+s3] =	stream.linear.scatter [tilespmem:s0], [sflag:$0x4], $0x8000, $0x38;
	[tilespmem:$0x18200] =	vst v63  }
0x227: {  	_ =	swait.ge [sflag:s15], $0x8000  }
0x228: {  	[sflag:s15] =	ssyncset.done $0x0  }
0x229: {  	s2 =	rddreg [dreg:$0xc];
	[sflag:s15] =	ssyncadd.s32 $0xFFFF8000  }
0x22a: {  	[hbm4b:s2+s3] =	stream.linear.scatter [tilespmem:s29], [sflag:$0x5], $0x8000, $0x38;
	[tilespmem:$0x18200] =	vst v63  }
0x22b: {  	_ =	swait.ge [sflag:s19], $0x8000  }
0x22c: {  	[sflag:s19] =	ssyncset.done $0x0  }
0x22d: {  	[sflag:s19] =	ssyncadd.s32 $0xFFFF8000  }
0x22e: {  	p0 =	sne.s32 s5, $0x1;
	_ =	swait.ge [sflag:s16], $0x8000  }
.Ltmp0:
0x22f: {  	[sflag:s16] =	ssyncset.done $0x0;
	(pc) =	sbr.rel @p0 .LBB2_1-.Ltmp0, $4  }
0x230: {  	[sflag:s16] =	ssyncadd.s32 $0xFFFF8000  }
0x231: {  	_ =	swait.ge [sflag:s18], $0x8000  }
0x232: {  	[sflag:s18] =	ssyncset.done $0x0  }
0x233: {  	s5 =	sadd.s32 $0xFFFFFFFF, s5;
	[sflag:s18] =	ssyncadd.s32 $0xFFFF8000  }
0x234: {  	_ =	sfence.sel $0x180000  }
0x235: {  	[bflag:$0x0] =	sbarrier.arrive $0xFFFF  }
0x236: {  	_ =	strace $0x90000047  }
0x237: {  	s0 =	stileid.u32;
	[bflag:$0x2] =	sbarrier.arrive $0xFFFF  }
0x238: {  	p0 =	sne.s32 s0, $0x0;
	s0 =	rddreg [dreg:$0x3]  }
0x239: {  	s0 =	sadd.s32 @!p0 $0x100000, s0  }
0x23a: {  	[sflag:s0] =	ssyncadd.tile.s32 @!p0 $0x1;
	_ =	shalt  }
.Lfunc_end2:
_tile_overlayer_lowered:
.L_overlay_start_2:
0x23b: {  	(tag) =	ssettag $0x2  }
0x23c: {  	s0 =	rddreg [dreg:$0x0];
	s2 =	stileid.u32  }
0x23d: {  	s1 =	rddreg [dreg:$0x1];
	p0 =	sne.s32 s2, $0x0  }
0x23e: {  	s3 =	rddreg [dreg:$0x2];
	[bflag:$0x3] =	sbarrier.arrive $0xFFFF;
	s2 =	simm.s32 @!p0 $0x1C07  }
0x23f: {  	[timem:s3], [sflag:s2] =	dma.local @!p0 [hbm:s0], s1  }
0x240: {  	s0 =	simm.s32 @!p0 $0x7  }
0x241: {  	_ =	swait.ge @!p0 [sflag:s0], s1  }
0x242: {  	s1 =	ssub.s32 @!p0 $0x0, s1;
	[sflag:s0] =	ssyncset.done @!p0 $0x0  }
0x243: {  	[sflag:s0] =	ssyncadd.s32 @!p0 s1  }
0x244: {  	[bflag:$0x3] =	sbarrier.arrive $0xFFFF  }
0x245: {  	_ =	shalt  }

// kernel: kernel.8.cloned.1.call-start
scs
__scs_entry_jumppad:
0x0: {  	(pc) =	sbr.rel $0x88, $3  }
0x1: {  	(tag) =	ssettag $0x0;
	lr =	simm.s32 $0x1  }
0x2: {  	[smem:$0x3F8E] =	sst lr;
	_ =	strace $0xD0000000  }
0x3: {  	_ = 	snop  }
0x4: {  	_ = 	snop  }
0x5: {  	_ = 	snop  }
0x6: {  	_ = 	snop  }
0x7: {  	_ = 	snop  }
__scs_overlays_trampoline_lowered:
0x8: {  	[smem:$0x3F9D] =	sst s0  }
0x9: {  	[smem:$0x3F9E] =	sst s1  }
0xa: {  	[smem:$0x3F9F] =	sst s2  }
0xb: {  	[smem:$0x3FA0] =	sst s3  }
0xc: {  	[smem:$0x3FA1] =	sst s4  }
0xd: {  	[smem:$0x3FA2] =	sst s5  }
0xe: {  	[smem:$0x3FA3] =	sst s6  }
0xf: {  	[smem:$0x3FA4] =	sst s7  }
0x10: {  	[smem:$0x3FA5] =	sst s8  }
0x11: {  	[smem:$0x3FA6] =	sst s9;
	s0 =	simm.s32 @!p0 $0x0  }
0x12: {  	s1 =	sld [smem:$0x3F8C];
	s0 =	simm.s32 @p0 $0x1  }
0x13: {  	[smem:$0x3FA7] =	sst s0;
	s0 =	simm.s32 @!p1 $0x0  }
0x14: {  	s2 =	sld [smem:$0x3F8B];
	s0 =	simm.s32 @p1 $0x1  }
0x15: {  	[smem:$0x3FA8] =	sst s0;
	s0 =	simm.s32 @!p2 $0x0  }
0x16: {  	s3 =	sld [smem:$0x3FDB];
	s0 =	simm.s32 @p2 $0x1  }
0x17: {  	s4 =	simm.s32 $0x1BF5;
	[smem:$0x3FAA] =	sst s0  }
0x18: {  	s0 =	sld [smem:$0x3F8D];
	_ =	swait.ge [sflag:s4], $0x0  }
0x19: {  	s7 =	sld [smem:$0x3F8E]  }
0x1a: {  	s8 =	sadd.s32 $0xFFFFE003, lr  }
0x1b: {  	s9 =	sadd.s32 $0xFFFFFEF7, lr;
	s5 =	simm.s32 $0xFFFFFFFF;
	p2 =	slt.u32 s8, $0xFFFFF086  }
0x1c: {  	p1 =	slt.u32 s9, $0xF7A;
	s5 =	simm.s32 @!p2 $0x0  }
0x1d: {  	s5 =	simm.s32 @p1 $0x1;
	p0 =	seq.s32 s7, s2  }
0x1e: {  	s7 =	smul.u32 @!p0 $0xF7A, s2;
	p2 =	seq.s32 @!p0 s5, $0x0  }
0x1f: {  	s9 =	smul.u32 $0xF7A, s1;
	s8 =	simm.s32 @!p0 $0x1BF5;
	p2 =	por !p2, p0  }
0x20: {  	[sflag:s8] =	ssyncset.s32 @!p0 $0xFFFFF086;
	s6 =	sadd.s32 @!p0 s3, s7;
	s7 =	simm.s32 @!p0 $0x108  }
0x21: {  	s3 =	sadd.s32 s3, s9;
	s6 =	sadd.s32 @!p0 $0x88, s6;
	s7 =	simm.s32 @p2 $0x1082  }
0x22: {  	[simem:s7], [sflag:s8] =	dma.local @!p0 [hbm:s6], $0xF7A  }
0x23: {  	s9 =	sor.u32 $0xD0000000, s2;
	s6 =	simm.s32 $0x108;
	_ =	swait.ge @!p0 [sflag:s8], $0x0  }
0x24: {  	s3 =	sadd.s32 $0x88, s3;
	s6 =	simm.s32 @!p1 $0x1082;
	[sflag:s4] =	ssyncset.s32 $0xFFFFF086  }
0x25: {  	[simem:s6], [sflag:s4] =	dma.local [hbm:s3], $0xF7A  }
0x26: {  	[smem:$0x3F8E] =	sst s1;
	(tag) =	ssettag s2;
	_ =	strace s9  }
0x27: {  	s1 =	sld [smem:$0x3F9E]  }
0x28: {  	s2 =	sld [smem:$0x3F9F]  }
0x29: {  	s4 =	sld [smem:$0x3FA1]  }
0x2a: {  	p0 =	seq.s32 s5, $0x0;
	s5 =	sld [smem:$0x3FA2]  }
0x2b: {  	s6 =	sld [smem:$0x3FA3]  }
0x2c: {  	s7 =	sld [smem:$0x3FA4]  }
0x2d: {  	s3 =	simm.s32 $0x108;
	s8 =	sld [smem:$0x3FA5]  }
0x2e: {  	s3 =	simm.s32 @!p0 $0x1082;
	s9 =	sld [smem:$0x3FA6]  }
0x2f: {  	lr =	sadd.s32 s0, s3;
	s0 =	sld [smem:$0x3F9D]  }
0x30: {  	s3 =	sld [smem:$0x3FA0]  }
0x31: {  	[smem:$0x3FA9] =	sst s10  }
0x32: {  	s10 =	sld [smem:$0x3FA7];
	_ =	sdelay $0x3  }
0x33: {  	p0 =	seq.s32 s10, $0x1;
	s10 =	sld [smem:$0x3FA9];
	_ =	sdelay $0x3  }
0x34: {  	[smem:$0x3FA9] =	sst s10  }
0x35: {  	s10 =	sld [smem:$0x3FA8];
	_ =	sdelay $0x3  }
0x36: {  	p1 =	seq.s32 s10, $0x1;
	s10 =	sld [smem:$0x3FA9];
	_ =	sdelay $0x3  }
0x37: {  	[smem:$0x3FA9] =	sst s10  }
0x38: {  	s10 =	sld [smem:$0x3FAA]  }
0x39: {  	_ = 	snop;
	(pc) =	sbr.ind lr, $3  }
0x3a: {  	_ = 	snop  }
0x3b: {  	_ = 	snop  }
0x3c: {  	p2 =	seq.s32 s10, $0x1;
	s10 =	sld [smem:$0x3FA9]  }
0x3d: {  	_ =	shalt  }
0x3e: {  	_ =	shalt  }
0x3f: {  	_ =	shalt  }
0x40: {  	_ =	shalt  }
0x41: {  	_ =	shalt  }
0x42: {  	_ =	shalt  }
0x43: {  	_ =	shalt  }
0x44: {  	_ =	shalt  }
0x45: {  	_ =	shalt  }
0x46: {  	_ =	shalt  }
0x47: {  	_ =	shalt  }
0x48: {  	_ =	shalt  }
0x49: {  	_ =	shalt  }
0x4a: {  	_ =	shalt  }
0x4b: {  	_ =	shalt  }
0x4c: {  	_ =	shalt  }
0x4d: {  	_ =	shalt  }
0x4e: {  	_ =	shalt  }
0x4f: {  	_ =	shalt  }
0x50: {  	_ =	shalt  }
0x51: {  	_ =	shalt  }
0x52: {  	_ =	shalt  }
0x53: {  	_ =	shalt  }
0x54: {  	_ =	shalt  }
0x55: {  	_ =	shalt  }
0x56: {  	_ =	shalt  }
0x57: {  	_ =	shalt  }
0x58: {  	_ =	shalt  }
0x59: {  	_ =	shalt  }
0x5a: {  	_ =	shalt  }
0x5b: {  	_ =	shalt  }
0x5c: {  	_ =	shalt  }
0x5d: {  	_ =	shalt  }
0x5e: {  	_ =	shalt  }
0x5f: {  	_ =	shalt  }
0x60: {  	_ =	shalt  }
0x61: {  	_ =	shalt  }
0x62: {  	_ =	shalt  }
0x63: {  	_ =	shalt  }
0x64: {  	_ =	shalt  }
0x65: {  	_ =	shalt  }
0x66: {  	_ =	shalt  }
0x67: {  	_ =	shalt  }
0x68: {  	_ =	shalt  }
0x69: {  	_ =	shalt  }
0x6a: {  	_ =	shalt  }
0x6b: {  	_ =	shalt  }
0x6c: {  	_ =	shalt  }
0x6d: {  	_ =	shalt  }
0x6e: {  	_ =	shalt  }
0x6f: {  	_ =	shalt  }
0x70: {  	_ =	shalt  }
0x71: {  	_ =	shalt  }
0x72: {  	_ =	shalt  }
0x73: {  	_ =	shalt  }
0x74: {  	_ =	shalt  }
0x75: {  	_ =	shalt  }
0x76: {  	_ =	shalt  }
0x77: {  	_ =	shalt  }
0x78: {  	_ =	shalt  }
0x79: {  	_ =	shalt  }
0x7a: {  	_ =	shalt  }
0x7b: {  	_ =	shalt  }
0x7c: {  	_ =	shalt  }
0x7d: {  	_ =	shalt  }
0x7e: {  	_ =	shalt  }
0x7f: {  	_ =	shalt  }
0x80: {  	_ =	shalt  }
0x81: {  	_ =	shalt  }
0x82: {  	_ =	shalt  }
0x83: {  	_ =	shalt  }
0x84: {  	_ =	shalt  }
0x85: {  	_ =	shalt  }
0x86: {  	_ =	shalt  }
0x87: {  	_ =	shalt  }
.Lfunc_end0:
.L_simem_size_0:
called_computation_lowered:
.L_overlay_start_0:
0x88: {  	s2 =	sld [smem:$0x3FD9]  }
0x89: {  	s3 =	sld [smem:$0x3FFE];
	_ =	sdelay $0x1  }
0x8a: {  	s1 =	srdreg.scid  }
0x8b: {  	s0 =	sand.u32 $0x1, s1  }
0x8c: {  	s15 =	sshll.u32 s0, $0xA;
	s2 =	sadd.s32 s3, s2  }
0x8d: {  	s2 =	sadd.s32 s2, s15  }
0x8e: {  	[smem:$0x3FB5] =	sst s2  }
0x8f: {  	_ = 	snop  }
0x90: {  	s16 =	sld [smem:$0x3FD0];
	_ =	sdelay $0x2  }
0x91: {  	s4 =	simm.s32 $0xB;
	s5 =	simm.s32 $0x10;
	s2 =	sld [smem:$0x3FBA]  }
0x92: {  	[smem:s5], [sflag:s4] =	dma.local [hbm:s16], $0x1  }
0x93: {  	_ =	swait.eq [sflag:s4], $0x1  }
0x94: {  	[sflag:s4] =	ssyncset.done $0x0  }
0x95: {  	[sflag:s4] =	ssyncadd.s32 $0xFFFFFFFF  }
0x96: {  	s17 =	sld [smem:$0x10];
	(tm) =	ssettm $0x1  }
0x97: {  	s18 =	sld [smem:$0x3FFB];
	_ =	sdelay $0x3  }
0x98: {  	_ =	strace s18  }
0x99: {  	s3 =	sld [smem:$0x3FFC];
	_ =	sdelay $0x3  }
0x9a: {  	_ =	strace s3  }
0x9b: {  	s3 =	sld [smem:$0x3FFD];
	_ =	sdelay $0x3  }
0x9c: {  	_ =	strace s3  }
0x9d: {  	_ =	strace $0x8FFFFFFF  }
0x9e: {  	s19 =	sld [smem:$0x3FDB];
	_ =	sdelay $0x1  }
0x9f: {  	s20 =	simm.s32 $_scs_section_size  }
0xa0: {  	s6 =	simm.s32 $_size__tile_overlayer_lowered;
	s7 =	simm.s32 $_tile_overlayer_lowered  }
0xa1: {  	s8 =	simm.s32 $0x1BFF;
	s21 =	sshll.u32 s7, $0x1;
	s5 =	sadd.s32 s20, s19  }
0xa2: {  	s22 =	simm.s32 $0x0;
	s6 =	sshll.u32 s6, $0x1;
	s7 =	sadd.s32 s21, s5  }
0xa3: {  	[timem:s22], [sflag:s8] =	dma.local [hbm:s7], s6  }
0xa4: {  	_ =	swait.ge [sflag:s8], s6  }
0xa5: {  	s6 =	ssub.s32 $0x0, s6;
	[sflag:s8] =	ssyncset.done $0x0  }
0xa6: {  	[sflag:s8] =	ssyncadd.s32 s6;
	_ =	sdelay $0x1  }
0xa7: {  	s23 =	simm.s32 $0x1B8B  }
0xa8: {  	_ =	swait.ge [sflag:s23], $0x1  }
0xa9: {  	[sflag:s23] =	ssyncset.done $0x0  }
0xaa: {  	[sflag:s23] =	ssyncadd.s32 $0xFFFFFFFF  }
0xab: {  	s6 =	sld [smem:$0x0]  }
0xac: {  	s7 =	sand.u32 $0xFFFFFFFE, s1  }
0xad: {  	p0 =	sne.s32 s1, s7  }
0xae: {  	s7 =	sshll.u32 @p0 s7, $0xE  }
0xaf: {  	s7 =	sadd.s32 @p0 $0x11B8D, s7;
	s8 =	sshll.u32 @p0 s6, $0x11  }
0xb0: {  	s7 =	sor.u32 @p0 s8, s7  }
0xb1: {  	[sflag:s7] =	ssyncadd.remote.s32 @p0 $0x1;
	_ =	sdelay $0x1  }
0xb2: {  	s7 =	simm.s32 @p0 $0x1B8D  }
0xb3: {  	_ =	swait.eq @p0 [sflag:s7], $0x1  }
0xb4: {  	[sflag:s7] =	ssyncadd.s32 @p0 $0xFFFFFFFF  }
0xb5: {  	s8 =	sshll.u32 @!p0 s1, $0xE  }
0xb6: {  	s8 =	sor.u32 @!p0 $0x4000, s8;
	s7 =	simm.s32 @!p0 $0x1B8D  }
0xb7: {  	s6 =	sshll.u32 @!p0 s6, $0x11;
	s8 =	sadd.s32 @!p0 $0x11B8D, s8;
	_ =	swait.eq @!p0 [sflag:s7], $0x1  }
0xb8: {  	s6 =	sor.u32 @!p0 s6, s8;
	[sflag:s7] =	ssyncadd.s32 @!p0 $0xFFFFFFFF  }
0xb9: {  	s25 =	simm.s32 $0x1B8E;
	s24 =	sld [smem:$0x3FFE];
	[sflag:s6] =	ssyncadd.remote.s32 @!p0 $0x1  }
0xba: {  	s26 =	simm.s32 $execute0_lowered;
	[smem:$0x3FD2] =	sst s25  }
0xbb: {  	s7 =	sshll.u32 s26, $0x1;
	_ =	strace $0x80000049;
	[dreg:$0x1] =	wrdreg $0xFFFFFFFF  }
0xbc: {  	s28 =	simm.s32 $_size_execute0_lowered;
	s5 =	sadd.s32 s5, s7;
	[dreg:$0x0] =	wrdreg $0x0  }
0xbd: {  	s7 =	sshll.u32 s28, $0x1;
	[dreg:$0x2] =	wrdreg s5  }
0xbe: {  	[dreg:$0x3] =	wrdreg s7  }
0xbf: {  	[dreg:$0x4] =	wrdreg $0xC0  }
0xc0: {  	_ =	task [dreg:s22], $0x5FFFF  }
0xc1: {  	[dreg:$0x1] =	wrdreg $0xFFFFFFFF  }
0xc2: {  	[dreg:$0x0] =	wrdreg $0x60  }
0xc3: {  	[dreg:$0x2] =	wrdreg s2  }
0xc4: {  	[dreg:$0x3] =	wrdreg s17  }
0xc5: {  	[dreg:$0x4] =	wrdreg s24  }
0xc6: {  	[dreg:$0x5] =	wrdreg $0x9  }
0xc7: {  	_ =	task.clear_ibuf [dreg:s22], $0x6FFFF;
	_ =	strace $0x90000049  }
0xc8: {  	s29 =	simm.s32 $0x9;
	_ =	strace $0x8000004B  }
0xc9: {  	_ =	swait.ge [sflag:s29], $0x1  }
0xca: {  	[sflag:s29] =	ssyncadd.s32 $0xFFFFFFFF  }
0xcb: {  	_ =	strace $0x9000004B  }
0xcc: {  	_ =	sfence  }
0xcd: {  	s30 =	sld [smem:$0x0];
	_ =	sdelay $0x2  }
0xce: {  	s31 =	sshll.u32 s1, $0xD;
	s1 =	sshrl.u32 s1, $0x2  }
0xcf: {  	s4 =	sand.u32 $0x4000, s31;
	s1 =	sadd.s32 s1, s30  }
0xd0: {  	s0 =	sor.u32 s4, s0;
	s1 =	sshll.u32 s1, $0x11  }
0xd1: {  	s0 =	sor.u32 s1, s0  }
0xd2: {  	s0 =	sadd.s32 $0x8F2B, s0  }
0xd3: {  	[sflag:s0] =	ssyncadd.remote.s32 $0x1  }
0xd4: {  	_ =	sfence.sel $0xFFFF  }
0xd5: {  	[dreg:$0x0] =	wrdreg $0xFFFFFFFF;
	(pc) =	sbr.abs _section_cstart, $3  }
0xd6: {  	[dreg:$0x1] =	wrdreg $0xFFFFFFFF  }
0xd7: {  	_ =	task.clear_ibuf [dreg:s22], $0x2FFFF;
	_ =	strace $0x9FFFFFFF  }
0xd8: {  	(tm) =	ssettm $0x7FFFFFFF  }
0xd9: {  	_ =	shalt  }
tec
execute0_lowered:
.L_overlay_start_1:
0x0: {  	(tag) =	ssettag $0x1  }
0x1: {  	s1 =	rddreg [dreg:$0x0]  }
0x2: {  	s4 =	rddreg [dreg:$0x1]  }
0x3: {  	s2 =	srdreg.scid;
	s5 =	rddreg [dreg:$0x2];
	s3 =	simm.s32 $0x0  }
0x4: {  	s0 =	stileid.u32;
	s19 =	simm.s32 $0x8900;
	[smem:$0x7FF] =	sst s3  }
0x5: {  	s20 =	simm.s32 $0x9100;
	_ =	strace $0x8000004A;
	[dreg:$0x9] =	wrdreg s19  }
0x6: {  	s21 =	simm.s32 $0x9900;
	s22 =	simm.s32 $0xA100;
	[dreg:$0xa] =	wrdreg s20  }
0x7: {  	s23 =	simm.s32 $0xA900;
	s24 =	simm.s32 $0xB100;
	[dreg:$0xb] =	wrdreg s21  }
0x8: {  	s25 =	simm.s32 $0xB900;
	s8 =	simm.s32 $0xD900;
	[dreg:$0xc] =	wrdreg s22  }
0x9: {  	s9 =	simm.s32 $0xE100;
	s10 =	simm.s32 $0xE900;
	[dreg:$0xd] =	wrdreg s23  }
0xa: {  	s11 =	simm.s32 $0xF100;
	s12 =	simm.s32 $0xF900;
	[dreg:$0xe] =	wrdreg s24  }
0xb: {  	s6 =	sshll.u32 s0, $0x9;
	s0 =	simm.s32 $0xC100;
	[dreg:$0xf] =	wrdreg s25  }
0xc: {  	s13 =	simm.s32 $0x10900;
	s14 =	simm.s32 $0x11100;
	[dreg:$0x10] =	wrdreg s0  }
0xd: {  	s28 =	simm.s32 $0x2;
	s29 =	simm.s32 $0x4;
	[dreg:$0x13] =	wrdreg s8  }
0xe: {  	s30 =	simm.s32 $0x3;
	s2 =	sand.u32 $0x1, s2;
	[dreg:$0x14] =	wrdreg s9  }
0xf: {  	s31 =	simm.s32 $0x5;
	s7 =	sshll.u32 s2, $0x8;
	[dreg:$0x15] =	wrdreg s10  }
0x10: {  	s2 =	ssub.s32 $0x2, s2;
	s8 =	simm.s32 $0x900;
	[dreg:$0x16] =	wrdreg s11  }
0x11: {  	s9 =	simm.s32 $0x1100;
	s10 =	simm.s32 $0x1900;
	[dreg:$0x17] =	wrdreg s12  }
0x12: {  	s11 =	simm.s32 $0x2100;
	[dreg:$0x18] =	wrdreg s13;
	s12 =	simm.s32 $0x2900  }
0x13: {  	[dreg:$0x19] =	wrdreg s14;
	s13 =	simm.s32 $0x3100;
	s19 =	simm.s32 $0x13900  }
0x14: {  	s14 =	simm.s32 $0x3900;
	s20 =	simm.s32 $0x14100;
	[dreg:$0x1e] =	wrdreg s19  }
0x15: {  	s21 =	simm.s32 $0x14900;
	s22 =	simm.s32 $0x15100;
	[dreg:$0x1f] =	wrdreg s20  }
0x16: {  	s23 =	simm.s32 $0x15900;
	s24 =	simm.s32 $0x16100;
	[smem:$0x7F8] =	sst s21  }
0x17: {  	s25 =	simm.s32 $0x16900;
	s6 =	sor.u32 s7, s6;
	[smem:$0x7F9] =	sst s22  }
0x18: {  	s26 =	sshrl.u32 s2, $0x1;
	s19 =	simm.s32 $0x6100;
	[smem:$0x7FA] =	sst s23  }
0x19: {  	s20 =	simm.s32 $0x6900;
	s21 =	simm.s32 $0x7100;
	[smem:$0x7FB] =	sst s24  }
0x1a: {  	s22 =	simm.s32 $0x7900;
	[smem:$0x7FC] =	sst s25;
	s7 =	sshll.u32 s6, $0x6  }
0x1b: {  	s6 =	sshrl.u32 s6, $0x3;
	s2 =	ssub.s32 s2, s26;
	s26 =	simm.s32 $0x17100  }
0x1c: {  	s23 =	simm.s32 $0x8100;
	s4 =	sadd.s32 s4, s6;
	[smem:$0x7FD] =	sst s26  }
0x1d: {  	s24 =	simm.s32 $0x1;
	s6 =	simm.s32 $0xC900;
	[dreg:$0x4] =	wrdreg s4  }
0x1e: {  	s5 =	sadd.s32 s7, s5;
	s7 =	simm.s32 $0xD100;
	[dreg:$0x11] =	wrdreg s6  }
0x1f: {  	s25 =	simm.s32 $0x10100;
	s15 =	sadd.s32 $0x103200, s5;
	[dreg:$0x12] =	wrdreg s7  }
0x20: {  	s16 =	sadd.s32 $0x104200, s5;
	s17 =	sadd.s32 $0x105200, s5;
	[dreg:$0x5] =	wrdreg s15  }
0x21: {  	s18 =	sadd.s32 $0x106200, s5;
	s4 =	sadd.s32 $0x100, s1;
	[dreg:$0x6] =	wrdreg s16  }
0x22: {  	s5 =	smax.u32 s2, $0x1;
	s6 =	simm.s32 $0x7;
	[dreg:$0x7] =	wrdreg s17  }
0x23: {  	s7 =	simm.s32 $0x100;
	[dreg:$0x8] =	wrdreg s18;
	s15 =	simm.s32 $0x11900  }
0x24: {  	s2 =	simm.s32 $0x6;
	s16 =	simm.s32 $0x12100;
	[dreg:$0x1a] =	wrdreg s15  }
0x25: {  	v2 =	vlaneseq.u32;
	s17 =	simm.s32 $0x12900;
	s18 =	simm.s32 $0x13100;
	[dreg:$0x1b] =	wrdreg s16  }
0x26: {  	vm0 =	vmmov $0xffff;
	v1 =	vshrl.u32 v2, $0x3;
	s15 =	simm.s32 $0x4100;
	[dreg:$0x1c] =	wrdreg s17;
	s16 =	simm.s32 $0x4900  }
0x27: {  	v0 =	vand.u32 $0x7, v2;
	v2 =	vor.u32 $0x8, v2;
	v1 =	vmul.u32 $0x8, v1;
	[dreg:$0x1d] =	wrdreg s18;
	s17 =	simm.s32 $0x5100;
	s18 =	simm.s32 $0x5900  }
.LBB2_1:
0x28: {  	s0 =	rddreg [dreg:$0x4]  }
0x29: {  	[tilespmem:s3], [sflag:$0x7] =	stream.linear.gather [hbm4b:s0+s3], $0x100, $0x38;
	[tilespmem:$0x18100] =	vst v63  }
0x2a: {  	_ =	swait.ge [sflag:s6], $0x100  }
0x2b: {  	[sflag:s6] =	ssyncset.done $0x0  }
0x2c: {  	[sflag:s6] =	ssyncadd.s32 $0xFFFFFF00  }
0x2d: {  	v3 =	vld [tilespmem:$0x0];
	_ =	sdelay $0x4  }
0x2e: {  	v4 =	vshll.u32 v3, $0x2  }
0x2f: {  	v3 =	vand.u32 $0x7, v3;
	v4 =	vand.u32 $0xFFFFFFE0, v4  }
0x30: {  	v3 =	vor.u32 v3, v4  }
0x31: {  	v4 =	vperm.xlane v3, v0;
	_ =	sdelay $0x1  }
0x32: {  	v4 =	vadd.s32 v1, v4;
	_ =	sdelay $0x1  }
0x33: {  	v3 =	vperm.xlane v3, v2;
	_ =	sdelay $0x1  }
0x34: {  	v3 =	vadd.s32 v1, v3  }
0x35: {  	[tilespmem:s7], [sflag:$0x1] =	stream.indirect_vreg.gather [hbm4b:s1+s3], $0x80, v4, vm0, $0xb8;
	[tilespmem:$0x18100] =	vst v63  }
0x36: {  	_ = 	snop  }
0x37: {  	[tilespmem:s8], [sflag:$0x1] =	stream.indirect_vreg.gather [hbm4b:s4+s3], $0x80, v4, vm0, $0xb8;
	[tilespmem:$0x18100] =	vst v63  }
0x38: {  	_ = 	snop  }
0x39: {  	[tilespmem:s9], [sflag:$0x1] =	stream.indirect_vreg.gather [hbm4b:s1+s3], $0x80, v3, vm0, $0xb8;
	[tilespmem:$0x18100] =	vst v63  }
0x3a: {  	_ = 	snop  }
0x3b: {  	[tilespmem:s10], [sflag:$0x1] =	stream.indirect_vreg.gather [hbm4b:s4+s3], $0x80, v3, vm0, $0xb8;
	[tilespmem:$0x18100] =	vst v63  }
0x3c: {  	v3 =	vld [tilespmem:$0x10];
	_ =	sdelay $0x4  }
0x3d: {  	v49 =	vshll.u32 v3, $0x2  }
0x3e: {  	v3 =	vand.u32 $0x7, v3;
	v4 =	vand.u32 $0xFFFFFFE0, v49  }
0x3f: {  	v3 =	vor.u32 v3, v4  }
0x40: {  	v4 =	vperm.xlane v3, v0;
	_ =	sdelay $0x1  }
0x41: {  	v4 =	vadd.s32 v1, v4;
	_ =	sdelay $0x1  }
0x42: {  	v3 =	vperm.xlane v3, v2;
	_ =	sdelay $0x1  }
0x43: {  	v3 =	vadd.s32 v1, v3  }
0x44: {  	[tilespmem:s11], [sflag:$0x1] =	stream.indirect_vreg.gather [hbm4b:s1+s3], $0x80, v4, vm0, $0xb8;
	[tilespmem:$0x18100] =	vst v63  }
0x45: {  	_ = 	snop  }
0x46: {  	[tilespmem:s12], [sflag:$0x1] =	stream.indirect_vreg.gather [hbm4b:s4+s3], $0x80, v4, vm0, $0xb8;
	[tilespmem:$0x18100] =	vst v63  }
0x47: {  	_ = 	snop  }
0x48: {  	[tilespmem:s13], [sflag:$0x1] =	stream.indirect_vreg.gather [hbm4b:s1+s3], $0x80, v3, vm0, $0xb8;
	[tilespmem:$0x18100] =	vst v63  }
0x49: {  	_ = 	snop  }
0x4a: {  	[tilespmem:s14], [sflag:$0x1] =	stream.indirect_vreg.gather [hbm4b:s4+s3], $0x80, v3, vm0, $0xb8;
	[tilespmem:$0x18100] =	vst v63  }
0x4b: {  	v3 =	vld [tilespmem:$0x20];
	_ =	sdelay $0x4  }
0x4c: {  	v50 =	vshll.u32 v3, $0x2  }
0x4d: {  	v3 =	vand.u32 $0x7, v3;
	v4 =	vand.u32 $0xFFFFFFE0, v50  }
0x4e: {  	v3 =	vor.u32 v3, v4  }
0x4f: {  	v4 =	vperm.xlane v3, v0;
	_ =	sdelay $0x1  }
0x50: {  	v4 =	vadd.s32 v1, v4;
	_ =	sdelay $0x1  }
0x51: {  	v3 =	vperm.xlane v3, v2;
	_ =	sdelay $0x1  }
0x52: {  	v3 =	vadd.s32 v1, v3  }
0x53: {  	[tilespmem:s15], [sflag:$0x1] =	stream.indirect_vreg.gather [hbm4b:s1+s3], $0x80, v4, vm0, $0xb8;
	[tilespmem:$0x18100] =	vst v63  }
0x54: {  	_ = 	snop  }
0x55: {  	[tilespmem:s16], [sflag:$0x1] =	stream.indirect_vreg.gather [hbm4b:s4+s3], $0x80, v4, vm0, $0xb8;
	[tilespmem:$0x18100] =	vst v63  }
0x56: {  	_ = 	snop  }
0x57: {  	[tilespmem:s17], [sflag:$0x1] =	stream.indirect_vreg.gather [hbm4b:s1+s3], $0x80, v3, vm0, $0xb8;
	[tilespmem:$0x18100] =	vst v63  }
0x58: {  	_ = 	snop  }
0x59: {  	[tilespmem:s18], [sflag:$0x1] =	stream.indirect_vreg.gather [hbm4b:s4+s3], $0x80, v3, vm0, $0xb8;
	[tilespmem:$0x18100] =	vst v63  }
0x5a: {  	v3 =	vld [tilespmem:$0x30];
	_ =	sdelay $0x4  }
0x5b: {  	v51 =	vshll.u32 v3, $0x2  }
0x5c: {  	v3 =	vand.u32 $0x7, v3;
	v4 =	vand.u32 $0xFFFFFFE0, v51  }
0x5d: {  	v3 =	vor.u32 v3, v4  }
0x5e: {  	v4 =	vperm.xlane v3, v0;
	_ =	sdelay $0x1  }
0x5f: {  	v4 =	vadd.s32 v1, v4;
	_ =	sdelay $0x1  }
0x60: {  	v3 =	vperm.xlane v3, v2;
	_ =	sdelay $0x1  }
0x61: {  	v3 =	vadd.s32 v1, v3  }
0x62: {  	[tilespmem:s19], [sflag:$0x1] =	stream.indirect_vreg.gather [hbm4b:s1+s3], $0x80, v4, vm0, $0xb8;
	[tilespmem:$0x18100] =	vst v63  }
0x63: {  	_ = 	snop  }
0x64: {  	[tilespmem:s20], [sflag:$0x1] =	stream.indirect_vreg.gather [hbm4b:s4+s3], $0x80, v4, vm0, $0xb8;
	[tilespmem:$0x18100] =	vst v63  }
0x65: {  	_ = 	snop  }
0x66: {  	[tilespmem:s21], [sflag:$0x1] =	stream.indirect_vreg.gather [hbm4b:s1+s3], $0x80, v3, vm0, $0xb8;
	[tilespmem:$0x18100] =	vst v63  }
0x67: {  	_ = 	snop  }
0x68: {  	[tilespmem:s22], [sflag:$0x1] =	stream.indirect_vreg.gather [hbm4b:s4+s3], $0x80, v3, vm0, $0xb8;
	[tilespmem:$0x18100] =	vst v63  }
0x69: {  	v3 =	vld [tilespmem:$0x40];
	_ =	sdelay $0x4  }
0x6a: {  	v52 =	vshll.u32 v3, $0x2  }
0x6b: {  	v3 =	vand.u32 $0x7, v3;
	v4 =	vand.u32 $0xFFFFFFE0, v52  }
0x6c: {  	v3 =	vor.u32 v3, v4  }
0x6d: {  	v4 =	vperm.xlane v3, v0;
	_ =	sdelay $0x1  }
0x6e: {  	v4 =	vadd.s32 v1, v4;
	_ =	sdelay $0x1  }
0x6f: {  	v3 =	vperm.xlane v3, v2;
	_ =	sdelay $0x1  }
0x70: {  	v3 =	vadd.s32 v1, v3  }
0x71: {  	[tilespmem:s23], [sflag:$0x2] =	stream.indirect_vreg.gather [hbm4b:s1+s3], $0x80, v4, vm0, $0xb8;
	[tilespmem:$0x18100] =	vst v63  }
0x72: {  	s0 =	rddreg [dreg:$0x9]  }
0x73: {  	[tilespmem:s0], [sflag:$0x2] =	stream.indirect_vreg.gather [hbm4b:s4+s3], $0x80, v4, vm0, $0xb8;
	[tilespmem:$0x18100] =	vst v63  }
0x74: {  	s26 =	rddreg [dreg:$0xa]  }
0x75: {  	[tilespmem:s26], [sflag:$0x2] =	stream.indirect_vreg.gather [hbm4b:s1+s3], $0x80, v3, vm0, $0xb8;
	[tilespmem:$0x18100] =	vst v63  }
0x76: {  	s0 =	rddreg [dreg:$0xb]  }
0x77: {  	[tilespmem:s0], [sflag:$0x2] =	stream.indirect_vreg.gather [hbm4b:s4+s3], $0x80, v3, vm0, $0xb8;
	[tilespmem:$0x18100] =	vst v63  }
0x78: {  	v3 =	vld [tilespmem:$0x50];
	_ =	sdelay $0x4  }
0x79: {  	v53 =	vshll.u32 v3, $0x2  }
0x7a: {  	v3 =	vand.u32 $0x7, v3;
	v4 =	vand.u32 $0xFFFFFFE0, v53  }
0x7b: {  	v3 =	vor.u32 v3, v4  }
0x7c: {  	v4 =	vperm.xlane v3, v0;
	_ =	sdelay $0x1  }
0x7d: {  	v4 =	vadd.s32 v1, v4;
	_ =	sdelay $0x1  }
0x7e: {  	v3 =	vperm.xlane v3, v2;
	_ =	sdelay $0x1  }
0x7f: {  	s0 =	rddreg [dreg:$0xc];
	v3 =	vadd.s32 v1, v3  }
0x80: {  	[tilespmem:s0], [sflag:$0x2] =	stream.indirect_vreg.gather [hbm4b:s1+s3], $0x80, v4, vm0, $0xb8;
	[tilespmem:$0x18100] =	vst v63  }
0x81: {  	s26 =	rddreg [dreg:$0xd]  }
0x82: {  	[tilespmem:s26], [sflag:$0x2] =	stream.indirect_vreg.gather [hbm4b:s4+s3], $0x80, v4, vm0, $0xb8;
	[tilespmem:$0x18100] =	vst v63  }
0x83: {  	s0 =	rddreg [dreg:$0xe]  }
0x84: {  	[tilespmem:s0], [sflag:$0x2] =	stream.indirect_vreg.gather [hbm4b:s1+s3], $0x80, v3, vm0, $0xb8;
	[tilespmem:$0x18100] =	vst v63  }
0x85: {  	s26 =	rddreg [dreg:$0xf]  }
0x86: {  	[tilespmem:s26], [sflag:$0x2] =	stream.indirect_vreg.gather [hbm4b:s4+s3], $0x80, v3, vm0, $0xb8;
	[tilespmem:$0x18100] =	vst v63  }
0x87: {  	v3 =	vld [tilespmem:$0x60];
	_ =	sdelay $0x4  }
0x88: {  	v54 =	vshll.u32 v3, $0x2  }
0x89: {  	v3 =	vand.u32 $0x7, v3;
	v4 =	vand.u32 $0xFFFFFFE0, v54  }
0x8a: {  	v3 =	vor.u32 v3, v4  }
0x8b: {  	v4 =	vperm.xlane v3, v0;
	_ =	sdelay $0x1  }
0x8c: {  	v4 =	vadd.s32 v1, v4;
	_ =	sdelay $0x1  }
0x8d: {  	v3 =	vperm.xlane v3, v2;
	_ =	sdelay $0x1  }
0x8e: {  	s0 =	rddreg [dreg:$0x10];
	v3 =	vadd.s32 v1, v3  }
0x8f: {  	[tilespmem:s0], [sflag:$0x2] =	stream.indirect_vreg.gather [hbm4b:s1+s3], $0x80, v4, vm0, $0xb8;
	[tilespmem:$0x18100] =	vst v63  }
0x90: {  	s26 =	rddreg [dreg:$0x11]  }
0x91: {  	[tilespmem:s26], [sflag:$0x2] =	stream.indirect_vreg.gather [hbm4b:s4+s3], $0x80, v4, vm0, $0xb8;
	[tilespmem:$0x18100] =	vst v63  }
0x92: {  	s0 =	rddreg [dreg:$0x12]  }
0x93: {  	[tilespmem:s0], [sflag:$0x2] =	stream.indirect_vreg.gather [hbm4b:s1+s3], $0x80, v3, vm0, $0xb8;
	[tilespmem:$0x18100] =	vst v63  }
0x94: {  	s26 =	rddreg [dreg:$0x13]  }
0x95: {  	[tilespmem:s26], [sflag:$0x2] =	stream.indirect_vreg.gather [hbm4b:s4+s3], $0x80, v3, vm0, $0xb8;
	[tilespmem:$0x18100] =	vst v63  }
0x96: {  	v3 =	vld [tilespmem:$0x70];
	_ =	sdelay $0x4  }
0x97: {  	v55 =	vshll.u32 v3, $0x2  }
0x98: {  	v3 =	vand.u32 $0x7, v3;
	v4 =	vand.u32 $0xFFFFFFE0, v55  }
0x99: {  	v3 =	vor.u32 v3, v4  }
0x9a: {  	v4 =	vperm.xlane v3, v0;
	_ =	sdelay $0x1  }
0x9b: {  	v4 =	vadd.s32 v1, v4;
	_ =	sdelay $0x1  }
0x9c: {  	v3 =	vperm.xlane v3, v2;
	_ =	sdelay $0x1  }
0x9d: {  	s0 =	rddreg [dreg:$0x14];
	v3 =	vadd.s32 v1, v3  }
0x9e: {  	[tilespmem:s0], [sflag:$0x2] =	stream.indirect_vreg.gather [hbm4b:s1+s3], $0x80, v4, vm0, $0xb8;
	[tilespmem:$0x18100] =	vst v63  }
0x9f: {  	s26 =	rddreg [dreg:$0x15]  }
0xa0: {  	[tilespmem:s26], [sflag:$0x2] =	stream.indirect_vreg.gather [hbm4b:s4+s3], $0x80, v4, vm0, $0xb8;
	[tilespmem:$0x18100] =	vst v63  }
0xa1: {  	s0 =	rddreg [dreg:$0x16]  }
0xa2: {  	[tilespmem:s0], [sflag:$0x2] =	stream.indirect_vreg.gather [hbm4b:s1+s3], $0x80, v3, vm0, $0xb8;
	[tilespmem:$0x18100] =	vst v63  }
0xa3: {  	s26 =	rddreg [dreg:$0x17]  }
0xa4: {  	[tilespmem:s26], [sflag:$0x2] =	stream.indirect_vreg.gather [hbm4b:s4+s3], $0x80, v3, vm0, $0xb8;
	[tilespmem:$0x18100] =	vst v63  }
0xa5: {  	_ =	swait.ge [sflag:s24], $0x8000  }
0xa6: {  	[sflag:s24] =	ssyncset.done $0x0  }
0xa7: {  	s26 =	rddreg [dreg:$0x5];
	[sflag:s24] =	ssyncadd.s32 $0xFFFF8000  }
0xa8: {  	[hbm4b:s26+s3] =	stream.linear.scatter [tilespmem:s7], [sflag:$0x4], $0x8000, $0x38;
	[tilespmem:$0x18100] =	vst v63  }
0xa9: {  	v3 =	vld [tilespmem:$0x80];
	_ =	sdelay $0x4  }
0xaa: {  	v56 =	vshll.u32 v3, $0x2  }
0xab: {  	v3 =	vand.u32 $0x7, v3;
	v4 =	vand.u32 $0xFFFFFFE0, v56  }
0xac: {  	v3 =	vor.u32 v3, v4  }
0xad: {  	v4 =	vperm.xlane v3, v0;
	_ =	sdelay $0x1  }
0xae: {  	v4 =	vadd.s32 v1, v4;
	_ =	sdelay $0x1  }
0xaf: {  	v3 =	vperm.xlane v3, v2;
	_ =	sdelay $0x1  }
0xb0: {  	v3 =	vadd.s32 v1, v3  }
0xb1: {  	[tilespmem:s25], [sflag:$0x3] =	stream.indirect_vreg.gather [hbm4b:s1+s3], $0x80, v4, vm0, $0xb8;
	[tilespmem:$0x18100] =	vst v63  }
0xb2: {  	s0 =	rddreg [dreg:$0x18]  }
0xb3: {  	[tilespmem:s0], [sflag:$0x3] =	stream.indirect_vreg.gather [hbm4b:s4+s3], $0x80, v4, vm0, $0xb8;
	[tilespmem:$0x18100] =	vst v63  }
0xb4: {  	s26 =	rddreg [dreg:$0x19]  }
0xb5: {  	[tilespmem:s26], [sflag:$0x3] =	stream.indirect_vreg.gather [hbm4b:s1+s3], $0x80, v3, vm0, $0xb8;
	[tilespmem:$0x18100] =	vst v63  }
0xb6: {  	s0 =	rddreg [dreg:$0x1a]  }
0xb7: {  	[tilespmem:s0], [sflag:$0x3] =	stream.indirect_vreg.gather [hbm4b:s4+s3], $0x80, v3, vm0, $0xb8;
	[tilespmem:$0x18100] =	vst v63  }
0xb8: {  	v3 =	vld [tilespmem:$0x90];
	_ =	sdelay $0x4  }
0xb9: {  	v57 =	vshll.u32 v3, $0x2  }
0xba: {  	v3 =	vand.u32 $0x7, v3;
	v4 =	vand.u32 $0xFFFFFFE0, v57  }
0xbb: {  	v3 =	vor.u32 v3, v4  }
0xbc: {  	v4 =	vperm.xlane v3, v0;
	_ =	sdelay $0x1  }
0xbd: {  	v4 =	vadd.s32 v1, v4;
	_ =	sdelay $0x1  }
0xbe: {  	v3 =	vperm.xlane v3, v2;
	_ =	sdelay $0x1  }
0xbf: {  	s0 =	rddreg [dreg:$0x1b];
	v3 =	vadd.s32 v1, v3  }
0xc0: {  	[tilespmem:s0], [sflag:$0x3] =	stream.indirect_vreg.gather [hbm4b:s1+s3], $0x80, v4, vm0, $0xb8;
	[tilespmem:$0x18100] =	vst v63  }
0xc1: {  	s26 =	rddreg [dreg:$0x1c]  }
0xc2: {  	[tilespmem:s26], [sflag:$0x3] =	stream.indirect_vreg.gather [hbm4b:s4+s3], $0x80, v4, vm0, $0xb8;
	[tilespmem:$0x18100] =	vst v63  }
0xc3: {  	s0 =	rddreg [dreg:$0x1d]  }
0xc4: {  	[tilespmem:s0], [sflag:$0x3] =	stream.indirect_vreg.gather [hbm4b:s1+s3], $0x80, v3, vm0, $0xb8;
	[tilespmem:$0x18100] =	vst v63  }
0xc5: {  	s26 =	rddreg [dreg:$0x1e]  }
0xc6: {  	[tilespmem:s26], [sflag:$0x3] =	stream.indirect_vreg.gather [hbm4b:s4+s3], $0x80, v3, vm0, $0xb8;
	[tilespmem:$0x18100] =	vst v63  }
0xc7: {  	v3 =	vld [tilespmem:$0xA0];
	_ =	sdelay $0x4  }
0xc8: {  	v58 =	vshll.u32 v3, $0x2  }
0xc9: {  	v3 =	vand.u32 $0x7, v3;
	v4 =	vand.u32 $0xFFFFFFE0, v58  }
0xca: {  	v3 =	vor.u32 v3, v4  }
0xcb: {  	v4 =	vperm.xlane v3, v0;
	_ =	sdelay $0x1  }
0xcc: {  	v4 =	vadd.s32 v1, v4;
	_ =	sdelay $0x1  }
0xcd: {  	v3 =	vperm.xlane v3, v2  }
0xce: {  	s0 =	rddreg [dreg:$0x1f]  }
0xcf: {  	s26 =	sld [smem:$0x7F8];
	v3 =	vadd.s32 v1, v3  }
0xd0: {  	[tilespmem:s0], [sflag:$0x3] =	stream.indirect_vreg.gather [hbm4b:s1+s3], $0x80, v4, vm0, $0xb8;
	[tilespmem:$0x18100] =	vst v63  }
0xd1: {  	s0 =	sld [smem:$0x7F9]  }
0xd2: {  	[tilespmem:s26], [sflag:$0x3] =	stream.indirect_vreg.gather [hbm4b:s4+s3], $0x80, v4, vm0, $0xb8;
	[tilespmem:$0x18100] =	vst v63  }
0xd3: {  	s26 =	sld [smem:$0x7FA]  }
0xd4: {  	[tilespmem:s0], [sflag:$0x3] =	stream.indirect_vreg.gather [hbm4b:s1+s3], $0x80, v3, vm0, $0xb8;
	[tilespmem:$0x18100] =	vst v63  }
0xd5: {  	_ = 	snop  }
0xd6: {  	[tilespmem:s26], [sflag:$0x3] =	stream.indirect_vreg.gather [hbm4b:s4+s3], $0x80, v3, vm0, $0xb8;
	[tilespmem:$0x18100] =	vst v63  }
0xd7: {  	v3 =	vld [tilespmem:$0xB0];
	_ =	sdelay $0x4  }
0xd8: {  	v59 =	vshll.u32 v3, $0x2  }
0xd9: {  	v3 =	vand.u32 $0x7, v3;
	v4 =	vand.u32 $0xFFFFFFE0, v59  }
0xda: {  	v3 =	vor.u32 v3, v4  }
0xdb: {  	v4 =	vperm.xlane v3, v0;
	_ =	sdelay $0x1  }
0xdc: {  	v4 =	vadd.s32 v1, v4;
	_ =	sdelay $0x1  }
0xdd: {  	s0 =	sld [smem:$0x7FB];
	v3 =	vperm.xlane v3, v2;
	_ =	sdelay $0x1  }
0xde: {  	s26 =	sld [smem:$0x7FC];
	v3 =	vadd.s32 v1, v3  }
0xdf: {  	[tilespmem:s0], [sflag:$0x3] =	stream.indirect_vreg.gather [hbm4b:s1+s3], $0x80, v4, vm0, $0xb8;
	[tilespmem:$0x18100] =	vst v63  }
0xe0: {  	s0 =	sld [smem:$0x7FD]  }
0xe1: {  	[tilespmem:s26], [sflag:$0x3] =	stream.indirect_vreg.gather [hbm4b:s4+s3], $0x80, v4, vm0, $0xb8;
	[tilespmem:$0x18100] =	vst v63  }
0xe2: {  	_ = 	snop  }
0xe3: {  	[tilespmem:s0], [sflag:$0x3] =	stream.indirect_vreg.gather [hbm4b:s1+s3], $0x80, v3, vm0, $0xb8;
	[tilespmem:$0x18100] =	vst v63  }
0xe4: {  	s26 =	simm.s32 $0x17900  }
0xe5: {  	[tilespmem:s26], [sflag:$0x3] =	stream.indirect_vreg.gather [hbm4b:s4+s3], $0x80, v3, vm0, $0xb8;
	[tilespmem:$0x18100] =	vst v63  }
0xe6: {  	_ =	swait.ge [sflag:s28], $0x8000  }
0xe7: {  	[sflag:s28] =	ssyncset.done $0x0  }
0xe8: {  	s26 =	rddreg [dreg:$0x6];
	[sflag:s28] =	ssyncadd.s32 $0xFFFF8000  }
0xe9: {  	[hbm4b:s26+s3] =	stream.linear.scatter [tilespmem:s23], [sflag:$0x5], $0x8000, $0x38;
	[tilespmem:$0x18100] =	vst v63  }
0xea: {  	_ =	swait.ge [sflag:s29], $0x8000  }
0xeb: {  	[sflag:s29] =	ssyncset.done $0x0  }
0xec: {  	[sflag:s29] =	ssyncadd.s32 $0xFFFF8000  }
0xed: {  	v3 =	vld [tilespmem:$0xC0];
	_ =	sdelay $0x4  }
0xee: {  	v60 =	vshll.u32 v3, $0x2  }
0xef: {  	v3 =	vand.u32 $0x7, v3;
	v4 =	vand.u32 $0xFFFFFFE0, v60  }
0xf0: {  	v3 =	vor.u32 v3, v4  }
0xf1: {  	v4 =	vperm.xlane v3, v0;
	_ =	sdelay $0x1  }
0xf2: {  	v4 =	vadd.s32 v1, v4;
	_ =	sdelay $0x1  }
0xf3: {  	v3 =	vperm.xlane v3, v2;
	_ =	sdelay $0x1  }
0xf4: {  	v3 =	vadd.s32 v1, v3  }
0xf5: {  	[tilespmem:s7], [sflag:$0x1] =	stream.indirect_vreg.gather [hbm4b:s1+s3], $0x80, v4, vm0, $0xb8;
	[tilespmem:$0x18100] =	vst v63  }
0xf6: {  	_ = 	snop  }
0xf7: {  	[tilespmem:s8], [sflag:$0x1] =	stream.indirect_vreg.gather [hbm4b:s4+s3], $0x80, v4, vm0, $0xb8;
	[tilespmem:$0x18100] =	vst v63  }
0xf8: {  	_ = 	snop  }
0xf9: {  	[tilespmem:s9], [sflag:$0x1] =	stream.indirect_vreg.gather [hbm4b:s1+s3], $0x80, v3, vm0, $0xb8;
	[tilespmem:$0x18100] =	vst v63  }
0xfa: {  	_ = 	snop  }
0xfb: {  	[tilespmem:s10], [sflag:$0x1] =	stream.indirect_vreg.gather [hbm4b:s4+s3], $0x80, v3, vm0, $0xb8;
	[tilespmem:$0x18100] =	vst v63  }
0xfc: {  	v3 =	vld [tilespmem:$0xD0];
	_ =	sdelay $0x4  }
0xfd: {  	v61 =	vshll.u32 v3, $0x2  }
0xfe: {  	v3 =	vand.u32 $0x7, v3;
	v4 =	vand.u32 $0xFFFFFFE0, v61  }
0xff: {  	v3 =	vor.u32 v3, v4  }
0x100: {  	v4 =	vperm.xlane v3, v0;
	_ =	sdelay $0x1  }
0x101: {  	v4 =	vadd.s32 v1, v4;
	_ =	sdelay $0x1  }
0x102: {  	v3 =	vperm.xlane v3, v2;
	_ =	sdelay $0x1  }
0x103: {  	v3 =	vadd.s32 v1, v3  }
0x104: {  	[tilespmem:s11], [sflag:$0x1] =	stream.indirect_vreg.gather [hbm4b:s1+s3], $0x80, v4, vm0, $0xb8;
	[tilespmem:$0x18100] =	vst v63  }
0x105: {  	_ = 	snop  }
0x106: {  	[tilespmem:s12], [sflag:$0x1] =	stream.indirect_vreg.gather [hbm4b:s4+s3], $0x80, v4, vm0, $0xb8;
	[tilespmem:$0x18100] =	vst v63  }
0x107: {  	_ = 	snop  }
0x108: {  	[tilespmem:s13], [sflag:$0x1] =	stream.indirect_vreg.gather [hbm4b:s1+s3], $0x80, v3, vm0, $0xb8;
	[tilespmem:$0x18100] =	vst v63  }
0x109: {  	_ = 	snop  }
0x10a: {  	[tilespmem:s14], [sflag:$0x1] =	stream.indirect_vreg.gather [hbm4b:s4+s3], $0x80, v3, vm0, $0xb8;
	[tilespmem:$0x18100] =	vst v63  }
0x10b: {  	v3 =	vld [tilespmem:$0xE0];
	_ =	sdelay $0x4  }
0x10c: {  	v62 =	vshll.u32 v3, $0x2  }
0x10d: {  	v3 =	vand.u32 $0x7, v3;
	v4 =	vand.u32 $0xFFFFFFE0, v62  }
0x10e: {  	v3 =	vor.u32 v3, v4  }
0x10f: {  	v4 =	vperm.xlane v3, v0;
	_ =	sdelay $0x1  }
0x110: {  	v4 =	vadd.s32 v1, v4;
	_ =	sdelay $0x1  }
0x111: {  	v3 =	vperm.xlane v3, v2;
	_ =	sdelay $0x1  }
0x112: {  	v3 =	vadd.s32 v1, v3  }
0x113: {  	[tilespmem:s15], [sflag:$0x1] =	stream.indirect_vreg.gather [hbm4b:s1+s3], $0x80, v4, vm0, $0xb8;
	[tilespmem:$0x18100] =	vst v63  }
0x114: {  	_ = 	snop  }
0x115: {  	[tilespmem:s16], [sflag:$0x1] =	stream.indirect_vreg.gather [hbm4b:s4+s3], $0x80, v4, vm0, $0xb8;
	[tilespmem:$0x18100] =	vst v63  }
0x116: {  	_ = 	snop  }
0x117: {  	[tilespmem:s17], [sflag:$0x1] =	stream.indirect_vreg.gather [hbm4b:s1+s3], $0x80, v3, vm0, $0xb8;
	[tilespmem:$0x18100] =	vst v63  }
0x118: {  	_ = 	snop  }
0x119: {  	[tilespmem:s18], [sflag:$0x1] =	stream.indirect_vreg.gather [hbm4b:s4+s3], $0x80, v3, vm0, $0xb8;
	[tilespmem:$0x18100] =	vst v63  }
0x11a: {  	v3 =	vld [tilespmem:$0xF0];
	_ =	sdelay $0x4  }
0x11b: {  	v63 =	vshll.u32 v3, $0x2  }
0x11c: {  	v3 =	vand.u32 $0x7, v3;
	v4 =	vand.u32 $0xFFFFFFE0, v63  }
0x11d: {  	v3 =	vor.u32 v3, v4  }
0x11e: {  	v4 =	vperm.xlane v3, v0;
	_ =	sdelay $0x1  }
0x11f: {  	v4 =	vadd.s32 v1, v4;
	_ =	sdelay $0x1  }
0x120: {  	v3 =	vperm.xlane v3, v2;
	_ =	sdelay $0x1  }
0x121: {  	v3 =	vadd.s32 v1, v3  }
0x122: {  	[tilespmem:s19], [sflag:$0x1] =	stream.indirect_vreg.gather [hbm4b:s1+s3], $0x80, v4, vm0, $0xb8;
	[tilespmem:$0x18100] =	vst v63  }
0x123: {  	_ = 	snop  }
0x124: {  	[tilespmem:s20], [sflag:$0x1] =	stream.indirect_vreg.gather [hbm4b:s4+s3], $0x80, v4, vm0, $0xb8;
	[tilespmem:$0x18100] =	vst v63  }
0x125: {  	_ = 	snop  }
0x126: {  	[tilespmem:s21], [sflag:$0x1] =	stream.indirect_vreg.gather [hbm4b:s1+s3], $0x80, v3, vm0, $0xb8;
	[tilespmem:$0x18100] =	vst v63  }
0x127: {  	_ = 	snop  }
0x128: {  	[tilespmem:s22], [sflag:$0x1] =	stream.indirect_vreg.gather [hbm4b:s4+s3], $0x80, v3, vm0, $0xb8;
	[tilespmem:$0x18100] =	vst v63  }
0x129: {  	_ =	swait.ge [sflag:s30], $0x8000  }
0x12a: {  	[sflag:s30] =	ssyncset.done $0x0  }
0x12b: {  	s26 =	rddreg [dreg:$0x7];
	[sflag:s30] =	ssyncadd.s32 $0xFFFF8000  }
0x12c: {  	[hbm4b:s26+s3] =	stream.linear.scatter [tilespmem:s25], [sflag:$0x6], $0x8000, $0x38;
	[tilespmem:$0x18100] =	vst v63  }
0x12d: {  	_ =	swait.ge [sflag:s24], $0x8000  }
0x12e: {  	[sflag:s24] =	ssyncset.done $0x0  }
0x12f: {  	s26 =	rddreg [dreg:$0x8];
	[sflag:s24] =	ssyncadd.s32 $0xFFFF8000  }
0x130: {  	[hbm4b:s26+s3] =	stream.linear.scatter [tilespmem:s7], [sflag:$0x4], $0x8000, $0x38;
	[tilespmem:$0x18100] =	vst v63  }
0x131: {  	_ =	swait.ge [sflag:s31], $0x8000  }
0x132: {  	[sflag:s31] =	ssyncset.done $0x0  }
0x133: {  	[sflag:s31] =	ssyncadd.s32 $0xFFFF8000  }
0x134: {  	p0 =	sne.s32 s5, $0x1;
	_ =	swait.ge [sflag:s2], $0x8000  }
.Ltmp0:
0x135: {  	[sflag:s2] =	ssyncset.done $0x0;
	(pc) =	sbr.rel @p0 .LBB2_1-.Ltmp0, $4  }
0x136: {  	[sflag:s2] =	ssyncadd.s32 $0xFFFF8000  }
0x137: {  	_ =	swait.ge [sflag:s29], $0x8000  }
0x138: {  	[sflag:s29] =	ssyncset.done $0x0  }
0x139: {  	s5 =	sadd.s32 $0xFFFFFFFF, s5;
	[sflag:s29] =	ssyncadd.s32 $0xFFFF8000  }
0x13a: {  	_ =	sfence.sel $0x180000  }
0x13b: {  	[bflag:$0x0] =	sbarrier.arrive $0xFFFF  }
0x13c: {  	_ =	strace $0x9000004A  }
0x13d: {  	s0 =	stileid.u32;
	[bflag:$0x2] =	sbarrier.arrive $0xFFFF  }
0x13e: {  	p0 =	sne.s32 s0, $0x0;
	s0 =	rddreg [dreg:$0x3]  }
0x13f: {  	s0 =	sadd.s32 @!p0 $0x100000, s0  }
0x140: {  	[sflag:s0] =	ssyncadd.tile.s32 @!p0 $0x1;
	_ =	shalt  }
.Lfunc_end2:
_tile_overlayer_lowered:
.L_overlay_start_2:
0x141: {  	(tag) =	ssettag $0x2  }
0x142: {  	s0 =	rddreg [dreg:$0x0];
	s2 =	stileid.u32  }
0x143: {  	s1 =	rddreg [dreg:$0x1];
	p0 =	sne.s32 s2, $0x0  }
0x144: {  	s3 =	rddreg [dreg:$0x2];
	[bflag:$0x3] =	sbarrier.arrive $0xFFFF;
	s2 =	simm.s32 @!p0 $0x1C07  }
0x145: {  	[timem:s3], [sflag:s2] =	dma.local @!p0 [hbm:s0], s1  }
0x146: {  	s0 =	simm.s32 @!p0 $0x7  }
0x147: {  	_ =	swait.ge @!p0 [sflag:s0], s1  }
0x148: {  	s1 =	ssub.s32 @!p0 $0x0, s1;
	[sflag:s0] =	ssyncset.done @!p0 $0x0  }
0x149: {  	[sflag:s0] =	ssyncadd.s32 @!p0 s1  }
0x14a: {  	[bflag:$0x3] =	sbarrier.arrive $0xFFFF  }
0x14b: {  	_ =	shalt  }

</sc_bundles>
